<compile_context>
chip_gen: v7x
topology: tpu7x:2x2x1
jax: 0.10.2.dev20260603
libtpu: 0.0.44.dev20260713+nightly
codegen_flags: <defaults>
</compile_context>

<pallas_src>
import functools
import math

import jax
import jax.numpy as jnp
from jax import lax
from jax.experimental import pallas as pl
from jax.experimental.pallas import tpu as pltpu
from jax.experimental.pallas import tpu_sc as plsc

_TOPK_FRAC = 0.05


def _dot3(a, b, contract):
    dims = (contract, ((), ()))
    a_hi = a.astype(jnp.bfloat16)
    a_lo = (a - a_hi.astype(jnp.float32)).astype(jnp.bfloat16)
    b_hi = b.astype(jnp.bfloat16)
    b_lo = (b - b_hi.astype(jnp.float32)).astype(jnp.bfloat16)
    f32 = jnp.float32
    return (jax.lax.dot_general(a_hi, b_hi, dims, preferred_element_type=f32)
            + jax.lax.dot_general(a_hi, b_lo, dims, preferred_element_type=f32)
            + jax.lax.dot_general(a_lo, b_hi, dims, preferred_element_type=f32))


def _score_body(q_ref, k_ref, o_ref):
    q_bin = jnp.sign(q_ref[0]).astype(jnp.bfloat16)
    k_bin = jnp.sign(k_ref[0]).astype(jnp.bfloat16)
    o_ref[0] = jax.lax.dot_general(
        q_bin, k_bin, (((1,), (1,)), ((), ())),
        preferred_element_type=jnp.float32)


def _make_sc_select(NQ, S, D, k_top):
    NW = 32
    RB = 16
    rows_per_w = NQ // NW
    blocks_per_w = rows_per_w // RB
    NB = 129
    kf = float(k_top)

    mesh = plsc.VectorSubcoreMesh(core_axis_name="c", subcore_axis_name="s")
    MAGIC = 8388608.0

    def f2i(xf):
        return plsc.bitcast(xf + MAGIC, jnp.int32) & 0x7FFFFF

    def i2f(xi):
        return plsc.bitcast(xi | 0x4B000000, jnp.float32) - MAGIC

    NQTR = 4
    QW = S // NQTR

    @functools.partial(
        pl.kernel, mesh=mesh,
        out_type=jax.ShapeDtypeStruct((NQ,), jnp.float32),
        compiler_params=pltpu.CompilerParams(needs_layout_passes=False),
        scratch_types=[
            pltpu.VMEM((RB, S), jnp.float32),
            pltpu.VMEM((NB * NQTR * 16,), jnp.float32),
            pltpu.VMEM((16,), jnp.float32),
        ],
    )
    def sc_select(scores_hbm, out_hbm, rowbuf, hist, tbuf):
        wid = lax.axis_index("s") * 2 + lax.axis_index("c")
        lane = lax.broadcasted_iota(jnp.int32, (16,), 0)
        lane_f = i2f(lane)
        zeros = jnp.zeros((16,), jnp.float32)
        ones = jnp.ones((16,), jnp.float32)

        def block_fn(b, _):
            rbase = wid * rows_per_w + b * RB
            pltpu.sync_copy(scores_hbm.at[pl.ds(rbase, RB)], rowbuf)

            @plsc.parallel_loop(0, NB * NQTR, unroll=8)
            def _clr(i):
                hist[pl.ds(i * 16, 16)] = zeros

            for qq in range(NQTR):
                cq = (float(D * NQTR * 16 + qq * 16) + lane_f + MAGIC)

                @plsc.parallel_loop(0, QW, unroll=8,
                                    carry=jnp.full((16,), qq * QW,
                                                   jnp.int32))
                def _p1(i, jcol, cq=cq):
                    x = plsc.load_gather(rowbuf, [lane, jcol])
                    idx = plsc.bitcast(x * float(NQTR * 16) + cq,
                                       jnp.int32) & 0x7FFFFF
                    plsc.addupdate_scatter(hist, [idx], ones)
                    return jcol + 1

            def scan_fn(i, carry):
                acc, s_star, n_gt, found, bkt_f = carry
                bkt = NB - 1 - i
                h_b = (hist[pl.ds(bkt * (NQTR * 16), 16)]
                       + hist[pl.ds(bkt * (NQTR * 16) + 16, 16)]
                       + hist[pl.ds(bkt * (NQTR * 16) + 32, 16)]
                       + hist[pl.ds(bkt * (NQTR * 16) + 48, 16)])
                acc2 = acc + h_b
                newly = (acc2 >= kf) & (found == 0.0)
                s_star = jnp.where(newly, bkt_f, s_star)
                n_gt = jnp.where(newly, acc, n_gt)
                found = jnp.where(newly, ones, found)
                return acc2, s_star, n_gt, found, bkt_f - 1.0
            _, s_star, n_gt, _, _ = lax.fori_loop(
                0, NB, scan_fn,
                (zeros, zeros, zeros, zeros,
                 jnp.full((16,), float(NB - 1), jnp.float32)),
                unroll=4)
            s_star_sc = s_star - float(D)
            need = kf - n_gt

            base = lax.shift_left(f2i(s_star), 6) + lane
            q0 = plsc.load_gather(hist, [base])
            q1 = plsc.load_gather(hist, [base + 16])
            q2 = plsc.load_gather(hist, [base + 32])
            c1 = q0 + q1
            c2 = c1 + q2
            ge0 = q0 >= need
            ge1 = c1 >= need
            ge2 = c2 >= need
            qf = jnp.where(ge0, 0.0,
                           jnp.where(ge1, 1.0, jnp.where(ge2, 2.0, 3.0)))
            sub = jnp.where(ge0, zeros,
                            jnp.where(ge1, q0, jnp.where(ge2, c1, c2)))
            need2 = need - sub
            jf0 = qf * float(QW)
            jcol0 = f2i(jf0)

            @plsc.parallel_loop(0, QW, unroll=8,
                                carry=(zeros, zeros, jf0, jcol0))
            def _p2(i, carry):
                run, idx_cut, j_f, jcol = carry
                x = plsc.load_gather(rowbuf, [lane, jcol])
                m = x == s_star_sc
                run2 = run + jnp.where(m, 1.0, 0.0)
                hit = m & (run2 == need2)
                idx_cut = jnp.where(hit, j_f, idx_cut)
                return run2, idx_cut, j_f + 1.0, jcol + 1
            _, idx_cut, _, _ = _p2

            tbuf[...] = (s_star_sc * float(S)
                         + (float(S - 1) - idx_cut))
            pltpu.sync_copy(tbuf, out_hbm.at[pl.ds(rbase, RB)])
            return 0

        lax.fori_loop(0, blocks_per_w, block_fn, 0)

    return sc_select


def _attn_body(q_ref, k_ref, v_ref, t_ref, o_ref, *, S, D):
    q = q_ref[0]
    k = k_ref[0]
    v = v_ref[0]
    thr = t_ref[0]

    q_bin = jnp.sign(q).astype(jnp.bfloat16)
    k_bin = jnp.sign(k).astype(jnp.bfloat16)
    s_int = jax.lax.dot_general(
        q_bin, k_bin, (((1,), (1,)), ((), ())),
        preferred_element_type=jnp.float32)
    col = jax.lax.broadcasted_iota(jnp.int32, s_int.shape, 1).astype(
        jnp.float32)
    ckey = s_int * float(S) + (float(S - 1) - col)
    mask = ckey >= thr

    ps = _dot3(q, k, ((1,), (1,))) * (1.0 / math.sqrt(D))
    psm = jnp.where(mask, ps, -jnp.inf)
    m = jnp.max(psm, axis=1, keepdims=True)
    e = jnp.exp(psm - m)
    denom = jnp.sum(e, axis=1, keepdims=True)
    out = _dot3(e, v, ((1,), (0,))) / denom
    o_ref[0] = out


def kernel(q, k, v):
    B, H, S, D = q.shape
    k_top = max(1, int(S * _TOPK_FRAC))
    BQ = 256
    BH = B * H
    NQ = BH * S
    qr = q.reshape(BH, S, D)
    kr = k.reshape(BH, S, D)
    vr = v.reshape(BH, S, D)
    grid = (BH, S // BQ)

    scores = pl.pallas_call(
        _score_body,
        grid=grid,
        in_specs=[
            pl.BlockSpec((1, BQ, D), lambda h, i: (h, i, 0)),
            pl.BlockSpec((1, S, D), lambda h, i: (h, 0, 0)),
        ],
        out_specs=pl.BlockSpec((1, BQ, S), lambda h, i: (h, i, 0)),
        out_shape=jax.ShapeDtypeStruct((BH, S, S), jnp.float32),
        compiler_params=pltpu.CompilerParams(
            dimension_semantics=("arbitrary", "arbitrary")),
    )(qr, kr)

    HH = BH // 2
    s2 = scores.reshape(NQ, S)
    sc_sel = _make_sc_select(NQ // 2, S, D, k_top)
    thr_a = sc_sel(s2[: NQ // 2])
    thr_b = sc_sel(s2[NQ // 2:])

    def attn_half(qh, kh, vh, thr):
        gridh = (HH, S // BQ)
        thr3 = thr.reshape(HH * (S // BQ), BQ, 1)
        return pl.pallas_call(
            functools.partial(_attn_body, S=S, D=D),
            grid=gridh,
            in_specs=[
                pl.BlockSpec((1, BQ, D), lambda h, i: (h, i, 0)),
                pl.BlockSpec((1, S, D), lambda h, i: (h, 0, 0)),
                pl.BlockSpec((1, S, D), lambda h, i: (h, 0, 0)),
                pl.BlockSpec((1, BQ, 1),
                             lambda h, i: (h * (S // BQ) + i, 0, 0)),
            ],
            out_specs=pl.BlockSpec((1, BQ, D), lambda h, i: (h, i, 0)),
            out_shape=jax.ShapeDtypeStruct((HH, S, D), jnp.float32),
            compiler_params=pltpu.CompilerParams(
                dimension_semantics=("arbitrary", "arbitrary")),
        )(qh, kh, vh, thr3)

    out_a = attn_half(qr[:HH], kr[:HH], vr[:HH], thr_a)
    out_b = attn_half(qr[HH:], kr[HH:], vr[HH:], thr_b)
    out = jnp.concatenate([out_a, out_b], axis=0)
    return out.reshape(B, H, S, D)

# --- scband reference (transcript-rebuilt; emitter-appended) ---
"""Pipeline reference for scband-binary-approximate-attention-62947040690319 (READ-ONLY COPY).

The authoritative reference and input builder live on the scoring server;
editing this copy changes nothing except your own understanding.
"""

import jax, jax.numpy as jnp
import numpy as np
import math

TOP_K_FRACTION = 0.05

def setup_inputs(seed: int = 0) -> dict:
    key = jax.random.key(seed)
    kq, kk, kv = jax.random.split(key, 3)
    B, H, S, D = 1, 12, 2048, 64
    q = jax.random.normal(kq, (B, H, S, D), dtype=jnp.float32)
    k = jax.random.normal(kk, (B, H, S, D), dtype=jnp.float32)
    v = jax.random.normal(kv, (B, H, S, D), dtype=jnp.float32)
    return {"q": q, "k": k, "v": v}

def reference(q, k, v):
    B, H, S, D = q.shape
    # binary (sign) approximate scores; sign is detached in the original
    q_bin = jax.lax.stop_gradient(jnp.sign(q))
    k_bin = jax.lax.stop_gradient(jnp.sign(k))
    approx_scores = jnp.einsum('bhsd,bhtd->bhst', q_bin, k_bin) / D
    k_precise = max(1, int(S * TOP_K_FRACTION))
    topk_vals, topk_idx = jax.lax.top_k(approx_scores, k_precise)  # [B,H,S,k]
    # gather k/v rows per query along the key/seq axis
    idx = topk_idx[..., None]  # [B,H,S,k,1]
    k_exp = k[:, :, None, :, :]  # [B,H,1,S,D]
    v_exp = v[:, :, None, :, :]
    k_gathered = jnp.take_along_axis(k_exp, idx, axis=3)  # [B,H,S,k,D]
    v_gathered = jnp.take_along_axis(v_exp, idx, axis=3)  # [B,H,S,k,D]
    precise_scores = jnp.einsum('bhsd,bhskd->bhsk', q, k_gathered) / math.sqrt(D)
    precise_probs = jax.nn.softmax(precise_scores, axis=-1)
    attn_output = jnp.einsum('bhsk,bhskd->bhsd', precise_probs, v_gathered)
    return attn_output

if __name__ == "__main__":
    import jax
    _d = setup_inputs()
    print(jax.jit(kernel)(*tuple(_d.values())))

</pallas_src>

<mosaic_0001>
#map = affine_map<(d0, d1) -> (0, 0)>
#map1 = affine_map<(d0, d1) -> (0)>
module attributes {stable_mosaic.version = 14 : i64} {
  func.func @sc_select(%arg0: i32, %arg1: i32, %arg2: memref<12288x2048xf32, #tpu.memory_space<hbm>>, %arg3: memref<12288xf32, #tpu.memory_space<hbm>>, %arg4: memref<16x2048xf32, #tpu.memory_space<vmem>>, %arg5: memref<8256xf32, #tpu.memory_space<vmem>>, %arg6: memref<16xf32, #tpu.memory_space<vmem>>) attributes {dimension_semantics = [#tpu.dimension_semantics<core_parallel>, #tpu.dimension_semantics<subcore_parallel>], iteration_bounds = array<i64: 2, 16>, scalar_prefetch = 0 : i64, scratch_operands = 3 : i64, tpu.core_type = #tpu.core_type<sc_vector_subcore>, window_params = [{transform_indices = #map}, {transform_indices = #map1}]} {
    %mul3A = arith.constant 2 : i32
    %mul3A_0 = arith.muli %arg1, %mul3A : i32
    %add3A = arith.addi %mul3A_0, %arg0 : i32
    %iota3A = tpu.iota {dimensions = array<i32: 0>} : vector<16xi32>
    %or3A = arith.constant 1258291200 : i32
    %or3A_1 = vector.broadcast %or3A : i32 to vector<16xi32>
    %or3A_2 = arith.ori %iota3A, %or3A_1 : vector<16xi32>
    %bitcast3A = vector.bitcast %or3A_2 : vector<16xi32> to vector<16xf32>
    %sub3A = arith.constant 0x4B000000 : f32
    %sub3A_3 = vector.broadcast %sub3A : f32 to vector<16xf32>
    %sub3A_4 = arith.subf %bitcast3A, %sub3A_3 : vector<16xf32>
    %broadcast_in_dim3A = arith.constant 0.000000e+00 : f32
    %broadcast_in_dim3A_5 = vector.broadcast %broadcast_in_dim3A : f32 to vector<16xf32>
    %broadcast_in_dim3A_6 = arith.constant 1.000000e+00 : f32
    %broadcast_in_dim3A_7 = vector.broadcast %broadcast_in_dim3A_6 : f32 to vector<16xf32>
    %scan3A = arith.constant 0 : i32
    %scan3A_8 = arith.constant 0 : i32
    %scan3A_9 = arith.constant 24 : i32
    %scan3A_10 = arith.addi %scan3A_8, %scan3A_9 : i32
    %scan3A_11 = arith.constant 1 : i32
    %scan3A_12 = scf.for %scan3A_14 = %scan3A_8 to %scan3A_10 step %scan3A_11 iter_args(%scan3A_15 = %scan3A) -> (i32)  : i32 {
      %mul3A_16 = arith.constant 384 : i32
      %mul3A_17 = arith.muli %add3A, %mul3A_16 : i32
      %mul3A_18 = arith.constant 16 : i32
      %mul3A_19 = arith.muli %scan3A_14, %mul3A_18 : i32
      %add3A_20 = arith.addi %mul3A_17, %mul3A_19 : i32
      "tpu.region"() ({
        %run_scoped3A = tpu.sem_alloc : memref<!tpu.dma_semaphore, #tpu.memory_space<semaphore_mem>>
        %dma_start3A = arith.constant 0 : i32
        %dma_start3A_183 = tpu.memref_slice %arg2[%add3A_20, %dma_start3A] : memref<12288x2048xf32, #tpu.memory_space<hbm>> -> memref<16x2048xf32, #tpu.memory_space<hbm>>
        %dma_start3A_184 = arith.constant 0 : i32
        %dma_start3A_185 = tpu.memref_slice %arg2[%add3A_20, %dma_start3A_184] : memref<12288x2048xf32, #tpu.memory_space<hbm>> -> memref<16x2048xf32, #tpu.memory_space<hbm>>
        tpu.enqueue_dma source(%dma_start3A_185 : memref<16x2048xf32, #tpu.memory_space<hbm>>) target(%arg4 : memref<16x2048xf32, #tpu.memory_space<vmem>>) target_semaphore(%run_scoped3A : memref<!tpu.dma_semaphore, #tpu.memory_space<semaphore_mem>>)
        %dma_wait3A = arith.constant 0 : i32
        %dma_wait3A_186 = tpu.memref_slice %arg2[%add3A_20, %dma_wait3A] : memref<12288x2048xf32, #tpu.memory_space<hbm>> -> memref<16x2048xf32, #tpu.memory_space<hbm>>
        %dma_wait3A_187 = arith.constant 0 : i32
        %dma_wait3A_188 = tpu.memref_slice %arg2[%add3A_20, %dma_wait3A_187] : memref<12288x2048xf32, #tpu.memory_space<hbm>> -> memref<16x2048xf32, #tpu.memory_space<hbm>>
        tpu.wait_dma2 semaphore(%run_scoped3A : memref<!tpu.dma_semaphore, #tpu.memory_space<semaphore_mem>>) src(%dma_wait3A_188 : memref<16x2048xf32, #tpu.memory_space<hbm>>) dst(%arg4 : memref<16x2048xf32, #tpu.memory_space<vmem>>)
        tpu.yield
      }) : () -> ()
      %parallel_loop3A = arith.constant 0 : i32
      %parallel_loop3A_21 = arith.constant 516 : i32
      %parallel_loop3A_22 = arith.constant 1 : i32
      scf.for %parallel_loop3A_183 = %parallel_loop3A to %parallel_loop3A_21 step %parallel_loop3A_22  : i32 {
        %parallel_loop3A_184 = arith.constant 16 : i32
        %parallel_loop3A_185 = arith.muli %parallel_loop3A_183, %parallel_loop3A_184 : i32
        %parallel_loop3A_186 = arith.index_cast %parallel_loop3A_185 : i32 to index
        %parallel_loop3A_187 = tpu.vector_load %arg5[%parallel_loop3A_186] {strides = array<i32>} : memref<8256xf32, #tpu.memory_space<vmem>>, vector<16xf32>,
        tpu.vector_store %arg5[%parallel_loop3A_186], %broadcast_in_dim3A_5 {strides = array<i32>} : memref<8256xf32, #tpu.memory_space<vmem>>, vector<16xf32>,
      } {sc.loop_unroll_factor = 8 : i64, sc.parallel_access}
      %add3A_23 = arith.constant 4.096000e+03 : f32
      %add3A_24 = vector.broadcast %add3A_23 : f32 to vector<16xf32>
      %add3A_25 = arith.addf %add3A_24, %sub3A_4 : vector<16xf32>
      %add3A_26 = arith.constant 0x4B000000 : f32
      %add3A_27 = vector.broadcast %add3A_26 : f32 to vector<16xf32>
      %add3A_28 = arith.addf %add3A_25, %add3A_27 : vector<16xf32>
      %broadcast_in_dim3A_29 = arith.constant 0 : i32
      %broadcast_in_dim3A_30 = vector.broadcast %broadcast_in_dim3A_29 : i32 to vector<16xi32>
      %parallel_loop3A_31 = arith.constant 0 : i32
      %parallel_loop3A_32 = arith.constant 512 : i32
      %parallel_loop3A_33 = arith.constant 1 : i32
      %parallel_loop3A_34 = scf.for %parallel_loop3A_183 = %parallel_loop3A_31 to %parallel_loop3A_32 step %parallel_loop3A_33 iter_args(%parallel_loop3A_184 = %broadcast_in_dim3A_30) -> (vector<16xi32>)  : i32 {
        %parallel_loop3A_185 = tpu.vector_load_idx %arg4[%iota3A, %parallel_loop3A_184] : memref<16x2048xf32, #tpu.memory_space<vmem>>[vector<16xi32>, vector<16xi32>], vector<16xf32>,
        %parallel_loop3A_186 = arith.constant 6.400000e+01 : f32
        %parallel_loop3A_187 = vector.broadcast %parallel_loop3A_186 : f32 to vector<16xf32>
        %parallel_loop3A_188 = arith.mulf %parallel_loop3A_185, %parallel_loop3A_187 : vector<16xf32>
        %parallel_loop3A_189 = arith.addf %parallel_loop3A_188, %add3A_28 : vector<16xf32>
        %parallel_loop3A_190 = vector.bitcast %parallel_loop3A_189 : vector<16xf32> to vector<16xi32>
        %parallel_loop3A_191 = arith.constant 8388607 : i32
        %parallel_loop3A_192 = vector.broadcast %parallel_loop3A_191 : i32 to vector<16xi32>
        %parallel_loop3A_193 = arith.andi %parallel_loop3A_190, %parallel_loop3A_192 : vector<16xi32>
        tpu.vector_store_idx %arg5[%parallel_loop3A_193], %broadcast_in_dim3A_7 {add = true} : memref<8256xf32, #tpu.memory_space<vmem>>[vector<16xi32>], vector<16xf32>,
        %parallel_loop3A_194 = arith.constant 1 : i32
        %parallel_loop3A_195 = vector.broadcast %parallel_loop3A_194 : i32 to vector<16xi32>
        %parallel_loop3A_196 = arith.addi %parallel_loop3A_184, %parallel_loop3A_195 : vector<16xi32>
        scf.yield %parallel_loop3A_196 : vector<16xi32>
      } {sc.loop_unroll_factor = 8 : i64, sc.parallel_access}
      %add3A_35 = arith.constant 4.112000e+03 : f32
      %add3A_36 = vector.broadcast %add3A_35 : f32 to vector<16xf32>
      %add3A_37 = arith.addf %add3A_36, %sub3A_4 : vector<16xf32>
      %add3A_38 = arith.constant 0x4B000000 : f32
      %add3A_39 = vector.broadcast %add3A_38 : f32 to vector<16xf32>
      %add3A_40 = arith.addf %add3A_37, %add3A_39 : vector<16xf32>
      %broadcast_in_dim3A_41 = arith.constant 512 : i32
      %broadcast_in_dim3A_42 = vector.broadcast %broadcast_in_dim3A_41 : i32 to vector<16xi32>
      %parallel_loop3A_43 = arith.constant 0 : i32
      %parallel_loop3A_44 = arith.constant 512 : i32
      %parallel_loop3A_45 = arith.constant 1 : i32
      %parallel_loop3A_46 = scf.for %parallel_loop3A_183 = %parallel_loop3A_43 to %parallel_loop3A_44 step %parallel_loop3A_45 iter_args(%parallel_loop3A_184 = %broadcast_in_dim3A_42) -> (vector<16xi32>)  : i32 {
        %parallel_loop3A_185 = tpu.vector_load_idx %arg4[%iota3A, %parallel_loop3A_184] : memref<16x2048xf32, #tpu.memory_space<vmem>>[vector<16xi32>, vector<16xi32>], vector<16xf32>,
        %parallel_loop3A_186 = arith.constant 6.400000e+01 : f32
        %parallel_loop3A_187 = vector.broadcast %parallel_loop3A_186 : f32 to vector<16xf32>
        %parallel_loop3A_188 = arith.mulf %parallel_loop3A_185, %parallel_loop3A_187 : vector<16xf32>
        %parallel_loop3A_189 = arith.addf %parallel_loop3A_188, %add3A_40 : vector<16xf32>
        %parallel_loop3A_190 = vector.bitcast %parallel_loop3A_189 : vector<16xf32> to vector<16xi32>
        %parallel_loop3A_191 = arith.constant 8388607 : i32
        %parallel_loop3A_192 = vector.broadcast %parallel_loop3A_191 : i32 to vector<16xi32>
        %parallel_loop3A_193 = arith.andi %parallel_loop3A_190, %parallel_loop3A_192 : vector<16xi32>
        tpu.vector_store_idx %arg5[%parallel_loop3A_193], %broadcast_in_dim3A_7 {add = true} : memref<8256xf32, #tpu.memory_space<vmem>>[vector<16xi32>], vector<16xf32>,
        %parallel_loop3A_194 = arith.constant 1 : i32
        %parallel_loop3A_195 = vector.broadcast %parallel_loop3A_194 : i32 to vector<16xi32>
        %parallel_loop3A_196 = arith.addi %parallel_loop3A_184, %parallel_loop3A_195 : vector<16xi32>
        scf.yield %parallel_loop3A_196 : vector<16xi32>
      } {sc.loop_unroll_factor = 8 : i64, sc.parallel_access}
      %add3A_47 = arith.constant 4.128000e+03 : f32
      %add3A_48 = vector.broadcast %add3A_47 : f32 to vector<16xf32>
      %add3A_49 = arith.addf %add3A_48, %sub3A_4 : vector<16xf32>
      %add3A_50 = arith.constant 0x4B000000 : f32
      %add3A_51 = vector.broadcast %add3A_50 : f32 to vector<16xf32>
      %add3A_52 = arith.addf %add3A_49, %add3A_51 : vector<16xf32>
      %broadcast_in_dim3A_53 = arith.constant 1024 : i32
      %broadcast_in_dim3A_54 = vector.broadcast %broadcast_in_dim3A_53 : i32 to vector<16xi32>
      %parallel_loop3A_55 = arith.constant 0 : i32
      %parallel_loop3A_56 = arith.constant 512 : i32
      %parallel_loop3A_57 = arith.constant 1 : i32
      %parallel_loop3A_58 = scf.for %parallel_loop3A_183 = %parallel_loop3A_55 to %parallel_loop3A_56 step %parallel_loop3A_57 iter_args(%parallel_loop3A_184 = %broadcast_in_dim3A_54) -> (vector<16xi32>)  : i32 {
        %parallel_loop3A_185 = tpu.vector_load_idx %arg4[%iota3A, %parallel_loop3A_184] : memref<16x2048xf32, #tpu.memory_space<vmem>>[vector<16xi32>, vector<16xi32>], vector<16xf32>,
        %parallel_loop3A_186 = arith.constant 6.400000e+01 : f32
        %parallel_loop3A_187 = vector.broadcast %parallel_loop3A_186 : f32 to vector<16xf32>
        %parallel_loop3A_188 = arith.mulf %parallel_loop3A_185, %parallel_loop3A_187 : vector<16xf32>
        %parallel_loop3A_189 = arith.addf %parallel_loop3A_188, %add3A_52 : vector<16xf32>
        %parallel_loop3A_190 = vector.bitcast %parallel_loop3A_189 : vector<16xf32> to vector<16xi32>
        %parallel_loop3A_191 = arith.constant 8388607 : i32
        %parallel_loop3A_192 = vector.broadcast %parallel_loop3A_191 : i32 to vector<16xi32>
        %parallel_loop3A_193 = arith.andi %parallel_loop3A_190, %parallel_loop3A_192 : vector<16xi32>
        tpu.vector_store_idx %arg5[%parallel_loop3A_193], %broadcast_in_dim3A_7 {add = true} : memref<8256xf32, #tpu.memory_space<vmem>>[vector<16xi32>], vector<16xf32>,
        %parallel_loop3A_194 = arith.constant 1 : i32
        %parallel_loop3A_195 = vector.broadcast %parallel_loop3A_194 : i32 to vector<16xi32>
        %parallel_loop3A_196 = arith.addi %parallel_loop3A_184, %parallel_loop3A_195 : vector<16xi32>
        scf.yield %parallel_loop3A_196 : vector<16xi32>
      } {sc.loop_unroll_factor = 8 : i64, sc.parallel_access}
      %add3A_59 = arith.constant 4.144000e+03 : f32
      %add3A_60 = vector.broadcast %add3A_59 : f32 to vector<16xf32>
      %add3A_61 = arith.addf %add3A_60, %sub3A_4 : vector<16xf32>
      %add3A_62 = arith.constant 0x4B000000 : f32
      %add3A_63 = vector.broadcast %add3A_62 : f32 to vector<16xf32>
      %add3A_64 = arith.addf %add3A_61, %add3A_63 : vector<16xf32>
      %broadcast_in_dim3A_65 = arith.constant 1536 : i32
      %broadcast_in_dim3A_66 = vector.broadcast %broadcast_in_dim3A_65 : i32 to vector<16xi32>
      %parallel_loop3A_67 = arith.constant 0 : i32
      %parallel_loop3A_68 = arith.constant 512 : i32
      %parallel_loop3A_69 = arith.constant 1 : i32
      %parallel_loop3A_70 = scf.for %parallel_loop3A_183 = %parallel_loop3A_67 to %parallel_loop3A_68 step %parallel_loop3A_69 iter_args(%parallel_loop3A_184 = %broadcast_in_dim3A_66) -> (vector<16xi32>)  : i32 {
        %parallel_loop3A_185 = tpu.vector_load_idx %arg4[%iota3A, %parallel_loop3A_184] : memref<16x2048xf32, #tpu.memory_space<vmem>>[vector<16xi32>, vector<16xi32>], vector<16xf32>,
        %parallel_loop3A_186 = arith.constant 6.400000e+01 : f32
        %parallel_loop3A_187 = vector.broadcast %parallel_loop3A_186 : f32 to vector<16xf32>
        %parallel_loop3A_188 = arith.mulf %parallel_loop3A_185, %parallel_loop3A_187 : vector<16xf32>
        %parallel_loop3A_189 = arith.addf %parallel_loop3A_188, %add3A_64 : vector<16xf32>
        %parallel_loop3A_190 = vector.bitcast %parallel_loop3A_189 : vector<16xf32> to vector<16xi32>
        %parallel_loop3A_191 = arith.constant 8388607 : i32
        %parallel_loop3A_192 = vector.broadcast %parallel_loop3A_191 : i32 to vector<16xi32>
        %parallel_loop3A_193 = arith.andi %parallel_loop3A_190, %parallel_loop3A_192 : vector<16xi32>
        tpu.vector_store_idx %arg5[%parallel_loop3A_193], %broadcast_in_dim3A_7 {add = true} : memref<8256xf32, #tpu.memory_space<vmem>>[vector<16xi32>], vector<16xf32>,
        %parallel_loop3A_194 = arith.constant 1 : i32
        %parallel_loop3A_195 = vector.broadcast %parallel_loop3A_194 : i32 to vector<16xi32>
        %parallel_loop3A_196 = arith.addi %parallel_loop3A_184, %parallel_loop3A_195 : vector<16xi32>
        scf.yield %parallel_loop3A_196 : vector<16xi32>
      } {sc.loop_unroll_factor = 8 : i64, sc.parallel_access}
      %broadcast_in_dim3A_71 = arith.constant 1.280000e+02 : f32
      %broadcast_in_dim3A_72 = vector.broadcast %broadcast_in_dim3A_71 : f32 to vector<16xf32>
      %scan3A_73 = arith.constant 0 : i32
      %scan3A_74 = arith.constant 128 : i32
      %scan3A_75 = arith.addi %scan3A_73, %scan3A_74 : i32
      %scan3A_76 = arith.constant 4 : i32
      %scan3A_77:5 = scf.for %scan3A_183 = %scan3A_73 to %scan3A_75 step %scan3A_76 iter_args(%scan3A_184 = %broadcast_in_dim3A_5, %scan3A_185 = %broadcast_in_dim3A_5, %scan3A_186 = %broadcast_in_dim3A_5, %scan3A_187 = %broadcast_in_dim3A_5, %scan3A_188 = %broadcast_in_dim3A_72) -> (vector<16xf32>, vector<16xf32>, vector<16xf32>, vector<16xf32>, vector<16xf32>)  : i32 {
        %sub3A_189 = arith.constant 128 : i32
        %sub3A_190 = arith.subi %sub3A_189, %scan3A_183 : i32
        %mul3A_191 = arith.constant 64 : i32
        %mul3A_192 = arith.muli %sub3A_190, %mul3A_191 : i32
        %get3A_193 = arith.index_cast %mul3A_192 : i32 to index
        %get3A_194 = tpu.vector_load %arg5[%get3A_193] {strides = array<i32>} : memref<8256xf32, #tpu.memory_space<vmem>>, vector<16xf32>,
        %mul3A_195 = arith.constant 64 : i32
        %mul3A_196 = arith.muli %sub3A_190, %mul3A_195 : i32
        %add3A_197 = arith.constant 16 : i32
        %add3A_198 = arith.addi %mul3A_196, %add3A_197 : i32
        %get3A_199 = arith.index_cast %add3A_198 : i32 to index
        %get3A_200 = tpu.vector_load %arg5[%get3A_199] {strides = array<i32>} : memref<8256xf32, #tpu.memory_space<vmem>>, vector<16xf32>,
        %add3A_201 = arith.addf %get3A_194, %get3A_200 : vector<16xf32>
        %mul3A_202 = arith.constant 64 : i32
        %mul3A_203 = arith.muli %sub3A_190, %mul3A_202 : i32
        %add3A_204 = arith.constant 32 : i32
        %add3A_205 = arith.addi %mul3A_203, %add3A_204 : i32
        %get3A_206 = arith.index_cast %add3A_205 : i32 to index
        %get3A_207 = tpu.vector_load %arg5[%get3A_206] {strides = array<i32>} : memref<8256xf32, #tpu.memory_space<vmem>>, vector<16xf32>,
        %add3A_208 = arith.addf %add3A_201, %get3A_207 : vector<16xf32>
        %mul3A_209 = arith.constant 64 : i32
        %mul3A_210 = arith.muli %sub3A_190, %mul3A_209 : i32
        %add3A_211 = arith.constant 48 : i32
        %add3A_212 = arith.addi %mul3A_210, %add3A_211 : i32
        %get3A_213 = arith.index_cast %add3A_212 : i32 to index
        %get3A_214 = tpu.vector_load %arg5[%get3A_213] {strides = array<i32>} : memref<8256xf32, #tpu.memory_space<vmem>>, vector<16xf32>,
        %add3A_215 = arith.addf %add3A_208, %get3A_214 : vector<16xf32>
        %add3A_216 = arith.addf %scan3A_184, %add3A_215 : vector<16xf32>
        %ge3A_217 = arith.constant 1.020000e+02 : f32
        %ge3A_218 = vector.broadcast %ge3A_217 : f32 to vector<16xf32>
        %ge3A_219 = arith.cmpf oge, %add3A_216, %ge3A_218 : vector<16xf32>
        %eq3A_220 = arith.constant 0.000000e+00 : f32
        %eq3A_221 = vector.broadcast %eq3A_220 : f32 to vector<16xf32>
        %eq3A_222 = arith.cmpf oeq, %scan3A_187, %eq3A_221 : vector<16xf32>
        %and3A_223 = arith.andi %ge3A_219, %eq3A_222 : vector<16xi1>
        %select_n3A_224 = arith.select %and3A_223, %scan3A_188, %scan3A_185 : vector<16xi1>, vector<16xf32>
        %select_n3A_225 = arith.select %and3A_223, %scan3A_184, %scan3A_186 : vector<16xi1>, vector<16xf32>
        %select_n3A_226 = arith.select %and3A_223, %broadcast_in_dim3A_7, %scan3A_187 : vector<16xi1>, vector<16xf32>
        %sub3A_227 = arith.constant 1.000000e+00 : f32
        %sub3A_228 = vector.broadcast %sub3A_227 : f32 to vector<16xf32>
        %sub3A_229 = arith.subf %scan3A_188, %sub3A_228 : vector<16xf32>
        %scan3A_230 = arith.constant 1 : i32
        %scan3A_231 = arith.addi %scan3A_183, %scan3A_230 : i32
        %sub3A_232 = arith.constant 128 : i32
        %sub3A_233 = arith.subi %sub3A_232, %scan3A_231 : i32
        %mul3A_234 = arith.constant 64 : i32
        %mul3A_235 = arith.muli %sub3A_233, %mul3A_234 : i32
        %get3A_236 = arith.index_cast %mul3A_235 : i32 to index
        %get3A_237 = tpu.vector_load %arg5[%get3A_236] {strides = array<i32>} : memref<8256xf32, #tpu.memory_space<vmem>>, vector<16xf32>,
        %mul3A_238 = arith.constant 64 : i32
        %mul3A_239 = arith.muli %sub3A_233, %mul3A_238 : i32
        %add3A_240 = arith.constant 16 : i32
        %add3A_241 = arith.addi %mul3A_239, %add3A_240 : i32
        %get3A_242 = arith.index_cast %add3A_241 : i32 to index
        %get3A_243 = tpu.vector_load %arg5[%get3A_242] {strides = array<i32>} : memref<8256xf32, #tpu.memory_space<vmem>>, vector<16xf32>,
        %add3A_244 = arith.addf %get3A_237, %get3A_243 : vector<16xf32>
        %mul3A_245 = arith.constant 64 : i32
        %mul3A_246 = arith.muli %sub3A_233, %mul3A_245 : i32
        %add3A_247 = arith.constant 32 : i32
        %add3A_248 = arith.addi %mul3A_246, %add3A_247 : i32
        %get3A_249 = arith.index_cast %add3A_248 : i32 to index
        %get3A_250 = tpu.vector_load %arg5[%get3A_249] {strides = array<i32>} : memref<8256xf32, #tpu.memory_space<vmem>>, vector<16xf32>,
        %add3A_251 = arith.addf %add3A_244, %get3A_250 : vector<16xf32>
        %mul3A_252 = arith.constant 64 : i32
        %mul3A_253 = arith.muli %sub3A_233, %mul3A_252 : i32
        %add3A_254 = arith.constant 48 : i32
        %add3A_255 = arith.addi %mul3A_253, %add3A_254 : i32
        %get3A_256 = arith.index_cast %add3A_255 : i32 to index
        %get3A_257 = tpu.vector_load %arg5[%get3A_256] {strides = array<i32>} : memref<8256xf32, #tpu.memory_space<vmem>>, vector<16xf32>,
        %add3A_258 = arith.addf %add3A_251, %get3A_257 : vector<16xf32>
        %add3A_259 = arith.addf %add3A_216, %add3A_258 : vector<16xf32>
        %ge3A_260 = arith.constant 1.020000e+02 : f32
        %ge3A_261 = vector.broadcast %ge3A_260 : f32 to vector<16xf32>
        %ge3A_262 = arith.cmpf oge, %add3A_259, %ge3A_261 : vector<16xf32>
        %eq3A_263 = arith.constant 0.000000e+00 : f32
        %eq3A_264 = vector.broadcast %eq3A_263 : f32 to vector<16xf32>
        %eq3A_265 = arith.cmpf oeq, %select_n3A_226, %eq3A_264 : vector<16xf32>
        %and3A_266 = arith.andi %ge3A_262, %eq3A_265 : vector<16xi1>
        %select_n3A_267 = arith.select %and3A_266, %sub3A_229, %select_n3A_224 : vector<16xi1>, vector<16xf32>
        %select_n3A_268 = arith.select %and3A_266, %add3A_216, %select_n3A_225 : vector<16xi1>, vector<16xf32>
        %select_n3A_269 = arith.select %and3A_266, %broadcast_in_dim3A_7, %select_n3A_226 : vector<16xi1>, vector<16xf32>
        %sub3A_270 = arith.constant 1.000000e+00 : f32
        %sub3A_271 = vector.broadcast %sub3A_270 : f32 to vector<16xf32>
        %sub3A_272 = arith.subf %sub3A_229, %sub3A_271 : vector<16xf32>
        %scan3A_273 = arith.constant 2 : i32
        %scan3A_274 = arith.addi %scan3A_183, %scan3A_273 : i32
        %sub3A_275 = arith.constant 128 : i32
        %sub3A_276 = arith.subi %sub3A_275, %scan3A_274 : i32
        %mul3A_277 = arith.constant 64 : i32
        %mul3A_278 = arith.muli %sub3A_276, %mul3A_277 : i32
        %get3A_279 = arith.index_cast %mul3A_278 : i32 to index
        %get3A_280 = tpu.vector_load %arg5[%get3A_279] {strides = array<i32>} : memref<8256xf32, #tpu.memory_space<vmem>>, vector<16xf32>,
        %mul3A_281 = arith.constant 64 : i32
        %mul3A_282 = arith.muli %sub3A_276, %mul3A_281 : i32
        %add3A_283 = arith.constant 16 : i32
        %add3A_284 = arith.addi %mul3A_282, %add3A_283 : i32
        %get3A_285 = arith.index_cast %add3A_284 : i32 to index
        %get3A_286 = tpu.vector_load %arg5[%get3A_285] {strides = array<i32>} : memref<8256xf32, #tpu.memory_space<vmem>>, vector<16xf32>,
        %add3A_287 = arith.addf %get3A_280, %get3A_286 : vector<16xf32>
        %mul3A_288 = arith.constant 64 : i32
        %mul3A_289 = arith.muli %sub3A_276, %mul3A_288 : i32
        %add3A_290 = arith.constant 32 : i32
        %add3A_291 = arith.addi %mul3A_289, %add3A_290 : i32
        %get3A_292 = arith.index_cast %add3A_291 : i32 to index
        %get3A_293 = tpu.vector_load %arg5[%get3A_292] {strides = array<i32>} : memref<8256xf32, #tpu.memory_space<vmem>>, vector<16xf32>,
        %add3A_294 = arith.addf %add3A_287, %get3A_293 : vector<16xf32>
        %mul3A_295 = arith.constant 64 : i32
        %mul3A_296 = arith.muli %sub3A_276, %mul3A_295 : i32
        %add3A_297 = arith.constant 48 : i32
        %add3A_298 = arith.addi %mul3A_296, %add3A_297 : i32
        %get3A_299 = arith.index_cast %add3A_298 : i32 to index
        %get3A_300 = tpu.vector_load %arg5[%get3A_299] {strides = array<i32>} : memref<8256xf32, #tpu.memory_space<vmem>>, vector<16xf32>,
        %add3A_301 = arith.addf %add3A_294, %get3A_300 : vector<16xf32>
        %add3A_302 = arith.addf %add3A_259, %add3A_301 : vector<16xf32>
        %ge3A_303 = arith.constant 1.020000e+02 : f32
        %ge3A_304 = vector.broadcast %ge3A_303 : f32 to vector<16xf32>
        %ge3A_305 = arith.cmpf oge, %add3A_302, %ge3A_304 : vector<16xf32>
        %eq3A_306 = arith.constant 0.000000e+00 : f32
        %eq3A_307 = vector.broadcast %eq3A_306 : f32 to vector<16xf32>
        %eq3A_308 = arith.cmpf oeq, %select_n3A_269, %eq3A_307 : vector<16xf32>
        %and3A_309 = arith.andi %ge3A_305, %eq3A_308 : vector<16xi1>
        %select_n3A_310 = arith.select %and3A_309, %sub3A_272, %select_n3A_267 : vector<16xi1>, vector<16xf32>
        %select_n3A_311 = arith.select %and3A_309, %add3A_259, %select_n3A_268 : vector<16xi1>, vector<16xf32>
        %select_n3A_312 = arith.select %and3A_309, %broadcast_in_dim3A_7, %select_n3A_269 : vector<16xi1>, vector<16xf32>
        %sub3A_313 = arith.constant 1.000000e+00 : f32
        %sub3A_314 = vector.broadcast %sub3A_313 : f32 to vector<16xf32>
        %sub3A_315 = arith.subf %sub3A_272, %sub3A_314 : vector<16xf32>
        %scan3A_316 = arith.constant 3 : i32
        %scan3A_317 = arith.addi %scan3A_183, %scan3A_316 : i32
        %sub3A_318 = arith.constant 128 : i32
        %sub3A_319 = arith.subi %sub3A_318, %scan3A_317 : i32
        %mul3A_320 = arith.constant 64 : i32
        %mul3A_321 = arith.muli %sub3A_319, %mul3A_320 : i32
        %get3A_322 = arith.index_cast %mul3A_321 : i32 to index
        %get3A_323 = tpu.vector_load %arg5[%get3A_322] {strides = array<i32>} : memref<8256xf32, #tpu.memory_space<vmem>>, vector<16xf32>,
        %mul3A_324 = arith.constant 64 : i32
        %mul3A_325 = arith.muli %sub3A_319, %mul3A_324 : i32
        %add3A_326 = arith.constant 16 : i32
        %add3A_327 = arith.addi %mul3A_325, %add3A_326 : i32
        %get3A_328 = arith.index_cast %add3A_327 : i32 to index
        %get3A_329 = tpu.vector_load %arg5[%get3A_328] {strides = array<i32>} : memref<8256xf32, #tpu.memory_space<vmem>>, vector<16xf32>,
        %add3A_330 = arith.addf %get3A_323, %get3A_329 : vector<16xf32>
        %mul3A_331 = arith.constant 64 : i32
        %mul3A_332 = arith.muli %sub3A_319, %mul3A_331 : i32
        %add3A_333 = arith.constant 32 : i32
        %add3A_334 = arith.addi %mul3A_332, %add3A_333 : i32
        %get3A_335 = arith.index_cast %add3A_334 : i32 to index
        %get3A_336 = tpu.vector_load %arg5[%get3A_335] {strides = array<i32>} : memref<8256xf32, #tpu.memory_space<vmem>>, vector<16xf32>,
        %add3A_337 = arith.addf %add3A_330, %get3A_336 : vector<16xf32>
        %mul3A_338 = arith.constant 64 : i32
        %mul3A_339 = arith.muli %sub3A_319, %mul3A_338 : i32
        %add3A_340 = arith.constant 48 : i32
        %add3A_341 = arith.addi %mul3A_339, %add3A_340 : i32
        %get3A_342 = arith.index_cast %add3A_341 : i32 to index
        %get3A_343 = tpu.vector_load %arg5[%get3A_342] {strides = array<i32>} : memref<8256xf32, #tpu.memory_space<vmem>>, vector<16xf32>,
        %add3A_344 = arith.addf %add3A_337, %get3A_343 : vector<16xf32>
        %add3A_345 = arith.addf %add3A_302, %add3A_344 : vector<16xf32>
        %ge3A_346 = arith.constant 1.020000e+02 : f32
        %ge3A_347 = vector.broadcast %ge3A_346 : f32 to vector<16xf32>
        %ge3A_348 = arith.cmpf oge, %add3A_345, %ge3A_347 : vector<16xf32>
        %eq3A_349 = arith.constant 0.000000e+00 : f32
        %eq3A_350 = vector.broadcast %eq3A_349 : f32 to vector<16xf32>
        %eq3A_351 = arith.cmpf oeq, %select_n3A_312, %eq3A_350 : vector<16xf32>
        %and3A_352 = arith.andi %ge3A_348, %eq3A_351 : vector<16xi1>
        %select_n3A_353 = arith.select %and3A_352, %sub3A_315, %select_n3A_310 : vector<16xi1>, vector<16xf32>
        %select_n3A_354 = arith.select %and3A_352, %add3A_302, %select_n3A_311 : vector<16xi1>, vector<16xf32>
        %select_n3A_355 = arith.select %and3A_352, %broadcast_in_dim3A_7, %select_n3A_312 : vector<16xi1>, vector<16xf32>
        %sub3A_356 = arith.constant 1.000000e+00 : f32
        %sub3A_357 = vector.broadcast %sub3A_356 : f32 to vector<16xf32>
        %sub3A_358 = arith.subf %sub3A_315, %sub3A_357 : vector<16xf32>
        scf.yield %add3A_345, %select_n3A_353, %select_n3A_354, %select_n3A_355, %sub3A_358 : vector<16xf32>, vector<16xf32>, vector<16xf32>, vector<16xf32>, vector<16xf32>
      }
      %scan3A_78 = arith.constant 128 : i32
      %scan3A_79 = arith.addi %scan3A_73, %scan3A_78 : i32
      %sub3A_80 = arith.constant 128 : i32
      %sub3A_81 = arith.subi %sub3A_80, %scan3A_79 : i32
      %mul3A_82 = arith.constant 64 : i32
      %mul3A_83 = arith.muli %sub3A_81, %mul3A_82 : i32
      %get3A = arith.index_cast %mul3A_83 : i32 to index
      %get3A_84 = tpu.vector_load %arg5[%get3A] {strides = array<i32>} : memref<8256xf32, #tpu.memory_space<vmem>>, vector<16xf32>,
      %mul3A_85 = arith.constant 64 : i32
      %mul3A_86 = arith.muli %sub3A_81, %mul3A_85 : i32
      %add3A_87 = arith.constant 16 : i32
      %add3A_88 = arith.addi %mul3A_86, %add3A_87 : i32
      %get3A_89 = arith.index_cast %add3A_88 : i32 to index
      %get3A_90 = tpu.vector_load %arg5[%get3A_89] {strides = array<i32>} : memref<8256xf32, #tpu.memory_space<vmem>>, vector<16xf32>,
      %add3A_91 = arith.addf %get3A_84, %get3A_90 : vector<16xf32>
      %mul3A_92 = arith.constant 64 : i32
      %mul3A_93 = arith.muli %sub3A_81, %mul3A_92 : i32
      %add3A_94 = arith.constant 32 : i32
      %add3A_95 = arith.addi %mul3A_93, %add3A_94 : i32
      %get3A_96 = arith.index_cast %add3A_95 : i32 to index
      %get3A_97 = tpu.vector_load %arg5[%get3A_96] {strides = array<i32>} : memref<8256xf32, #tpu.memory_space<vmem>>, vector<16xf32>,
      %add3A_98 = arith.addf %add3A_91, %get3A_97 : vector<16xf32>
      %mul3A_99 = arith.constant 64 : i32
      %mul3A_100 = arith.muli %sub3A_81, %mul3A_99 : i32
      %add3A_101 = arith.constant 48 : i32
      %add3A_102 = arith.addi %mul3A_100, %add3A_101 : i32
      %get3A_103 = arith.index_cast %add3A_102 : i32 to index
      %get3A_104 = tpu.vector_load %arg5[%get3A_103] {strides = array<i32>} : memref<8256xf32, #tpu.memory_space<vmem>>, vector<16xf32>,
      %add3A_105 = arith.addf %add3A_98, %get3A_104 : vector<16xf32>
      %add3A_106 = arith.addf %scan3A_77#0, %add3A_105 : vector<16xf32>
      %ge3A = arith.constant 1.020000e+02 : f32
      %ge3A_107 = vector.broadcast %ge3A : f32 to vector<16xf32>
      %ge3A_108 = arith.cmpf oge, %add3A_106, %ge3A_107 : vector<16xf32>
      %eq3A = arith.constant 0.000000e+00 : f32
      %eq3A_109 = vector.broadcast %eq3A : f32 to vector<16xf32>
      %eq3A_110 = arith.cmpf oeq, %scan3A_77#3, %eq3A_109 : vector<16xf32>
      %and3A = arith.andi %ge3A_108, %eq3A_110 : vector<16xi1>
      %select_n3A = arith.select %and3A, %scan3A_77#4, %scan3A_77#1 : vector<16xi1>, vector<16xf32>
      %select_n3A_111 = arith.select %and3A, %scan3A_77#0, %scan3A_77#2 : vector<16xi1>, vector<16xf32>
      %select_n3A_112 = arith.select %and3A, %broadcast_in_dim3A_7, %scan3A_77#3 : vector<16xi1>, vector<16xf32>
      %sub3A_113 = arith.constant 1.000000e+00 : f32
      %sub3A_114 = vector.broadcast %sub3A_113 : f32 to vector<16xf32>
      %sub3A_115 = arith.subf %scan3A_77#4, %sub3A_114 : vector<16xf32>
      %scan3A_116 = arith.constant 129 : i32
      %sub3A_117 = arith.constant 6.400000e+01 : f32
      %sub3A_118 = vector.broadcast %sub3A_117 : f32 to vector<16xf32>
      %sub3A_119 = arith.subf %select_n3A, %sub3A_118 : vector<16xf32>
      %sub3A_120 = arith.constant 1.020000e+02 : f32
      %sub3A_121 = vector.broadcast %sub3A_120 : f32 to vector<16xf32>
      %sub3A_122 = arith.subf %sub3A_121, %select_n3A_111 : vector<16xf32>
      %add3A_123 = arith.constant 0x4B000000 : f32
      %add3A_124 = vector.broadcast %add3A_123 : f32 to vector<16xf32>
      %add3A_125 = arith.addf %select_n3A, %add3A_124 : vector<16xf32>
      %bitcast3A_126 = vector.bitcast %add3A_125 : vector<16xf32> to vector<16xi32>
      %and3A_127 = arith.constant 8388607 : i32
      %and3A_128 = vector.broadcast %and3A_127 : i32 to vector<16xi32>
      %and3A_129 = arith.andi %bitcast3A_126, %and3A_128 : vector<16xi32>
      %shift_left3A = arith.constant 6 : i32
      %shift_left3A_130 = vector.broadcast %shift_left3A : i32 to vector<16xi32>
      %shift_left3A_131 = arith.shli %and3A_129, %shift_left3A_130 : vector<16xi32>
      %add3A_132 = arith.addi %shift_left3A_131, %iota3A : vector<16xi32>
      %gather3A = tpu.vector_load_idx %arg5[%add3A_132] : memref<8256xf32, #tpu.memory_space<vmem>>[vector<16xi32>], vector<16xf32>,
      %add3A_133 = arith.constant 16 : i32
      %add3A_134 = vector.broadcast %add3A_133 : i32 to vector<16xi32>
      %add3A_135 = arith.addi %add3A_132, %add3A_134 : vector<16xi32>
      %gather3A_136 = tpu.vector_load_idx %arg5[%add3A_135] : memref<8256xf32, #tpu.memory_space<vmem>>[vector<16xi32>], vector<16xf32>,
      %add3A_137 = arith.constant 32 : i32
      %add3A_138 = vector.broadcast %add3A_137 : i32 to vector<16xi32>
      %add3A_139 = arith.addi %add3A_132, %add3A_138 : vector<16xi32>
      %gather3A_140 = tpu.vector_load_idx %arg5[%add3A_139] : memref<8256xf32, #tpu.memory_space<vmem>>[vector<16xi32>], vector<16xf32>,
      %add3A_141 = arith.addf %gather3A, %gather3A_136 : vector<16xf32>
      %add3A_142 = arith.addf %add3A_141, %gather3A_140 : vector<16xf32>
      %ge3A_143 = arith.cmpf oge, %gather3A, %sub3A_122 : vector<16xf32>
      %ge3A_144 = arith.cmpf oge, %add3A_141, %sub3A_122 : vector<16xf32>
      %ge3A_145 = arith.cmpf oge, %add3A_142, %sub3A_122 : vector<16xf32>
      %jit3A = arith.constant 2.000000e+00 : f32
      %jit3A_146 = arith.constant 3.000000e+00 : f32
      %broadcast_in_dim3A_147 = vector.broadcast %jit3A : f32 to vector<16xf32>
      %broadcast_in_dim3A_148 = vector.broadcast %jit3A_146 : f32 to vector<16xf32>
      %select_n3A_149 = arith.select %ge3A_145, %broadcast_in_dim3A_147, %broadcast_in_dim3A_148 : vector<16xi1>, vector<16xf32>
      %jit3A_150 = arith.constant 1.000000e+00 : f32
      %broadcast_in_dim3A_151 = vector.broadcast %jit3A_150 : f32 to vector<16xf32>
      %select_n3A_152 = arith.select %ge3A_144, %broadcast_in_dim3A_151, %select_n3A_149 : vector<16xi1>, vector<16xf32>
      %jit3A_153 = arith.constant 0.000000e+00 : f32
      %broadcast_in_dim3A_154 = vector.broadcast %jit3A_153 : f32 to vector<16xf32>
      %select_n3A_155 = arith.select %ge3A_143, %broadcast_in_dim3A_154, %select_n3A_152 : vector<16xi1>, vector<16xf32>
      %select_n3A_156 = arith.select %ge3A_145, %add3A_141, %add3A_142 : vector<16xi1>, vector<16xf32>
      %select_n3A_157 = arith.select %ge3A_144, %gather3A, %select_n3A_156 : vector<16xi1>, vector<16xf32>
      %select_n3A_158 = arith.select %ge3A_143, %broadcast_in_dim3A_5, %select_n3A_157 : vector<16xi1>, vector<16xf32>
      %sub3A_159 = arith.subf %sub3A_122, %select_n3A_158 : vector<16xf32>
      %mul3A_160 = arith.constant 5.120000e+02 : f32
      %mul3A_161 = vector.broadcast %mul3A_160 : f32 to vector<16xf32>
      %mul3A_162 = arith.mulf %select_n3A_155, %mul3A_161 : vector<16xf32>
      %add3A_163 = arith.constant 0x4B000000 : f32
      %add3A_164 = vector.broadcast %add3A_163 : f32 to vector<16xf32>
      %add3A_165 = arith.addf %mul3A_162, %add3A_164 : vector<16xf32>
      %bitcast3A_166 = vector.bitcast %add3A_165 : vector<16xf32> to vector<16xi32>
      %and3A_167 = arith.constant 8388607 : i32
      %and3A_168 = vector.broadcast %and3A_167 : i32 to vector<16xi32>
      %and3A_169 = arith.andi %bitcast3A_166, %and3A_168 : vector<16xi32>
      %parallel_loop3A_170 = arith.constant 0 : i32
      %parallel_loop3A_171 = arith.constant 512 : i32
      %parallel_loop3A_172 = arith.constant 1 : i32
      %parallel_loop3A_173:4 = scf.for %parallel_loop3A_183 = %parallel_loop3A_170 to %parallel_loop3A_171 step %parallel_loop3A_172 iter_args(%parallel_loop3A_184 = %broadcast_in_dim3A_5, %parallel_loop3A_185 = %broadcast_in_dim3A_5, %parallel_loop3A_186 = %mul3A_162, %parallel_loop3A_187 = %and3A_169) -> (vector<16xf32>, vector<16xf32>, vector<16xf32>, vector<16xi32>)  : i32 {
        %parallel_loop3A_188 = tpu.vector_load_idx %arg4[%iota3A, %parallel_loop3A_187] : memref<16x2048xf32, #tpu.memory_space<vmem>>[vector<16xi32>, vector<16xi32>], vector<16xf32>,
        %parallel_loop3A_189 = arith.cmpf oeq, %parallel_loop3A_188, %sub3A_119 : vector<16xf32>
        %parallel_loop3A_190 = arith.constant 1.000000e+00 : f32
        %parallel_loop3A_191 = arith.constant 0.000000e+00 : f32
        %parallel_loop3A_192 = vector.broadcast %parallel_loop3A_190 : f32 to vector<16xf32>
        %parallel_loop3A_193 = vector.broadcast %parallel_loop3A_191 : f32 to vector<16xf32>
        %parallel_loop3A_194 = arith.select %parallel_loop3A_189, %parallel_loop3A_192, %parallel_loop3A_193 : vector<16xi1>, vector<16xf32>
        %parallel_loop3A_195 = arith.addf %parallel_loop3A_184, %parallel_loop3A_194 : vector<16xf32>
        %parallel_loop3A_196 = arith.cmpf oeq, %parallel_loop3A_195, %sub3A_159 : vector<16xf32>
        %parallel_loop3A_197 = arith.andi %parallel_loop3A_189, %parallel_loop3A_196 : vector<16xi1>
        %parallel_loop3A_198 = arith.select %parallel_loop3A_197, %parallel_loop3A_186, %parallel_loop3A_185 : vector<16xi1>, vector<16xf32>
        %parallel_loop3A_199 = arith.constant 1.000000e+00 : f32
        %parallel_loop3A_200 = vector.broadcast %parallel_loop3A_199 : f32 to vector<16xf32>
        %parallel_loop3A_201 = arith.addf %parallel_loop3A_186, %parallel_loop3A_200 : vector<16xf32>
        %parallel_loop3A_202 = arith.constant 1 : i32
        %parallel_loop3A_203 = vector.broadcast %parallel_loop3A_202 : i32 to vector<16xi32>
        %parallel_loop3A_204 = arith.addi %parallel_loop3A_187, %parallel_loop3A_203 : vector<16xi32>
        scf.yield %parallel_loop3A_195, %parallel_loop3A_198, %parallel_loop3A_201, %parallel_loop3A_204 : vector<16xf32>, vector<16xf32>, vector<16xf32>, vector<16xi32>
      } {sc.loop_unroll_factor = 8 : i64, sc.parallel_access}
      %mul3A_174 = arith.constant 2.048000e+03 : f32
      %mul3A_175 = vector.broadcast %mul3A_174 : f32 to vector<16xf32>
      %mul3A_176 = arith.mulf %sub3A_119, %mul3A_175 : vector<16xf32>
      %sub3A_177 = arith.constant 2.047000e+03 : f32
      %sub3A_178 = vector.broadcast %sub3A_177 : f32 to vector<16xf32>
      %sub3A_179 = arith.subf %sub3A_178, %parallel_loop3A_173#1 : vector<16xf32>
      %add3A_180 = arith.addf %mul3A_176, %sub3A_179 : vector<16xf32>
      %swap3A = arith.constant 0 : index
      %swap3A_181 = tpu.vector_load %arg6[%swap3A] {strides = array<i32>} : memref<16xf32, #tpu.memory_space<vmem>>, vector<16xf32>,
      tpu.vector_store %arg6[%swap3A], %add3A_180 {strides = array<i32>} : memref<16xf32, #tpu.memory_space<vmem>>, vector<16xf32>,
      "tpu.region"() ({
        %run_scoped3A = tpu.sem_alloc : memref<!tpu.dma_semaphore, #tpu.memory_space<semaphore_mem>>
        %dma_start3A = tpu.memref_slice %arg3[%add3A_20] : memref<12288xf32, #tpu.memory_space<hbm>> -> memref<16xf32, #tpu.memory_space<hbm>>
        %dma_start3A_183 = tpu.memref_slice %arg3[%add3A_20] : memref<12288xf32, #tpu.memory_space<hbm>> -> memref<16xf32, #tpu.memory_space<hbm>>
        tpu.enqueue_dma source(%arg6 : memref<16xf32, #tpu.memory_space<vmem>>) target(%dma_start3A_183 : memref<16xf32, #tpu.memory_space<hbm>>) target_semaphore(%run_scoped3A : memref<!tpu.dma_semaphore, #tpu.memory_space<semaphore_mem>>)
        %dma_wait3A = tpu.memref_slice %arg3[%add3A_20] : memref<12288xf32, #tpu.memory_space<hbm>> -> memref<16xf32, #tpu.memory_space<hbm>>
        %dma_wait3A_184 = tpu.memref_slice %arg3[%add3A_20] : memref<12288xf32, #tpu.memory_space<hbm>> -> memref<16xf32, #tpu.memory_space<hbm>>
        tpu.wait_dma2 semaphore(%run_scoped3A : memref<!tpu.dma_semaphore, #tpu.memory_space<semaphore_mem>>) src(%arg6 : memref<16xf32, #tpu.memory_space<vmem>>) dst(%dma_wait3A_184 : memref<16xf32, #tpu.memory_space<hbm>>)
        tpu.yield
      }) : () -> ()
      %scan3A_182 = arith.constant 0 : i32
      scf.yield %scan3A_182 : i32
    }
    %scan3A_13 = arith.constant 24 : i32
    return
  }
}

#map = affine_map<(d0, d1) -> (0, 0)>
#map1 = affine_map<(d0, d1) -> (0)>
module attributes {stable_mosaic.version = 14 : i64} {
  func.func @sc_select(%arg0: i32, %arg1: i32, %arg2: memref<12288x2048xf32, #tpu.memory_space<hbm>>, %arg3: memref<12288xf32, #tpu.memory_space<hbm>>, %arg4: memref<16x2048xf32, #tpu.memory_space<vmem>>, %arg5: memref<8256xf32, #tpu.memory_space<vmem>>, %arg6: memref<16xf32, #tpu.memory_space<vmem>>) attributes {dimension_semantics = [#tpu.dimension_semantics<core_parallel>, #tpu.dimension_semantics<subcore_parallel>], iteration_bounds = array<i64: 2, 16>, scalar_prefetch = 0 : i64, scratch_operands = 3 : i64, tpu.core_type = #tpu.core_type<sc_vector_subcore>, window_params = [{transform_indices = #map}, {transform_indices = #map1}]} {
    %mul3A = arith.constant 2 : i32
    %mul3A_0 = arith.muli %arg1, %mul3A : i32
    %add3A = arith.addi %mul3A_0, %arg0 : i32
    %iota3A = tpu.iota {dimensions = array<i32: 0>} : vector<16xi32>
    %or3A = arith.constant 1258291200 : i32
    %or3A_1 = vector.broadcast %or3A : i32 to vector<16xi32>
    %or3A_2 = arith.ori %iota3A, %or3A_1 : vector<16xi32>
    %bitcast3A = vector.bitcast %or3A_2 : vector<16xi32> to vector<16xf32>
    %sub3A = arith.constant 0x4B000000 : f32
    %sub3A_3 = vector.broadcast %sub3A : f32 to vector<16xf32>
    %sub3A_4 = arith.subf %bitcast3A, %sub3A_3 : vector<16xf32>
    %broadcast_in_dim3A = arith.constant 0.000000e+00 : f32
    %broadcast_in_dim3A_5 = vector.broadcast %broadcast_in_dim3A : f32 to vector<16xf32>
    %broadcast_in_dim3A_6 = arith.constant 1.000000e+00 : f32
    %broadcast_in_dim3A_7 = vector.broadcast %broadcast_in_dim3A_6 : f32 to vector<16xf32>
    %scan3A = arith.constant 0 : i32
    %scan3A_8 = arith.constant 0 : i32
    %scan3A_9 = arith.constant 24 : i32
    %scan3A_10 = arith.addi %scan3A_8, %scan3A_9 : i32
    %scan3A_11 = arith.constant 1 : i32
    %scan3A_12 = scf.for %scan3A_14 = %scan3A_8 to %scan3A_10 step %scan3A_11 iter_args(%scan3A_15 = %scan3A) -> (i32)  : i32 {
      %mul3A_16 = arith.constant 384 : i32
      %mul3A_17 = arith.muli %add3A, %mul3A_16 : i32
      %mul3A_18 = arith.constant 16 : i32
      %mul3A_19 = arith.muli %scan3A_14, %mul3A_18 : i32
      %add3A_20 = arith.addi %mul3A_17, %mul3A_19 : i32
      "tpu.region"() ({
        %run_scoped3A = tpu.sem_alloc : memref<!tpu.dma_semaphore, #tpu.memory_space<semaphore_mem>>
        %dma_start3A = arith.constant 0 : i32
        %dma_start3A_183 = tpu.memref_slice %arg2[%add3A_20, %dma_start3A] : memref<12288x2048xf32, #tpu.memory_space<hbm>> -> memref<16x2048xf32, #tpu.memory_space<hbm>>
        %dma_start3A_184 = arith.constant 0 : i32
        %dma_start3A_185 = tpu.memref_slice %arg2[%add3A_20, %dma_start3A_184] : memref<12288x2048xf32, #tpu.memory_space<hbm>> -> memref<16x2048xf32, #tpu.memory_space<hbm>>
        tpu.enqueue_dma source(%dma_start3A_185 : memref<16x2048xf32, #tpu.memory_space<hbm>>) target(%arg4 : memref<16x2048xf32, #tpu.memory_space<vmem>>) target_semaphore(%run_scoped3A : memref<!tpu.dma_semaphore, #tpu.memory_space<semaphore_mem>>)
        %dma_wait3A = arith.constant 0 : i32
        %dma_wait3A_186 = tpu.memref_slice %arg2[%add3A_20, %dma_wait3A] : memref<12288x2048xf32, #tpu.memory_space<hbm>> -> memref<16x2048xf32, #tpu.memory_space<hbm>>
        %dma_wait3A_187 = arith.constant 0 : i32
        %dma_wait3A_188 = tpu.memref_slice %arg2[%add3A_20, %dma_wait3A_187] : memref<12288x2048xf32, #tpu.memory_space<hbm>> -> memref<16x2048xf32, #tpu.memory_space<hbm>>
        tpu.wait_dma2 semaphore(%run_scoped3A : memref<!tpu.dma_semaphore, #tpu.memory_space<semaphore_mem>>) src(%dma_wait3A_188 : memref<16x2048xf32, #tpu.memory_space<hbm>>) dst(%arg4 : memref<16x2048xf32, #tpu.memory_space<vmem>>)
        tpu.yield
      }) : () -> ()
      %parallel_loop3A = arith.constant 0 : i32
      %parallel_loop3A_21 = arith.constant 516 : i32
      %parallel_loop3A_22 = arith.constant 1 : i32
      scf.for %parallel_loop3A_183 = %parallel_loop3A to %parallel_loop3A_21 step %parallel_loop3A_22  : i32 {
        %parallel_loop3A_184 = arith.constant 16 : i32
        %parallel_loop3A_185 = arith.muli %parallel_loop3A_183, %parallel_loop3A_184 : i32
        %parallel_loop3A_186 = arith.index_cast %parallel_loop3A_185 : i32 to index
        %parallel_loop3A_187 = tpu.vector_load %arg5[%parallel_loop3A_186] {strides = array<i32>} : memref<8256xf32, #tpu.memory_space<vmem>>, vector<16xf32>,
        tpu.vector_store %arg5[%parallel_loop3A_186], %broadcast_in_dim3A_5 {strides = array<i32>} : memref<8256xf32, #tpu.memory_space<vmem>>, vector<16xf32>,
      } {sc.loop_unroll_factor = 8 : i64, sc.parallel_access}
      %add3A_23 = arith.constant 4.096000e+03 : f32
      %add3A_24 = vector.broadcast %add3A_23 : f32 to vector<16xf32>
      %add3A_25 = arith.addf %add3A_24, %sub3A_4 : vector<16xf32>
      %add3A_26 = arith.constant 0x4B000000 : f32
      %add3A_27 = vector.broadcast %add3A_26 : f32 to vector<16xf32>
      %add3A_28 = arith.addf %add3A_25, %add3A_27 : vector<16xf32>
      %broadcast_in_dim3A_29 = arith.constant 0 : i32
      %broadcast_in_dim3A_30 = vector.broadcast %broadcast_in_dim3A_29 : i32 to vector<16xi32>
      %parallel_loop3A_31 = arith.constant 0 : i32
      %parallel_loop3A_32 = arith.constant 512 : i32
      %parallel_loop3A_33 = arith.constant 1 : i32
      %parallel_loop3A_34 = scf.for %parallel_loop3A_183 = %parallel_loop3A_31 to %parallel_loop3A_32 step %parallel_loop3A_33 iter_args(%parallel_loop3A_184 = %broadcast_in_dim3A_30) -> (vector<16xi32>)  : i32 {
        %parallel_loop3A_185 = tpu.vector_load_idx %arg4[%iota3A, %parallel_loop3A_184] : memref<16x2048xf32, #tpu.memory_space<vmem>>[vector<16xi32>, vector<16xi32>], vector<16xf32>,
        %parallel_loop3A_186 = arith.constant 6.400000e+01 : f32
        %parallel_loop3A_187 = vector.broadcast %parallel_loop3A_186 : f32 to vector<16xf32>
        %parallel_loop3A_188 = arith.mulf %parallel_loop3A_185, %parallel_loop3A_187 : vector<16xf32>
        %parallel_loop3A_189 = arith.addf %parallel_loop3A_188, %add3A_28 : vector<16xf32>
        %parallel_loop3A_190 = vector.bitcast %parallel_loop3A_189 : vector<16xf32> to vector<16xi32>
        %parallel_loop3A_191 = arith.constant 8388607 : i32
        %parallel_loop3A_192 = vector.broadcast %parallel_loop3A_191 : i32 to vector<16xi32>
        %parallel_loop3A_193 = arith.andi %parallel_loop3A_190, %parallel_loop3A_192 : vector<16xi32>
        tpu.vector_store_idx %arg5[%parallel_loop3A_193], %broadcast_in_dim3A_7 {add = true} : memref<8256xf32, #tpu.memory_space<vmem>>[vector<16xi32>], vector<16xf32>,
        %parallel_loop3A_194 = arith.constant 1 : i32
        %parallel_loop3A_195 = vector.broadcast %parallel_loop3A_194 : i32 to vector<16xi32>
        %parallel_loop3A_196 = arith.addi %parallel_loop3A_184, %parallel_loop3A_195 : vector<16xi32>
        scf.yield %parallel_loop3A_196 : vector<16xi32>
      } {sc.loop_unroll_factor = 8 : i64, sc.parallel_access}
      %add3A_35 = arith.constant 4.112000e+03 : f32
      %add3A_36 = vector.broadcast %add3A_35 : f32 to vector<16xf32>
      %add3A_37 = arith.addf %add3A_36, %sub3A_4 : vector<16xf32>
      %add3A_38 = arith.constant 0x4B000000 : f32
      %add3A_39 = vector.broadcast %add3A_38 : f32 to vector<16xf32>
      %add3A_40 = arith.addf %add3A_37, %add3A_39 : vector<16xf32>
      %broadcast_in_dim3A_41 = arith.constant 512 : i32
      %broadcast_in_dim3A_42 = vector.broadcast %broadcast_in_dim3A_41 : i32 to vector<16xi32>
      %parallel_loop3A_43 = arith.constant 0 : i32
      %parallel_loop3A_44 = arith.constant 512 : i32
      %parallel_loop3A_45 = arith.constant 1 : i32
      %parallel_loop3A_46 = scf.for %parallel_loop3A_183 = %parallel_loop3A_43 to %parallel_loop3A_44 step %parallel_loop3A_45 iter_args(%parallel_loop3A_184 = %broadcast_in_dim3A_42) -> (vector<16xi32>)  : i32 {
        %parallel_loop3A_185 = tpu.vector_load_idx %arg4[%iota3A, %parallel_loop3A_184] : memref<16x2048xf32, #tpu.memory_space<vmem>>[vector<16xi32>, vector<16xi32>], vector<16xf32>,
        %parallel_loop3A_186 = arith.constant 6.400000e+01 : f32
        %parallel_loop3A_187 = vector.broadcast %parallel_loop3A_186 : f32 to vector<16xf32>
        %parallel_loop3A_188 = arith.mulf %parallel_loop3A_185, %parallel_loop3A_187 : vector<16xf32>
        %parallel_loop3A_189 = arith.addf %parallel_loop3A_188, %add3A_40 : vector<16xf32>
        %parallel_loop3A_190 = vector.bitcast %parallel_loop3A_189 : vector<16xf32> to vector<16xi32>
        %parallel_loop3A_191 = arith.constant 8388607 : i32
        %parallel_loop3A_192 = vector.broadcast %parallel_loop3A_191 : i32 to vector<16xi32>
        %parallel_loop3A_193 = arith.andi %parallel_loop3A_190, %parallel_loop3A_192 : vector<16xi32>
        tpu.vector_store_idx %arg5[%parallel_loop3A_193], %broadcast_in_dim3A_7 {add = true} : memref<8256xf32, #tpu.memory_space<vmem>>[vector<16xi32>], vector<16xf32>,
        %parallel_loop3A_194 = arith.constant 1 : i32
        %parallel_loop3A_195 = vector.broadcast %parallel_loop3A_194 : i32 to vector<16xi32>
        %parallel_loop3A_196 = arith.addi %parallel_loop3A_184, %parallel_loop3A_195 : vector<16xi32>
        scf.yield %parallel_loop3A_196 : vector<16xi32>
      } {sc.loop_unroll_factor = 8 : i64, sc.parallel_access}
      %add3A_47 = arith.constant 4.128000e+03 : f32
      %add3A_48 = vector.broadcast %add3A_47 : f32 to vector<16xf32>
      %add3A_49 = arith.addf %add3A_48, %sub3A_4 : vector<16xf32>
      %add3A_50 = arith.constant 0x4B000000 : f32
      %add3A_51 = vector.broadcast %add3A_50 : f32 to vector<16xf32>
      %add3A_52 = arith.addf %add3A_49, %add3A_51 : vector<16xf32>
      %broadcast_in_dim3A_53 = arith.constant 1024 : i32
      %broadcast_in_dim3A_54 = vector.broadcast %broadcast_in_dim3A_53 : i32 to vector<16xi32>
      %parallel_loop3A_55 = arith.constant 0 : i32
      %parallel_loop3A_56 = arith.constant 512 : i32
      %parallel_loop3A_57 = arith.constant 1 : i32
      %parallel_loop3A_58 = scf.for %parallel_loop3A_183 = %parallel_loop3A_55 to %parallel_loop3A_56 step %parallel_loop3A_57 iter_args(%parallel_loop3A_184 = %broadcast_in_dim3A_54) -> (vector<16xi32>)  : i32 {
        %parallel_loop3A_185 = tpu.vector_load_idx %arg4[%iota3A, %parallel_loop3A_184] : memref<16x2048xf32, #tpu.memory_space<vmem>>[vector<16xi32>, vector<16xi32>], vector<16xf32>,
        %parallel_loop3A_186 = arith.constant 6.400000e+01 : f32
        %parallel_loop3A_187 = vector.broadcast %parallel_loop3A_186 : f32 to vector<16xf32>
        %parallel_loop3A_188 = arith.mulf %parallel_loop3A_185, %parallel_loop3A_187 : vector<16xf32>
        %parallel_loop3A_189 = arith.addf %parallel_loop3A_188, %add3A_52 : vector<16xf32>
        %parallel_loop3A_190 = vector.bitcast %parallel_loop3A_189 : vector<16xf32> to vector<16xi32>
        %parallel_loop3A_191 = arith.constant 8388607 : i32
        %parallel_loop3A_192 = vector.broadcast %parallel_loop3A_191 : i32 to vector<16xi32>
        %parallel_loop3A_193 = arith.andi %parallel_loop3A_190, %parallel_loop3A_192 : vector<16xi32>
        tpu.vector_store_idx %arg5[%parallel_loop3A_193], %broadcast_in_dim3A_7 {add = true} : memref<8256xf32, #tpu.memory_space<vmem>>[vector<16xi32>], vector<16xf32>,
        %parallel_loop3A_194 = arith.constant 1 : i32
        %parallel_loop3A_195 = vector.broadcast %parallel_loop3A_194 : i32 to vector<16xi32>
        %parallel_loop3A_196 = arith.addi %parallel_loop3A_184, %parallel_loop3A_195 : vector<16xi32>
        scf.yield %parallel_loop3A_196 : vector<16xi32>
      } {sc.loop_unroll_factor = 8 : i64, sc.parallel_access}
      %add3A_59 = arith.constant 4.144000e+03 : f32
      %add3A_60 = vector.broadcast %add3A_59 : f32 to vector<16xf32>
      %add3A_61 = arith.addf %add3A_60, %sub3A_4 : vector<16xf32>
      %add3A_62 = arith.constant 0x4B000000 : f32
      %add3A_63 = vector.broadcast %add3A_62 : f32 to vector<16xf32>
      %add3A_64 = arith.addf %add3A_61, %add3A_63 : vector<16xf32>
      %broadcast_in_dim3A_65 = arith.constant 1536 : i32
      %broadcast_in_dim3A_66 = vector.broadcast %broadcast_in_dim3A_65 : i32 to vector<16xi32>
      %parallel_loop3A_67 = arith.constant 0 : i32
      %parallel_loop3A_68 = arith.constant 512 : i32
      %parallel_loop3A_69 = arith.constant 1 : i32
      %parallel_loop3A_70 = scf.for %parallel_loop3A_183 = %parallel_loop3A_67 to %parallel_loop3A_68 step %parallel_loop3A_69 iter_args(%parallel_loop3A_184 = %broadcast_in_dim3A_66) -> (vector<16xi32>)  : i32 {
        %parallel_loop3A_185 = tpu.vector_load_idx %arg4[%iota3A, %parallel_loop3A_184] : memref<16x2048xf32, #tpu.memory_space<vmem>>[vector<16xi32>, vector<16xi32>], vector<16xf32>,
        %parallel_loop3A_186 = arith.constant 6.400000e+01 : f32
        %parallel_loop3A_187 = vector.broadcast %parallel_loop3A_186 : f32 to vector<16xf32>
        %parallel_loop3A_188 = arith.mulf %parallel_loop3A_185, %parallel_loop3A_187 : vector<16xf32>
        %parallel_loop3A_189 = arith.addf %parallel_loop3A_188, %add3A_64 : vector<16xf32>
        %parallel_loop3A_190 = vector.bitcast %parallel_loop3A_189 : vector<16xf32> to vector<16xi32>
        %parallel_loop3A_191 = arith.constant 8388607 : i32
        %parallel_loop3A_192 = vector.broadcast %parallel_loop3A_191 : i32 to vector<16xi32>
        %parallel_loop3A_193 = arith.andi %parallel_loop3A_190, %parallel_loop3A_192 : vector<16xi32>
        tpu.vector_store_idx %arg5[%parallel_loop3A_193], %broadcast_in_dim3A_7 {add = true} : memref<8256xf32, #tpu.memory_space<vmem>>[vector<16xi32>], vector<16xf32>,
        %parallel_loop3A_194 = arith.constant 1 : i32
        %parallel_loop3A_195 = vector.broadcast %parallel_loop3A_194 : i32 to vector<16xi32>
        %parallel_loop3A_196 = arith.addi %parallel_loop3A_184, %parallel_loop3A_195 : vector<16xi32>
        scf.yield %parallel_loop3A_196 : vector<16xi32>
      } {sc.loop_unroll_factor = 8 : i64, sc.parallel_access}
      %broadcast_in_dim3A_71 = arith.constant 1.280000e+02 : f32
      %broadcast_in_dim3A_72 = vector.broadcast %broadcast_in_dim3A_71 : f32 to vector<16xf32>
      %scan3A_73 = arith.constant 0 : i32
      %scan3A_74 = arith.constant 128 : i32
      %scan3A_75 = arith.addi %scan3A_73, %scan3A_74 : i32
      %scan3A_76 = arith.constant 4 : i32
      %scan3A_77:5 = scf.for %scan3A_183 = %scan3A_73 to %scan3A_75 step %scan3A_76 iter_args(%scan3A_184 = %broadcast_in_dim3A_5, %scan3A_185 = %broadcast_in_dim3A_5, %scan3A_186 = %broadcast_in_dim3A_5, %scan3A_187 = %broadcast_in_dim3A_5, %scan3A_188 = %broadcast_in_dim3A_72) -> (vector<16xf32>, vector<16xf32>, vector<16xf32>, vector<16xf32>, vector<16xf32>)  : i32 {
        %sub3A_189 = arith.constant 128 : i32
        %sub3A_190 = arith.subi %sub3A_189, %scan3A_183 : i32
        %mul3A_191 = arith.constant 64 : i32
        %mul3A_192 = arith.muli %sub3A_190, %mul3A_191 : i32
        %get3A_193 = arith.index_cast %mul3A_192 : i32 to index
        %get3A_194 = tpu.vector_load %arg5[%get3A_193] {strides = array<i32>} : memref<8256xf32, #tpu.memory_space<vmem>>, vector<16xf32>,
        %mul3A_195 = arith.constant 64 : i32
        %mul3A_196 = arith.muli %sub3A_190, %mul3A_195 : i32
        %add3A_197 = arith.constant 16 : i32
        %add3A_198 = arith.addi %mul3A_196, %add3A_197 : i32
        %get3A_199 = arith.index_cast %add3A_198 : i32 to index
        %get3A_200 = tpu.vector_load %arg5[%get3A_199] {strides = array<i32>} : memref<8256xf32, #tpu.memory_space<vmem>>, vector<16xf32>,
        %add3A_201 = arith.addf %get3A_194, %get3A_200 : vector<16xf32>
        %mul3A_202 = arith.constant 64 : i32
        %mul3A_203 = arith.muli %sub3A_190, %mul3A_202 : i32
        %add3A_204 = arith.constant 32 : i32
        %add3A_205 = arith.addi %mul3A_203, %add3A_204 : i32
        %get3A_206 = arith.index_cast %add3A_205 : i32 to index
        %get3A_207 = tpu.vector_load %arg5[%get3A_206] {strides = array<i32>} : memref<8256xf32, #tpu.memory_space<vmem>>, vector<16xf32>,
        %add3A_208 = arith.addf %add3A_201, %get3A_207 : vector<16xf32>
        %mul3A_209 = arith.constant 64 : i32
        %mul3A_210 = arith.muli %sub3A_190, %mul3A_209 : i32
        %add3A_211 = arith.constant 48 : i32
        %add3A_212 = arith.addi %mul3A_210, %add3A_211 : i32
        %get3A_213 = arith.index_cast %add3A_212 : i32 to index
        %get3A_214 = tpu.vector_load %arg5[%get3A_213] {strides = array<i32>} : memref<8256xf32, #tpu.memory_space<vmem>>, vector<16xf32>,
        %add3A_215 = arith.addf %add3A_208, %get3A_214 : vector<16xf32>
        %add3A_216 = arith.addf %scan3A_184, %add3A_215 : vector<16xf32>
        %ge3A_217 = arith.constant 1.020000e+02 : f32
        %ge3A_218 = vector.broadcast %ge3A_217 : f32 to vector<16xf32>
        %ge3A_219 = arith.cmpf oge, %add3A_216, %ge3A_218 : vector<16xf32>
        %eq3A_220 = arith.constant 0.000000e+00 : f32
        %eq3A_221 = vector.broadcast %eq3A_220 : f32 to vector<16xf32>
        %eq3A_222 = arith.cmpf oeq, %scan3A_187, %eq3A_221 : vector<16xf32>
        %and3A_223 = arith.andi %ge3A_219, %eq3A_222 : vector<16xi1>
        %select_n3A_224 = arith.select %and3A_223, %scan3A_188, %scan3A_185 : vector<16xi1>, vector<16xf32>
        %select_n3A_225 = arith.select %and3A_223, %scan3A_184, %scan3A_186 : vector<16xi1>, vector<16xf32>
        %select_n3A_226 = arith.select %and3A_223, %broadcast_in_dim3A_7, %scan3A_187 : vector<16xi1>, vector<16xf32>
        %sub3A_227 = arith.constant 1.000000e+00 : f32
        %sub3A_228 = vector.broadcast %sub3A_227 : f32 to vector<16xf32>
        %sub3A_229 = arith.subf %scan3A_188, %sub3A_228 : vector<16xf32>
        %scan3A_230 = arith.constant 1 : i32
        %scan3A_231 = arith.addi %scan3A_183, %scan3A_230 : i32
        %sub3A_232 = arith.constant 128 : i32
        %sub3A_233 = arith.subi %sub3A_232, %scan3A_231 : i32
        %mul3A_234 = arith.constant 64 : i32
        %mul3A_235 = arith.muli %sub3A_233, %mul3A_234 : i32
        %get3A_236 = arith.index_cast %mul3A_235 : i32 to index
        %get3A_237 = tpu.vector_load %arg5[%get3A_236] {strides = array<i32>} : memref<8256xf32, #tpu.memory_space<vmem>>, vector<16xf32>,
        %mul3A_238 = arith.constant 64 : i32
        %mul3A_239 = arith.muli %sub3A_233, %mul3A_238 : i32
        %add3A_240 = arith.constant 16 : i32
        %add3A_241 = arith.addi %mul3A_239, %add3A_240 : i32
        %get3A_242 = arith.index_cast %add3A_241 : i32 to index
        %get3A_243 = tpu.vector_load %arg5[%get3A_242] {strides = array<i32>} : memref<8256xf32, #tpu.memory_space<vmem>>, vector<16xf32>,
        %add3A_244 = arith.addf %get3A_237, %get3A_243 : vector<16xf32>
        %mul3A_245 = arith.constant 64 : i32
        %mul3A_246 = arith.muli %sub3A_233, %mul3A_245 : i32
        %add3A_247 = arith.constant 32 : i32
        %add3A_248 = arith.addi %mul3A_246, %add3A_247 : i32
        %get3A_249 = arith.index_cast %add3A_248 : i32 to index
        %get3A_250 = tpu.vector_load %arg5[%get3A_249] {strides = array<i32>} : memref<8256xf32, #tpu.memory_space<vmem>>, vector<16xf32>,
        %add3A_251 = arith.addf %add3A_244, %get3A_250 : vector<16xf32>
        %mul3A_252 = arith.constant 64 : i32
        %mul3A_253 = arith.muli %sub3A_233, %mul3A_252 : i32
        %add3A_254 = arith.constant 48 : i32
        %add3A_255 = arith.addi %mul3A_253, %add3A_254 : i32
        %get3A_256 = arith.index_cast %add3A_255 : i32 to index
        %get3A_257 = tpu.vector_load %arg5[%get3A_256] {strides = array<i32>} : memref<8256xf32, #tpu.memory_space<vmem>>, vector<16xf32>,
        %add3A_258 = arith.addf %add3A_251, %get3A_257 : vector<16xf32>
        %add3A_259 = arith.addf %add3A_216, %add3A_258 : vector<16xf32>
        %ge3A_260 = arith.constant 1.020000e+02 : f32
        %ge3A_261 = vector.broadcast %ge3A_260 : f32 to vector<16xf32>
        %ge3A_262 = arith.cmpf oge, %add3A_259, %ge3A_261 : vector<16xf32>
        %eq3A_263 = arith.constant 0.000000e+00 : f32
        %eq3A_264 = vector.broadcast %eq3A_263 : f32 to vector<16xf32>
        %eq3A_265 = arith.cmpf oeq, %select_n3A_226, %eq3A_264 : vector<16xf32>
        %and3A_266 = arith.andi %ge3A_262, %eq3A_265 : vector<16xi1>
        %select_n3A_267 = arith.select %and3A_266, %sub3A_229, %select_n3A_224 : vector<16xi1>, vector<16xf32>
        %select_n3A_268 = arith.select %and3A_266, %add3A_216, %select_n3A_225 : vector<16xi1>, vector<16xf32>
        %select_n3A_269 = arith.select %and3A_266, %broadcast_in_dim3A_7, %select_n3A_226 : vector<16xi1>, vector<16xf32>
        %sub3A_270 = arith.constant 1.000000e+00 : f32
        %sub3A_271 = vector.broadcast %sub3A_270 : f32 to vector<16xf32>
        %sub3A_272 = arith.subf %sub3A_229, %sub3A_271 : vector<16xf32>
        %scan3A_273 = arith.constant 2 : i32
        %scan3A_274 = arith.addi %scan3A_183, %scan3A_273 : i32
        %sub3A_275 = arith.constant 128 : i32
        %sub3A_276 = arith.subi %sub3A_275, %scan3A_274 : i32
        %mul3A_277 = arith.constant 64 : i32
        %mul3A_278 = arith.muli %sub3A_276, %mul3A_277 : i32
        %get3A_279 = arith.index_cast %mul3A_278 : i32 to index
        %get3A_280 = tpu.vector_load %arg5[%get3A_279] {strides = array<i32>} : memref<8256xf32, #tpu.memory_space<vmem>>, vector<16xf32>,
        %mul3A_281 = arith.constant 64 : i32
        %mul3A_282 = arith.muli %sub3A_276, %mul3A_281 : i32
        %add3A_283 = arith.constant 16 : i32
        %add3A_284 = arith.addi %mul3A_282, %add3A_283 : i32
        %get3A_285 = arith.index_cast %add3A_284 : i32 to index
        %get3A_286 = tpu.vector_load %arg5[%get3A_285] {strides = array<i32>} : memref<8256xf32, #tpu.memory_space<vmem>>, vector<16xf32>,
        %add3A_287 = arith.addf %get3A_280, %get3A_286 : vector<16xf32>
        %mul3A_288 = arith.constant 64 : i32
        %mul3A_289 = arith.muli %sub3A_276, %mul3A_288 : i32
        %add3A_290 = arith.constant 32 : i32
        %add3A_291 = arith.addi %mul3A_289, %add3A_290 : i32
        %get3A_292 = arith.index_cast %add3A_291 : i32 to index
        %get3A_293 = tpu.vector_load %arg5[%get3A_292] {strides = array<i32>} : memref<8256xf32, #tpu.memory_space<vmem>>, vector<16xf32>,
        %add3A_294 = arith.addf %add3A_287, %get3A_293 : vector<16xf32>
        %mul3A_295 = arith.constant 64 : i32
        %mul3A_296 = arith.muli %sub3A_276, %mul3A_295 : i32
        %add3A_297 = arith.constant 48 : i32
        %add3A_298 = arith.addi %mul3A_296, %add3A_297 : i32
        %get3A_299 = arith.index_cast %add3A_298 : i32 to index
        %get3A_300 = tpu.vector_load %arg5[%get3A_299] {strides = array<i32>} : memref<8256xf32, #tpu.memory_space<vmem>>, vector<16xf32>,
        %add3A_301 = arith.addf %add3A_294, %get3A_300 : vector<16xf32>
        %add3A_302 = arith.addf %add3A_259, %add3A_301 : vector<16xf32>
        %ge3A_303 = arith.constant 1.020000e+02 : f32
        %ge3A_304 = vector.broadcast %ge3A_303 : f32 to vector<16xf32>
        %ge3A_305 = arith.cmpf oge, %add3A_302, %ge3A_304 : vector<16xf32>
        %eq3A_306 = arith.constant 0.000000e+00 : f32
        %eq3A_307 = vector.broadcast %eq3A_306 : f32 to vector<16xf32>
        %eq3A_308 = arith.cmpf oeq, %select_n3A_269, %eq3A_307 : vector<16xf32>
        %and3A_309 = arith.andi %ge3A_305, %eq3A_308 : vector<16xi1>
        %select_n3A_310 = arith.select %and3A_309, %sub3A_272, %select_n3A_267 : vector<16xi1>, vector<16xf32>
        %select_n3A_311 = arith.select %and3A_309, %add3A_259, %select_n3A_268 : vector<16xi1>, vector<16xf32>
        %select_n3A_312 = arith.select %and3A_309, %broadcast_in_dim3A_7, %select_n3A_269 : vector<16xi1>, vector<16xf32>
        %sub3A_313 = arith.constant 1.000000e+00 : f32
        %sub3A_314 = vector.broadcast %sub3A_313 : f32 to vector<16xf32>
        %sub3A_315 = arith.subf %sub3A_272, %sub3A_314 : vector<16xf32>
        %scan3A_316 = arith.constant 3 : i32
        %scan3A_317 = arith.addi %scan3A_183, %scan3A_316 : i32
        %sub3A_318 = arith.constant 128 : i32
        %sub3A_319 = arith.subi %sub3A_318, %scan3A_317 : i32
        %mul3A_320 = arith.constant 64 : i32
        %mul3A_321 = arith.muli %sub3A_319, %mul3A_320 : i32
        %get3A_322 = arith.index_cast %mul3A_321 : i32 to index
        %get3A_323 = tpu.vector_load %arg5[%get3A_322] {strides = array<i32>} : memref<8256xf32, #tpu.memory_space<vmem>>, vector<16xf32>,
        %mul3A_324 = arith.constant 64 : i32
        %mul3A_325 = arith.muli %sub3A_319, %mul3A_324 : i32
        %add3A_326 = arith.constant 16 : i32
        %add3A_327 = arith.addi %mul3A_325, %add3A_326 : i32
        %get3A_328 = arith.index_cast %add3A_327 : i32 to index
        %get3A_329 = tpu.vector_load %arg5[%get3A_328] {strides = array<i32>} : memref<8256xf32, #tpu.memory_space<vmem>>, vector<16xf32>,
        %add3A_330 = arith.addf %get3A_323, %get3A_329 : vector<16xf32>
        %mul3A_331 = arith.constant 64 : i32
        %mul3A_332 = arith.muli %sub3A_319, %mul3A_331 : i32
        %add3A_333 = arith.constant 32 : i32
        %add3A_334 = arith.addi %mul3A_332, %add3A_333 : i32
        %get3A_335 = arith.index_cast %add3A_334 : i32 to index
        %get3A_336 = tpu.vector_load %arg5[%get3A_335] {strides = array<i32>} : memref<8256xf32, #tpu.memory_space<vmem>>, vector<16xf32>,
        %add3A_337 = arith.addf %add3A_330, %get3A_336 : vector<16xf32>
        %mul3A_338 = arith.constant 64 : i32
        %mul3A_339 = arith.muli %sub3A_319, %mul3A_338 : i32
        %add3A_340 = arith.constant 48 : i32
        %add3A_341 = arith.addi %mul3A_339, %add3A_340 : i32
        %get3A_342 = arith.index_cast %add3A_341 : i32 to index
        %get3A_343 = tpu.vector_load %arg5[%get3A_342] {strides = array<i32>} : memref<8256xf32, #tpu.memory_space<vmem>>, vector<16xf32>,
        %add3A_344 = arith.addf %add3A_337, %get3A_343 : vector<16xf32>
        %add3A_345 = arith.addf %add3A_302, %add3A_344 : vector<16xf32>
        %ge3A_346 = arith.constant 1.020000e+02 : f32
        %ge3A_347 = vector.broadcast %ge3A_346 : f32 to vector<16xf32>
        %ge3A_348 = arith.cmpf oge, %add3A_345, %ge3A_347 : vector<16xf32>
        %eq3A_349 = arith.constant 0.000000e+00 : f32
        %eq3A_350 = vector.broadcast %eq3A_349 : f32 to vector<16xf32>
        %eq3A_351 = arith.cmpf oeq, %select_n3A_312, %eq3A_350 : vector<16xf32>
        %and3A_352 = arith.andi %ge3A_348, %eq3A_351 : vector<16xi1>
        %select_n3A_353 = arith.select %and3A_352, %sub3A_315, %select_n3A_310 : vector<16xi1>, vector<16xf32>
        %select_n3A_354 = arith.select %and3A_352, %add3A_302, %select_n3A_311 : vector<16xi1>, vector<16xf32>
        %select_n3A_355 = arith.select %and3A_352, %broadcast_in_dim3A_7, %select_n3A_312 : vector<16xi1>, vector<16xf32>
        %sub3A_356 = arith.constant 1.000000e+00 : f32
        %sub3A_357 = vector.broadcast %sub3A_356 : f32 to vector<16xf32>
        %sub3A_358 = arith.subf %sub3A_315, %sub3A_357 : vector<16xf32>
        scf.yield %add3A_345, %select_n3A_353, %select_n3A_354, %select_n3A_355, %sub3A_358 : vector<16xf32>, vector<16xf32>, vector<16xf32>, vector<16xf32>, vector<16xf32>
      }
      %scan3A_78 = arith.constant 128 : i32
      %scan3A_79 = arith.addi %scan3A_73, %scan3A_78 : i32
      %sub3A_80 = arith.constant 128 : i32
      %sub3A_81 = arith.subi %sub3A_80, %scan3A_79 : i32
      %mul3A_82 = arith.constant 64 : i32
      %mul3A_83 = arith.muli %sub3A_81, %mul3A_82 : i32
      %get3A = arith.index_cast %mul3A_83 : i32 to index
      %get3A_84 = tpu.vector_load %arg5[%get3A] {strides = array<i32>} : memref<8256xf32, #tpu.memory_space<vmem>>, vector<16xf32>,
      %mul3A_85 = arith.constant 64 : i32
      %mul3A_86 = arith.muli %sub3A_81, %mul3A_85 : i32
      %add3A_87 = arith.constant 16 : i32
      %add3A_88 = arith.addi %mul3A_86, %add3A_87 : i32
      %get3A_89 = arith.index_cast %add3A_88 : i32 to index
      %get3A_90 = tpu.vector_load %arg5[%get3A_89] {strides = array<i32>} : memref<8256xf32, #tpu.memory_space<vmem>>, vector<16xf32>,
      %add3A_91 = arith.addf %get3A_84, %get3A_90 : vector<16xf32>
      %mul3A_92 = arith.constant 64 : i32
      %mul3A_93 = arith.muli %sub3A_81, %mul3A_92 : i32
      %add3A_94 = arith.constant 32 : i32
      %add3A_95 = arith.addi %mul3A_93, %add3A_94 : i32
      %get3A_96 = arith.index_cast %add3A_95 : i32 to index
      %get3A_97 = tpu.vector_load %arg5[%get3A_96] {strides = array<i32>} : memref<8256xf32, #tpu.memory_space<vmem>>, vector<16xf32>,
      %add3A_98 = arith.addf %add3A_91, %get3A_97 : vector<16xf32>
      %mul3A_99 = arith.constant 64 : i32
      %mul3A_100 = arith.muli %sub3A_81, %mul3A_99 : i32
      %add3A_101 = arith.constant 48 : i32
      %add3A_102 = arith.addi %mul3A_100, %add3A_101 : i32
      %get3A_103 = arith.index_cast %add3A_102 : i32 to index
      %get3A_104 = tpu.vector_load %arg5[%get3A_103] {strides = array<i32>} : memref<8256xf32, #tpu.memory_space<vmem>>, vector<16xf32>,
      %add3A_105 = arith.addf %add3A_98, %get3A_104 : vector<16xf32>
      %add3A_106 = arith.addf %scan3A_77#0, %add3A_105 : vector<16xf32>
      %ge3A = arith.constant 1.020000e+02 : f32
      %ge3A_107 = vector.broadcast %ge3A : f32 to vector<16xf32>
      %ge3A_108 = arith.cmpf oge, %add3A_106, %ge3A_107 : vector<16xf32>
      %eq3A = arith.constant 0.000000e+00 : f32
      %eq3A_109 = vector.broadcast %eq3A : f32 to vector<16xf32>
      %eq3A_110 = arith.cmpf oeq, %scan3A_77#3, %eq3A_109 : vector<16xf32>
      %and3A = arith.andi %ge3A_108, %eq3A_110 : vector<16xi1>
      %select_n3A = arith.select %and3A, %scan3A_77#4, %scan3A_77#1 : vector<16xi1>, vector<16xf32>
      %select_n3A_111 = arith.select %and3A, %scan3A_77#0, %scan3A_77#2 : vector<16xi1>, vector<16xf32>
      %select_n3A_112 = arith.select %and3A, %broadcast_in_dim3A_7, %scan3A_77#3 : vector<16xi1>, vector<16xf32>
      %sub3A_113 = arith.constant 1.000000e+00 : f32
      %sub3A_114 = vector.broadcast %sub3A_113 : f32 to vector<16xf32>
      %sub3A_115 = arith.subf %scan3A_77#4, %sub3A_114 : vector<16xf32>
      %scan3A_116 = arith.constant 129 : i32
      %sub3A_117 = arith.constant 6.400000e+01 : f32
      %sub3A_118 = vector.broadcast %sub3A_117 : f32 to vector<16xf32>
      %sub3A_119 = arith.subf %select_n3A, %sub3A_118 : vector<16xf32>
      %sub3A_120 = arith.constant 1.020000e+02 : f32
      %sub3A_121 = vector.broadcast %sub3A_120 : f32 to vector<16xf32>
      %sub3A_122 = arith.subf %sub3A_121, %select_n3A_111 : vector<16xf32>
      %add3A_123 = arith.constant 0x4B000000 : f32
      %add3A_124 = vector.broadcast %add3A_123 : f32 to vector<16xf32>
      %add3A_125 = arith.addf %select_n3A, %add3A_124 : vector<16xf32>
      %bitcast3A_126 = vector.bitcast %add3A_125 : vector<16xf32> to vector<16xi32>
      %and3A_127 = arith.constant 8388607 : i32
      %and3A_128 = vector.broadcast %and3A_127 : i32 to vector<16xi32>
      %and3A_129 = arith.andi %bitcast3A_126, %and3A_128 : vector<16xi32>
      %shift_left3A = arith.constant 6 : i32
      %shift_left3A_130 = vector.broadcast %shift_left3A : i32 to vector<16xi32>
      %shift_left3A_131 = arith.shli %and3A_129, %shift_left3A_130 : vector<16xi32>
      %add3A_132 = arith.addi %shift_left3A_131, %iota3A : vector<16xi32>
      %gather3A = tpu.vector_load_idx %arg5[%add3A_132] : memref<8256xf32, #tpu.memory_space<vmem>>[vector<16xi32>], vector<16xf32>,
      %add3A_133 = arith.constant 16 : i32
      %add3A_134 = vector.broadcast %add3A_133 : i32 to vector<16xi32>
      %add3A_135 = arith.addi %add3A_132, %add3A_134 : vector<16xi32>
      %gather3A_136 = tpu.vector_load_idx %arg5[%add3A_135] : memref<8256xf32, #tpu.memory_space<vmem>>[vector<16xi32>], vector<16xf32>,
      %add3A_137 = arith.constant 32 : i32
      %add3A_138 = vector.broadcast %add3A_137 : i32 to vector<16xi32>
      %add3A_139 = arith.addi %add3A_132, %add3A_138 : vector<16xi32>
      %gather3A_140 = tpu.vector_load_idx %arg5[%add3A_139] : memref<8256xf32, #tpu.memory_space<vmem>>[vector<16xi32>], vector<16xf32>,
      %add3A_141 = arith.addf %gather3A, %gather3A_136 : vector<16xf32>
      %add3A_142 = arith.addf %add3A_141, %gather3A_140 : vector<16xf32>
      %ge3A_143 = arith.cmpf oge, %gather3A, %sub3A_122 : vector<16xf32>
      %ge3A_144 = arith.cmpf oge, %add3A_141, %sub3A_122 : vector<16xf32>
      %ge3A_145 = arith.cmpf oge, %add3A_142, %sub3A_122 : vector<16xf32>
      %jit3A = arith.constant 2.000000e+00 : f32
      %jit3A_146 = arith.constant 3.000000e+00 : f32
      %broadcast_in_dim3A_147 = vector.broadcast %jit3A : f32 to vector<16xf32>
      %broadcast_in_dim3A_148 = vector.broadcast %jit3A_146 : f32 to vector<16xf32>
      %select_n3A_149 = arith.select %ge3A_145, %broadcast_in_dim3A_147, %broadcast_in_dim3A_148 : vector<16xi1>, vector<16xf32>
      %jit3A_150 = arith.constant 1.000000e+00 : f32
      %broadcast_in_dim3A_151 = vector.broadcast %jit3A_150 : f32 to vector<16xf32>
      %select_n3A_152 = arith.select %ge3A_144, %broadcast_in_dim3A_151, %select_n3A_149 : vector<16xi1>, vector<16xf32>
      %jit3A_153 = arith.constant 0.000000e+00 : f32
      %broadcast_in_dim3A_154 = vector.broadcast %jit3A_153 : f32 to vector<16xf32>
      %select_n3A_155 = arith.select %ge3A_143, %broadcast_in_dim3A_154, %select_n3A_152 : vector<16xi1>, vector<16xf32>
      %select_n3A_156 = arith.select %ge3A_145, %add3A_141, %add3A_142 : vector<16xi1>, vector<16xf32>
      %select_n3A_157 = arith.select %ge3A_144, %gather3A, %select_n3A_156 : vector<16xi1>, vector<16xf32>
      %select_n3A_158 = arith.select %ge3A_143, %broadcast_in_dim3A_5, %select_n3A_157 : vector<16xi1>, vector<16xf32>
      %sub3A_159 = arith.subf %sub3A_122, %select_n3A_158 : vector<16xf32>
      %mul3A_160 = arith.constant 5.120000e+02 : f32
      %mul3A_161 = vector.broadcast %mul3A_160 : f32 to vector<16xf32>
      %mul3A_162 = arith.mulf %select_n3A_155, %mul3A_161 : vector<16xf32>
      %add3A_163 = arith.constant 0x4B000000 : f32
      %add3A_164 = vector.broadcast %add3A_163 : f32 to vector<16xf32>
      %add3A_165 = arith.addf %mul3A_162, %add3A_164 : vector<16xf32>
      %bitcast3A_166 = vector.bitcast %add3A_165 : vector<16xf32> to vector<16xi32>
      %and3A_167 = arith.constant 8388607 : i32
      %and3A_168 = vector.broadcast %and3A_167 : i32 to vector<16xi32>
      %and3A_169 = arith.andi %bitcast3A_166, %and3A_168 : vector<16xi32>
      %parallel_loop3A_170 = arith.constant 0 : i32
      %parallel_loop3A_171 = arith.constant 512 : i32
      %parallel_loop3A_172 = arith.constant 1 : i32
      %parallel_loop3A_173:4 = scf.for %parallel_loop3A_183 = %parallel_loop3A_170 to %parallel_loop3A_171 step %parallel_loop3A_172 iter_args(%parallel_loop3A_184 = %broadcast_in_dim3A_5, %parallel_loop3A_185 = %broadcast_in_dim3A_5, %parallel_loop3A_186 = %mul3A_162, %parallel_loop3A_187 = %and3A_169) -> (vector<16xf32>, vector<16xf32>, vector<16xf32>, vector<16xi32>)  : i32 {
        %parallel_loop3A_188 = tpu.vector_load_idx %arg4[%iota3A, %parallel_loop3A_187] : memref<16x2048xf32, #tpu.memory_space<vmem>>[vector<16xi32>, vector<16xi32>], vector<16xf32>,
        %parallel_loop3A_189 = arith.cmpf oeq, %parallel_loop3A_188, %sub3A_119 : vector<16xf32>
        %parallel_loop3A_190 = arith.constant 1.000000e+00 : f32
        %parallel_loop3A_191 = arith.constant 0.000000e+00 : f32
        %parallel_loop3A_192 = vector.broadcast %parallel_loop3A_190 : f32 to vector<16xf32>
        %parallel_loop3A_193 = vector.broadcast %parallel_loop3A_191 : f32 to vector<16xf32>
        %parallel_loop3A_194 = arith.select %parallel_loop3A_189, %parallel_loop3A_192, %parallel_loop3A_193 : vector<16xi1>, vector<16xf32>
        %parallel_loop3A_195 = arith.addf %parallel_loop3A_184, %parallel_loop3A_194 : vector<16xf32>
        %parallel_loop3A_196 = arith.cmpf oeq, %parallel_loop3A_195, %sub3A_159 : vector<16xf32>
        %parallel_loop3A_197 = arith.andi %parallel_loop3A_189, %parallel_loop3A_196 : vector<16xi1>
        %parallel_loop3A_198 = arith.select %parallel_loop3A_197, %parallel_loop3A_186, %parallel_loop3A_185 : vector<16xi1>, vector<16xf32>
        %parallel_loop3A_199 = arith.constant 1.000000e+00 : f32
        %parallel_loop3A_200 = vector.broadcast %parallel_loop3A_199 : f32 to vector<16xf32>
        %parallel_loop3A_201 = arith.addf %parallel_loop3A_186, %parallel_loop3A_200 : vector<16xf32>
        %parallel_loop3A_202 = arith.constant 1 : i32
        %parallel_loop3A_203 = vector.broadcast %parallel_loop3A_202 : i32 to vector<16xi32>
        %parallel_loop3A_204 = arith.addi %parallel_loop3A_187, %parallel_loop3A_203 : vector<16xi32>
        scf.yield %parallel_loop3A_195, %parallel_loop3A_198, %parallel_loop3A_201, %parallel_loop3A_204 : vector<16xf32>, vector<16xf32>, vector<16xf32>, vector<16xi32>
      } {sc.loop_unroll_factor = 8 : i64, sc.parallel_access}
      %mul3A_174 = arith.constant 2.048000e+03 : f32
      %mul3A_175 = vector.broadcast %mul3A_174 : f32 to vector<16xf32>
      %mul3A_176 = arith.mulf %sub3A_119, %mul3A_175 : vector<16xf32>
      %sub3A_177 = arith.constant 2.047000e+03 : f32
      %sub3A_178 = vector.broadcast %sub3A_177 : f32 to vector<16xf32>
      %sub3A_179 = arith.subf %sub3A_178, %parallel_loop3A_173#1 : vector<16xf32>
      %add3A_180 = arith.addf %mul3A_176, %sub3A_179 : vector<16xf32>
      %swap3A = arith.constant 0 : index
      %swap3A_181 = tpu.vector_load %arg6[%swap3A] {strides = array<i32>} : memref<16xf32, #tpu.memory_space<vmem>>, vector<16xf32>,
      tpu.vector_store %arg6[%swap3A], %add3A_180 {strides = array<i32>} : memref<16xf32, #tpu.memory_space<vmem>>, vector<16xf32>,
      "tpu.region"() ({
        %run_scoped3A = tpu.sem_alloc : memref<!tpu.dma_semaphore, #tpu.memory_space<semaphore_mem>>
        %dma_start3A = tpu.memref_slice %arg3[%add3A_20] : memref<12288xf32, #tpu.memory_space<hbm>> -> memref<16xf32, #tpu.memory_space<hbm>>
        %dma_start3A_183 = tpu.memref_slice %arg3[%add3A_20] : memref<12288xf32, #tpu.memory_space<hbm>> -> memref<16xf32, #tpu.memory_space<hbm>>
        tpu.enqueue_dma source(%arg6 : memref<16xf32, #tpu.memory_space<vmem>>) target(%dma_start3A_183 : memref<16xf32, #tpu.memory_space<hbm>>) target_semaphore(%run_scoped3A : memref<!tpu.dma_semaphore, #tpu.memory_space<semaphore_mem>>)
        %dma_wait3A = tpu.memref_slice %arg3[%add3A_20] : memref<12288xf32, #tpu.memory_space<hbm>> -> memref<16xf32, #tpu.memory_space<hbm>>
        %dma_wait3A_184 = tpu.memref_slice %arg3[%add3A_20] : memref<12288xf32, #tpu.memory_space<hbm>> -> memref<16xf32, #tpu.memory_space<hbm>>
        tpu.wait_dma2 semaphore(%run_scoped3A : memref<!tpu.dma_semaphore, #tpu.memory_space<semaphore_mem>>) src(%arg6 : memref<16xf32, #tpu.memory_space<vmem>>) dst(%dma_wait3A_184 : memref<16xf32, #tpu.memory_space<hbm>>)
        tpu.yield
      }) : () -> ()
      %scan3A_182 = arith.constant 0 : i32
      scf.yield %scan3A_182 : i32
    }
    %scan3A_13 = arith.constant 24 : i32
    return
  }
}

module attributes {stable_mosaic.version = 14 : i64} {
  func.func @_score_body(%arg0: i32, %arg1: i32, %arg2: memref<1x256x64xf32, #tpu.memory_space<vmem>>, %arg3: memref<1x2048x64xf32, #tpu.memory_space<vmem>>, %arg4: memref<1x256x2048xf32, #tpu.memory_space<vmem>>) attributes {dimension_semantics = [#tpu.dimension_semantics<arbitrary>, #tpu.dimension_semantics<arbitrary>], iteration_bounds = array<i64: 12, 8>, scalar_prefetch = 0 : i64, scratch_operands = 0 : i64, tpu.core_type = #tpu.core_type<tc>, window_params = [{transform_indices = @transform_0, window_bounds = array<i64: 1, 256, 64>}, {transform_indices = @transform_1, window_bounds = array<i64: 1, 2048, 64>}, {transform_indices = @transform_2, window_bounds = array<i64: 1, 256, 2048>}]} {
    %get3A = arith.constant 0 : index
    %get3A_0 = arith.constant 0 : index
    %get3A_1 = arith.constant 0 : index
    %get3A_2 = vector.load %arg2[%get3A, %get3A_0, %get3A_1] : memref<1x256x64xf32, #tpu.memory_space<vmem>>, vector<1x256x64xf32>
    %get3A_3 = vector.shape_cast %get3A_2 : vector<1x256x64xf32> to vector<256x64xf32>
    %sign3A = tpu.bitcast %get3A_3 : vector<256x64xf32> -> vector<256x64xi32>
    %sign3A_4 = arith.constant -2147483648 : i32
    %sign3A_5 = vector.broadcast %sign3A_4 : i32 to vector<256x64xi32>
    %sign3A_6 = arith.andi %sign3A, %sign3A_5 : vector<256x64xi32>
    %sign3A_7 = arith.constant 1065353216 : i32
    %sign3A_8 = vector.broadcast %sign3A_7 : i32 to vector<256x64xi32>
    %sign3A_9 = arith.ori %sign3A_8, %sign3A_6 : vector<256x64xi32>
    %sign3A_10 = tpu.bitcast %sign3A_9 : vector<256x64xi32> -> vector<256x64xf32>
    %sign3A_11 = math.absf %get3A_3 : vector<256x64xf32>
    %sign3A_12 = arith.constant 0.000000e+00 : f32
    %sign3A_13 = vector.broadcast %sign3A_12 : f32 to vector<256x64xf32>
    %sign3A_14 = arith.cmpf ogt, %sign3A_11, %sign3A_13 : vector<256x64xf32>
    %sign3A_15 = arith.select %sign3A_14, %sign3A_10, %get3A_3 : vector<256x64xi1>, vector<256x64xf32>
    %convert_element_type3A = arith.truncf %sign3A_15 : vector<256x64xf32> to vector<256x64xbf16>
    %get3A_16 = arith.constant 0 : index
    %get3A_17 = arith.constant 0 : index
    %get3A_18 = arith.constant 0 : index
    %get3A_19 = vector.load %arg3[%get3A_16, %get3A_17, %get3A_18] : memref<1x2048x64xf32, #tpu.memory_space<vmem>>, vector<1x2048x64xf32>
    %get3A_20 = vector.shape_cast %get3A_19 : vector<1x2048x64xf32> to vector<2048x64xf32>
    %sign3A_21 = tpu.bitcast %get3A_20 : vector<2048x64xf32> -> vector<2048x64xi32>
    %sign3A_22 = arith.constant -2147483648 : i32
    %sign3A_23 = vector.broadcast %sign3A_22 : i32 to vector<2048x64xi32>
    %sign3A_24 = arith.andi %sign3A_21, %sign3A_23 : vector<2048x64xi32>
    %sign3A_25 = arith.constant 1065353216 : i32
    %sign3A_26 = vector.broadcast %sign3A_25 : i32 to vector<2048x64xi32>
    %sign3A_27 = arith.ori %sign3A_26, %sign3A_24 : vector<2048x64xi32>
    %sign3A_28 = tpu.bitcast %sign3A_27 : vector<2048x64xi32> -> vector<2048x64xf32>
    %sign3A_29 = math.absf %get3A_20 : vector<2048x64xf32>
    %sign3A_30 = arith.constant 0.000000e+00 : f32
    %sign3A_31 = vector.broadcast %sign3A_30 : f32 to vector<2048x64xf32>
    %sign3A_32 = arith.cmpf ogt, %sign3A_29, %sign3A_31 : vector<2048x64xf32>
    %sign3A_33 = arith.select %sign3A_32, %sign3A_28, %get3A_20 : vector<2048x64xi1>, vector<2048x64xf32>
    %convert_element_type3A_34 = arith.truncf %sign3A_33 : vector<2048x64xf32> to vector<2048x64xbf16>
    %dot_general3A = arith.constant dense<0.000000e+00> : vector<256x2048xf32>
    %dot_general3A_35 = tpu.matmul %convert_element_type3A, %convert_element_type3A_34, %dot_general3A {dimension_numbers = #tpu.dot_dimension_numbers<[1], [1], [0], [0], [0, 0, 1, 0], [], []>, transpose_lhs_hint = false} : vector<256x64xbf16>, vector<2048x64xbf16>, vector<256x2048xf32> -> vector<256x2048xf32>
    %swap3A = arith.constant 0 : index
    %swap3A_36 = arith.constant 0 : index
    %swap3A_37 = arith.constant 0 : index
    %swap3A_38 = vector.load %arg4[%swap3A, %swap3A_36, %swap3A_37] : memref<1x256x2048xf32, #tpu.memory_space<vmem>>, vector<1x256x2048xf32>
    %swap3A_39 = vector.shape_cast %swap3A_38 : vector<1x256x2048xf32> to vector<256x2048xf32>
    %swap3A_40 = vector.shape_cast %dot_general3A_35 : vector<256x2048xf32> to vector<1x256x2048xf32>
    tpu.vector_store %arg4[%swap3A, %swap3A_36, %swap3A_37], %swap3A_40 {strides = array<i32>} : memref<1x256x2048xf32, #tpu.memory_space<vmem>>, vector<1x256x2048xf32>,
    return
  }
  func.func @transform_0(%arg0: i32, %arg1: i32) -> (i32, i32, i32) {
    %c0_i32 = arith.constant 0 : i32
    %c0_i32_0 = arith.constant 0 : i32
    return %arg0, %arg1, %c0_i32 : i32, i32, i32
  }
  func.func @transform_1(%arg0: i32, %arg1: i32) -> (i32, i32, i32) {
    %c0_i32 = arith.constant 0 : i32
    %c0_i32_0 = arith.constant 0 : i32
    %c0_i32_1 = arith.constant 0 : i32
    return %arg0, %c0_i32, %c0_i32_0 : i32, i32, i32
  }
  func.func @transform_2(%arg0: i32, %arg1: i32) -> (i32, i32, i32) {
    %c0_i32 = arith.constant 0 : i32
    %c0_i32_0 = arith.constant 0 : i32
    return %arg0, %arg1, %c0_i32 : i32, i32, i32
  }
}

module attributes {stable_mosaic.version = 14 : i64} {
  func.func @_attn_body(%arg0: i32, %arg1: i32, %arg2: memref<1x256x64xf32, #tpu.memory_space<vmem>>, %arg3: memref<1x2048x64xf32, #tpu.memory_space<vmem>>, %arg4: memref<1x2048x64xf32, #tpu.memory_space<vmem>>, %arg5: memref<1x256x1xf32, #tpu.memory_space<vmem>>, %arg6: memref<1x256x64xf32, #tpu.memory_space<vmem>>) attributes {dimension_semantics = [#tpu.dimension_semantics<arbitrary>, #tpu.dimension_semantics<arbitrary>], iteration_bounds = array<i64: 6, 8>, scalar_prefetch = 0 : i64, scratch_operands = 0 : i64, tpu.core_type = #tpu.core_type<tc>, window_params = [{transform_indices = @transform_0, window_bounds = array<i64: 1, 256, 64>}, {transform_indices = @transform_1, window_bounds = array<i64: 1, 2048, 64>}, {transform_indices = @transform_2, window_bounds = array<i64: 1, 2048, 64>}, {transform_indices = @transform_3, window_bounds = array<i64: 1, 256, 1>}, {transform_indices = @transform_4, window_bounds = array<i64: 1, 256, 64>}]} {
    %get3A = arith.constant 0 : index
    %get3A_0 = arith.constant 0 : index
    %get3A_1 = arith.constant 0 : index
    %get3A_2 = vector.load %arg2[%get3A, %get3A_0, %get3A_1] : memref<1x256x64xf32, #tpu.memory_space<vmem>>, vector<1x256x64xf32>
    %get3A_3 = vector.shape_cast %get3A_2 : vector<1x256x64xf32> to vector<256x64xf32>
    %get3A_4 = arith.constant 0 : index
    %get3A_5 = arith.constant 0 : index
    %get3A_6 = arith.constant 0 : index
    %get3A_7 = vector.load %arg3[%get3A_4, %get3A_5, %get3A_6] : memref<1x2048x64xf32, #tpu.memory_space<vmem>>, vector<1x2048x64xf32>
    %get3A_8 = vector.shape_cast %get3A_7 : vector<1x2048x64xf32> to vector<2048x64xf32>
    %get3A_9 = arith.constant 0 : index
    %get3A_10 = arith.constant 0 : index
    %get3A_11 = arith.constant 0 : index
    %get3A_12 = vector.load %arg4[%get3A_9, %get3A_10, %get3A_11] : memref<1x2048x64xf32, #tpu.memory_space<vmem>>, vector<1x2048x64xf32>
    %get3A_13 = vector.shape_cast %get3A_12 : vector<1x2048x64xf32> to vector<2048x64xf32>
    %get3A_14 = arith.constant 0 : index
    %get3A_15 = arith.constant 0 : index
    %get3A_16 = arith.constant 0 : index
    %get3A_17 = vector.load %arg5[%get3A_14, %get3A_15, %get3A_16] : memref<1x256x1xf32, #tpu.memory_space<vmem>>, vector<1x256x1xf32>
    %get3A_18 = vector.shape_cast %get3A_17 : vector<1x256x1xf32> to vector<256x1xf32>
    %sign3A = tpu.bitcast %get3A_3 : vector<256x64xf32> -> vector<256x64xi32>
    %sign3A_19 = arith.constant -2147483648 : i32
    %sign3A_20 = vector.broadcast %sign3A_19 : i32 to vector<256x64xi32>
    %sign3A_21 = arith.andi %sign3A, %sign3A_20 : vector<256x64xi32>
    %sign3A_22 = arith.constant 1065353216 : i32
    %sign3A_23 = vector.broadcast %sign3A_22 : i32 to vector<256x64xi32>
    %sign3A_24 = arith.ori %sign3A_23, %sign3A_21 : vector<256x64xi32>
    %sign3A_25 = tpu.bitcast %sign3A_24 : vector<256x64xi32> -> vector<256x64xf32>
    %sign3A_26 = math.absf %get3A_3 : vector<256x64xf32>
    %sign3A_27 = arith.constant 0.000000e+00 : f32
    %sign3A_28 = vector.broadcast %sign3A_27 : f32 to vector<256x64xf32>
    %sign3A_29 = arith.cmpf ogt, %sign3A_26, %sign3A_28 : vector<256x64xf32>
    %sign3A_30 = arith.select %sign3A_29, %sign3A_25, %get3A_3 : vector<256x64xi1>, vector<256x64xf32>
    %convert_element_type3A = arith.truncf %sign3A_30 : vector<256x64xf32> to vector<256x64xbf16>
    %sign3A_31 = tpu.bitcast %get3A_8 : vector<2048x64xf32> -> vector<2048x64xi32>
    %sign3A_32 = arith.constant -2147483648 : i32
    %sign3A_33 = vector.broadcast %sign3A_32 : i32 to vector<2048x64xi32>
    %sign3A_34 = arith.andi %sign3A_31, %sign3A_33 : vector<2048x64xi32>
    %sign3A_35 = arith.constant 1065353216 : i32
    %sign3A_36 = vector.broadcast %sign3A_35 : i32 to vector<2048x64xi32>
    %sign3A_37 = arith.ori %sign3A_36, %sign3A_34 : vector<2048x64xi32>
    %sign3A_38 = tpu.bitcast %sign3A_37 : vector<2048x64xi32> -> vector<2048x64xf32>
    %sign3A_39 = math.absf %get3A_8 : vector<2048x64xf32>
    %sign3A_40 = arith.constant 0.000000e+00 : f32
    %sign3A_41 = vector.broadcast %sign3A_40 : f32 to vector<2048x64xf32>
    %sign3A_42 = arith.cmpf ogt, %sign3A_39, %sign3A_41 : vector<2048x64xf32>
    %sign3A_43 = arith.select %sign3A_42, %sign3A_38, %get3A_8 : vector<2048x64xi1>, vector<2048x64xf32>
    %convert_element_type3A_44 = arith.truncf %sign3A_43 : vector<2048x64xf32> to vector<2048x64xbf16>
    %dot_general3A = arith.constant dense<0.000000e+00> : vector<256x2048xf32>
    %dot_general3A_45 = tpu.matmul %convert_element_type3A, %convert_element_type3A_44, %dot_general3A {dimension_numbers = #tpu.dot_dimension_numbers<[1], [1], [0], [0], [0, 0, 1, 0], [], []>, transpose_lhs_hint = false} : vector<256x64xbf16>, vector<2048x64xbf16>, vector<256x2048xf32> -> vector<256x2048xf32>
    %iota3A = tpu.iota {dimensions = array<i32: 1>} : vector<256x2048xi32>
    %convert_element_type3A_46 = arith.sitofp %iota3A : vector<256x2048xi32> to vector<256x2048xf32>
    %mul3A = arith.constant 2.048000e+03 : f32
    %mul3A_47 = vector.broadcast %mul3A : f32 to vector<256x2048xf32>
    %mul3A_48 = arith.mulf %dot_general3A_45, %mul3A_47 : vector<256x2048xf32>
    %sub3A = arith.constant 2.047000e+03 : f32
    %sub3A_49 = vector.broadcast %sub3A : f32 to vector<256x2048xf32>
    %sub3A_50 = arith.subf %sub3A_49, %convert_element_type3A_46 : vector<256x2048xf32>
    %add3A = arith.addf %mul3A_48, %sub3A_50 : vector<256x2048xf32>
    %ge3A = vector.broadcast %get3A_18 : vector<256x1xf32> to vector<256x2048xf32>
    %ge3A_51 = arith.cmpf oge, %add3A, %ge3A : vector<256x2048xf32>
    %convert_element_type3A_52 = arith.truncf %get3A_3 : vector<256x64xf32> to vector<256x64xbf16>
    %convert_element_type3A_53 = arith.extf %convert_element_type3A_52 : vector<256x64xbf16> to vector<256x64xf32>
    %sub3A_54 = arith.subf %get3A_3, %convert_element_type3A_53 : vector<256x64xf32>
    %convert_element_type3A_55 = arith.truncf %sub3A_54 : vector<256x64xf32> to vector<256x64xbf16>
    %convert_element_type3A_56 = arith.truncf %get3A_8 : vector<2048x64xf32> to vector<2048x64xbf16>
    %convert_element_type3A_57 = arith.extf %convert_element_type3A_56 : vector<2048x64xbf16> to vector<2048x64xf32>
    %sub3A_58 = arith.subf %get3A_8, %convert_element_type3A_57 : vector<2048x64xf32>
    %convert_element_type3A_59 = arith.truncf %sub3A_58 : vector<2048x64xf32> to vector<2048x64xbf16>
    %dot_general3A_60 = arith.constant dense<0.000000e+00> : vector<256x2048xf32>
    %dot_general3A_61 = tpu.matmul %convert_element_type3A_52, %convert_element_type3A_56, %dot_general3A_60 {dimension_numbers = #tpu.dot_dimension_numbers<[1], [1], [0], [0], [0, 0, 1, 0], [], []>, transpose_lhs_hint = false} : vector<256x64xbf16>, vector<2048x64xbf16>, vector<256x2048xf32> -> vector<256x2048xf32>
    %dot_general3A_62 = arith.constant dense<0.000000e+00> : vector<256x2048xf32>
    %dot_general3A_63 = tpu.matmul %convert_element_type3A_52, %convert_element_type3A_59, %dot_general3A_62 {dimension_numbers = #tpu.dot_dimension_numbers<[1], [1], [0], [0], [0, 0, 1, 0], [], []>, transpose_lhs_hint = false} : vector<256x64xbf16>, vector<2048x64xbf16>, vector<256x2048xf32> -> vector<256x2048xf32>
    %add3A_64 = arith.addf %dot_general3A_61, %dot_general3A_63 : vector<256x2048xf32>
    %dot_general3A_65 = arith.constant dense<0.000000e+00> : vector<256x2048xf32>
    %dot_general3A_66 = tpu.matmul %convert_element_type3A_55, %convert_element_type3A_56, %dot_general3A_65 {dimension_numbers = #tpu.dot_dimension_numbers<[1], [1], [0], [0], [0, 0, 1, 0], [], []>, transpose_lhs_hint = false} : vector<256x64xbf16>, vector<2048x64xbf16>, vector<256x2048xf32> -> vector<256x2048xf32>
    %add3A_67 = arith.addf %add3A_64, %dot_general3A_66 : vector<256x2048xf32>
    %mul3A_68 = arith.constant 1.250000e-01 : f32
    %mul3A_69 = vector.broadcast %mul3A_68 : f32 to vector<256x2048xf32>
    %mul3A_70 = arith.mulf %add3A_67, %mul3A_69 : vector<256x2048xf32>
    %jit3A = arith.constant 0xFF800000 : f32
    %broadcast_in_dim3A = vector.broadcast %jit3A : f32 to vector<256x2048xf32>
    %select_n3A = arith.select %ge3A_51, %mul3A_70, %broadcast_in_dim3A : vector<256x2048xi1>, vector<256x2048xf32>
    %reduce_max3A = arith.constant dense<0xFF800000> : vector<256xf32>
    %reduce_max3A_71 = vector.multi_reduction <maximumf>, %select_n3A, %reduce_max3A [1] : vector<256x2048xf32> to vector<256xf32>
    %broadcast_in_dim3A_72 = vector.shape_cast %reduce_max3A_71 : vector<256xf32> to vector<256x1xf32>
    %sub3A_73 = vector.broadcast %broadcast_in_dim3A_72 : vector<256x1xf32> to vector<256x2048xf32>
    %sub3A_74 = arith.subf %select_n3A, %sub3A_73 : vector<256x2048xf32>
    %exp3A = math.exp %sub3A_74 : vector<256x2048xf32>
    %reduce_sum3A = arith.constant dense<0.000000e+00> : vector<256xf32>
    %reduce_sum3A_75 = vector.multi_reduction <add>, %exp3A, %reduce_sum3A [1] : vector<256x2048xf32> to vector<256xf32>
    %broadcast_in_dim3A_76 = vector.shape_cast %reduce_sum3A_75 : vector<256xf32> to vector<256x1xf32>
    %convert_element_type3A_77 = arith.truncf %exp3A : vector<256x2048xf32> to vector<256x2048xbf16>
    %convert_element_type3A_78 = arith.extf %convert_element_type3A_77 : vector<256x2048xbf16> to vector<256x2048xf32>
    %sub3A_79 = arith.subf %exp3A, %convert_element_type3A_78 : vector<256x2048xf32>
    %convert_element_type3A_80 = arith.truncf %sub3A_79 : vector<256x2048xf32> to vector<256x2048xbf16>
    %convert_element_type3A_81 = arith.truncf %get3A_13 : vector<2048x64xf32> to vector<2048x64xbf16>
    %convert_element_type3A_82 = arith.extf %convert_element_type3A_81 : vector<2048x64xbf16> to vector<2048x64xf32>
    %sub3A_83 = arith.subf %get3A_13, %convert_element_type3A_82 : vector<2048x64xf32>
    %convert_element_type3A_84 = arith.truncf %sub3A_83 : vector<2048x64xf32> to vector<2048x64xbf16>
    %dot_general3A_85 = arith.constant dense<0.000000e+00> : vector<256x64xf32>
    %dot_general3A_86 = tpu.matmul %convert_element_type3A_77, %convert_element_type3A_81, %dot_general3A_85 {dimension_numbers = #tpu.dot_dimension_numbers<[1], [0], [0], [1], [0, 0, 1, 1], [], []>, transpose_lhs_hint = false} : vector<256x2048xbf16>, vector<2048x64xbf16>, vector<256x64xf32> -> vector<256x64xf32>
    %dot_general3A_87 = arith.constant dense<0.000000e+00> : vector<256x64xf32>
    %dot_general3A_88 = tpu.matmul %convert_element_type3A_77, %convert_element_type3A_84, %dot_general3A_87 {dimension_numbers = #tpu.dot_dimension_numbers<[1], [0], [0], [1], [0, 0, 1, 1], [], []>, transpose_lhs_hint = false} : vector<256x2048xbf16>, vector<2048x64xbf16>, vector<256x64xf32> -> vector<256x64xf32>
    %add3A_89 = arith.addf %dot_general3A_86, %dot_general3A_88 : vector<256x64xf32>
    %dot_general3A_90 = arith.constant dense<0.000000e+00> : vector<256x64xf32>
    %dot_general3A_91 = tpu.matmul %convert_element_type3A_80, %convert_element_type3A_81, %dot_general3A_90 {dimension_numbers = #tpu.dot_dimension_numbers<[1], [0], [0], [1], [0, 0, 1, 1], [], []>, transpose_lhs_hint = false} : vector<256x2048xbf16>, vector<2048x64xbf16>, vector<256x64xf32> -> vector<256x64xf32>
    %add3A_92 = arith.addf %add3A_89, %dot_general3A_91 : vector<256x64xf32>
    %div3A = vector.broadcast %broadcast_in_dim3A_76 : vector<256x1xf32> to vector<256x64xf32>
    %div3A_93 = arith.divf %add3A_92, %div3A : vector<256x64xf32>
    %swap3A = arith.constant 0 : index
    %swap3A_94 = arith.constant 0 : index
    %swap3A_95 = arith.constant 0 : index
    %swap3A_96 = vector.load %arg6[%swap3A, %swap3A_94, %swap3A_95] : memref<1x256x64xf32, #tpu.memory_space<vmem>>, vector<1x256x64xf32>
    %swap3A_97 = vector.shape_cast %swap3A_96 : vector<1x256x64xf32> to vector<256x64xf32>
    %swap3A_98 = vector.shape_cast %div3A_93 : vector<256x64xf32> to vector<1x256x64xf32>
    tpu.vector_store %arg6[%swap3A, %swap3A_94, %swap3A_95], %swap3A_98 {strides = array<i32>} : memref<1x256x64xf32, #tpu.memory_space<vmem>>, vector<1x256x64xf32>,
    return
  }
  func.func @transform_0(%arg0: i32, %arg1: i32) -> (i32, i32, i32) {
    %c0_i32 = arith.constant 0 : i32
    %c0_i32_0 = arith.constant 0 : i32
    return %arg0, %arg1, %c0_i32 : i32, i32, i32
  }
  func.func @transform_1(%arg0: i32, %arg1: i32) -> (i32, i32, i32) {
    %c0_i32 = arith.constant 0 : i32
    %c0_i32_0 = arith.constant 0 : i32
    %c0_i32_1 = arith.constant 0 : i32
    return %arg0, %c0_i32, %c0_i32_0 : i32, i32, i32
  }
  func.func @transform_2(%arg0: i32, %arg1: i32) -> (i32, i32, i32) {
    %c0_i32 = arith.constant 0 : i32
    %c0_i32_0 = arith.constant 0 : i32
    %c0_i32_1 = arith.constant 0 : i32
    return %arg0, %c0_i32, %c0_i32_0 : i32, i32, i32
  }
  func.func @transform_3(%arg0: i32, %arg1: i32) -> (i32, i32, i32) {
    %mul3A = arith.constant 8 : i32
    %mul3A_0 = arith.muli %arg0, %mul3A : i32
    %add3A = arith.addi %mul3A_0, %arg1 : i32
    %c0_i32 = arith.constant 0 : i32
    %c0_i32_1 = arith.constant 0 : i32
    %c0_i32_2 = arith.constant 0 : i32
    return %add3A, %c0_i32, %c0_i32_1 : i32, i32, i32
  }
  func.func @transform_4(%arg0: i32, %arg1: i32) -> (i32, i32, i32) {
    %c0_i32 = arith.constant 0 : i32
    %c0_i32_0 = arith.constant 0 : i32
    return %arg0, %arg1, %c0_i32 : i32, i32, i32
  }
}

</mosaic_0001>

<sc_bundles>
// kernel: kernel.10.cloned.1.call-start
scs
__scs_entry_jumppad:
0x0: {  	(pc) =	sbr.rel $0x88, $3  }
0x1: {  	(tag) =	ssettag $0x0;
	lr =	simm.s32 $0x1  }
0x2: {  	[smem:$0x3F9E] =	sst lr;
	_ =	strace $0xD0000000  }
0x3: {  	_ = 	snop  }
0x4: {  	_ = 	snop  }
0x5: {  	_ = 	snop  }
0x6: {  	_ = 	snop  }
0x7: {  	_ = 	snop  }
__scs_overlays_trampoline_lowered:
0x8: {  	[smem:$0x3FAD] =	sst s0  }
0x9: {  	[smem:$0x3FAE] =	sst s1  }
0xa: {  	[smem:$0x3FAF] =	sst s2  }
0xb: {  	[smem:$0x3FB0] =	sst s3  }
0xc: {  	[smem:$0x3FB1] =	sst s4  }
0xd: {  	[smem:$0x3FB2] =	sst s5  }
0xe: {  	[smem:$0x3FB3] =	sst s6  }
0xf: {  	[smem:$0x3FB4] =	sst s7  }
0x10: {  	[smem:$0x3FB5] =	sst s8  }
0x11: {  	[smem:$0x3FB6] =	sst s9;
	s0 =	simm.s32 @!p0 $0x0  }
0x12: {  	s1 =	sld [smem:$0x3F9C];
	s0 =	simm.s32 @p0 $0x1  }
0x13: {  	[smem:$0x3FB7] =	sst s0;
	s0 =	simm.s32 @!p1 $0x0  }
0x14: {  	s2 =	sld [smem:$0x3F9B];
	s0 =	simm.s32 @p1 $0x1  }
0x15: {  	[smem:$0x3FB8] =	sst s0;
	s0 =	simm.s32 @!p2 $0x0  }
0x16: {  	s3 =	sld [smem:$0x3FDB];
	s0 =	simm.s32 @p2 $0x1  }
0x17: {  	s4 =	simm.s32 $0x1BF5;
	[smem:$0x3FBA] =	sst s0  }
0x18: {  	s0 =	sld [smem:$0x3F9D];
	_ =	swait.ge [sflag:s4], $0x0  }
0x19: {  	s7 =	sld [smem:$0x3F9E]  }
0x1a: {  	s8 =	sadd.s32 $0xFFFFE003, lr  }
0x1b: {  	s9 =	sadd.s32 $0xFFFFFEF7, lr;
	s5 =	simm.s32 $0xFFFFFFFF;
	p2 =	slt.u32 s8, $0xFFFFF086  }
0x1c: {  	p1 =	slt.u32 s9, $0xF7A;
	s5 =	simm.s32 @!p2 $0x0  }
0x1d: {  	s5 =	simm.s32 @p1 $0x1;
	p0 =	seq.s32 s7, s2  }
0x1e: {  	s7 =	smul.u32 @!p0 $0xF7A, s2;
	p2 =	seq.s32 @!p0 s5, $0x0  }
0x1f: {  	s9 =	smul.u32 $0xF7A, s1;
	s8 =	simm.s32 @!p0 $0x1BF5;
	p2 =	por !p2, p0  }
0x20: {  	[sflag:s8] =	ssyncset.s32 @!p0 $0xFFFFF086;
	s6 =	sadd.s32 @!p0 s3, s7;
	s7 =	simm.s32 @!p0 $0x108  }
0x21: {  	s3 =	sadd.s32 s3, s9;
	s6 =	sadd.s32 @!p0 $0x88, s6;
	s7 =	simm.s32 @p2 $0x1082  }
0x22: {  	[simem:s7], [sflag:s8] =	dma.local @!p0 [hbm:s6], $0xF7A  }
0x23: {  	s9 =	sor.u32 $0xD0000000, s2;
	s6 =	simm.s32 $0x108;
	_ =	swait.ge @!p0 [sflag:s8], $0x0  }
0x24: {  	s3 =	sadd.s32 $0x88, s3;
	s6 =	simm.s32 @!p1 $0x1082;
	[sflag:s4] =	ssyncset.s32 $0xFFFFF086  }
0x25: {  	[simem:s6], [sflag:s4] =	dma.local [hbm:s3], $0xF7A  }
0x26: {  	[smem:$0x3F9E] =	sst s1;
	(tag) =	ssettag s2;
	_ =	strace s9  }
0x27: {  	s1 =	sld [smem:$0x3FAE]  }
0x28: {  	s2 =	sld [smem:$0x3FAF]  }
0x29: {  	s4 =	sld [smem:$0x3FB1]  }
0x2a: {  	p0 =	seq.s32 s5, $0x0;
	s5 =	sld [smem:$0x3FB2]  }
0x2b: {  	s6 =	sld [smem:$0x3FB3]  }
0x2c: {  	s7 =	sld [smem:$0x3FB4]  }
0x2d: {  	s3 =	simm.s32 $0x108;
	s8 =	sld [smem:$0x3FB5]  }
0x2e: {  	s3 =	simm.s32 @!p0 $0x1082;
	s9 =	sld [smem:$0x3FB6]  }
0x2f: {  	lr =	sadd.s32 s0, s3;
	s0 =	sld [smem:$0x3FAD]  }
0x30: {  	s3 =	sld [smem:$0x3FB0]  }
0x31: {  	[smem:$0x3FB9] =	sst s10  }
0x32: {  	s10 =	sld [smem:$0x3FB7];
	_ =	sdelay $0x3  }
0x33: {  	p0 =	seq.s32 s10, $0x1;
	s10 =	sld [smem:$0x3FB9];
	_ =	sdelay $0x3  }
0x34: {  	[smem:$0x3FB9] =	sst s10  }
0x35: {  	s10 =	sld [smem:$0x3FB8];
	_ =	sdelay $0x3  }
0x36: {  	p1 =	seq.s32 s10, $0x1;
	s10 =	sld [smem:$0x3FB9];
	_ =	sdelay $0x3  }
0x37: {  	[smem:$0x3FB9] =	sst s10  }
0x38: {  	s10 =	sld [smem:$0x3FBA]  }
0x39: {  	_ = 	snop;
	(pc) =	sbr.ind lr, $3  }
0x3a: {  	_ = 	snop  }
0x3b: {  	_ = 	snop  }
0x3c: {  	p2 =	seq.s32 s10, $0x1;
	s10 =	sld [smem:$0x3FB9]  }
0x3d: {  	_ =	shalt  }
0x3e: {  	_ =	shalt  }
0x3f: {  	_ =	shalt  }
0x40: {  	_ =	shalt  }
0x41: {  	_ =	shalt  }
0x42: {  	_ =	shalt  }
0x43: {  	_ =	shalt  }
0x44: {  	_ =	shalt  }
0x45: {  	_ =	shalt  }
0x46: {  	_ =	shalt  }
0x47: {  	_ =	shalt  }
0x48: {  	_ =	shalt  }
0x49: {  	_ =	shalt  }
0x4a: {  	_ =	shalt  }
0x4b: {  	_ =	shalt  }
0x4c: {  	_ =	shalt  }
0x4d: {  	_ =	shalt  }
0x4e: {  	_ =	shalt  }
0x4f: {  	_ =	shalt  }
0x50: {  	_ =	shalt  }
0x51: {  	_ =	shalt  }
0x52: {  	_ =	shalt  }
0x53: {  	_ =	shalt  }
0x54: {  	_ =	shalt  }
0x55: {  	_ =	shalt  }
0x56: {  	_ =	shalt  }
0x57: {  	_ =	shalt  }
0x58: {  	_ =	shalt  }
0x59: {  	_ =	shalt  }
0x5a: {  	_ =	shalt  }
0x5b: {  	_ =	shalt  }
0x5c: {  	_ =	shalt  }
0x5d: {  	_ =	shalt  }
0x5e: {  	_ =	shalt  }
0x5f: {  	_ =	shalt  }
0x60: {  	_ =	shalt  }
0x61: {  	_ =	shalt  }
0x62: {  	_ =	shalt  }
0x63: {  	_ =	shalt  }
0x64: {  	_ =	shalt  }
0x65: {  	_ =	shalt  }
0x66: {  	_ =	shalt  }
0x67: {  	_ =	shalt  }
0x68: {  	_ =	shalt  }
0x69: {  	_ =	shalt  }
0x6a: {  	_ =	shalt  }
0x6b: {  	_ =	shalt  }
0x6c: {  	_ =	shalt  }
0x6d: {  	_ =	shalt  }
0x6e: {  	_ =	shalt  }
0x6f: {  	_ =	shalt  }
0x70: {  	_ =	shalt  }
0x71: {  	_ =	shalt  }
0x72: {  	_ =	shalt  }
0x73: {  	_ =	shalt  }
0x74: {  	_ =	shalt  }
0x75: {  	_ =	shalt  }
0x76: {  	_ =	shalt  }
0x77: {  	_ =	shalt  }
0x78: {  	_ =	shalt  }
0x79: {  	_ =	shalt  }
0x7a: {  	_ =	shalt  }
0x7b: {  	_ =	shalt  }
0x7c: {  	_ =	shalt  }
0x7d: {  	_ =	shalt  }
0x7e: {  	_ =	shalt  }
0x7f: {  	_ =	shalt  }
0x80: {  	_ =	shalt  }
0x81: {  	_ =	shalt  }
0x82: {  	_ =	shalt  }
0x83: {  	_ =	shalt  }
0x84: {  	_ =	shalt  }
0x85: {  	_ =	shalt  }
0x86: {  	_ =	shalt  }
0x87: {  	_ =	shalt  }
.Lfunc_end0:
.L_simem_size_0:
called_computation.1_lowered:
.L_overlay_start_0:
0x88: {  	s2 =	sld [smem:$0x3FD9]  }
0x89: {  	s3 =	sld [smem:$0x3FFE];
	_ =	sdelay $0x1  }
0x8a: {  	s1 =	srdreg.scid  }
0x8b: {  	s0 =	sand.u32 $0x1, s1  }
0x8c: {  	s16 =	sshll.u32 s0, $0xA;
	s2 =	sadd.s32 s3, s2  }
0x8d: {  	s2 =	sadd.s32 s2, s16  }
0x8e: {  	[smem:$0x3FC5] =	sst s2  }
0x8f: {  	_ = 	snop  }
0x90: {  	(tm) =	ssettm $0x1  }
0x91: {  	s17 =	sld [smem:$0x3FFB];
	_ =	sdelay $0x3  }
0x92: {  	_ =	strace s17  }
0x93: {  	s2 =	sld [smem:$0x3FFC];
	_ =	sdelay $0x3  }
0x94: {  	_ =	strace s2  }
0x95: {  	s2 =	sld [smem:$0x3FFD];
	_ =	sdelay $0x3  }
0x96: {  	_ =	strace s2  }
0x97: {  	_ =	strace $0x8FFFFFFF  }
0x98: {  	s18 =	sld [smem:$0x3FDB];
	_ =	sdelay $0x1  }
0x99: {  	s19 =	simm.s32 $_scs_section_size  }
0x9a: {  	s4 =	simm.s32 $_size__tile_overlayer_lowered;
	s5 =	simm.s32 $_tile_overlayer_lowered  }
0x9b: {  	s22 =	simm.s32 $0x1BFF;
	s21 =	sshll.u32 s5, $0x1;
	s2 =	sadd.s32 s19, s18  }
0x9c: {  	s6 =	simm.s32 $0x0;
	s20 =	sshll.u32 s4, $0x1;
	s4 =	sadd.s32 s21, s2  }
0x9d: {  	[timem:s6], [sflag:s22] =	dma.local [hbm:s4], s20  }
0x9e: {  	_ =	swait.ge [sflag:s22], s20  }
0x9f: {  	s3 =	ssub.s32 $0x0, s20;
	[sflag:s22] =	ssyncset.done $0x0  }
0xa0: {  	[sflag:s22] =	ssyncadd.s32 s3;
	_ =	sdelay $0x1  }
0xa1: {  	s23 =	simm.s32 $0x1B8B  }
0xa2: {  	_ =	swait.ge [sflag:s23], $0x1  }
0xa3: {  	[sflag:s23] =	ssyncset.done $0x0  }
0xa4: {  	s25 =	simm.s32 $0x1B8E;
	s24 =	sld [smem:$0x3FFE];
	[sflag:s23] =	ssyncadd.s32 $0xFFFFFFFF  }
0xa5: {  	s26 =	simm.s32 $execute0_lowered;
	[smem:$0x3FD2] =	sst s25  }
0xa6: {  	s4 =	sshll.u32 s26, $0x1;
	_ =	strace $0x80000046;
	[dreg:$0x1] =	wrdreg $0xFFFFFFFF  }
0xa7: {  	s28 =	simm.s32 $_size_execute0_lowered;
	s2 =	sadd.s32 s2, s4;
	[dreg:$0x0] =	wrdreg $0x0  }
0xa8: {  	s4 =	sshll.u32 s28, $0x1;
	[dreg:$0x2] =	wrdreg s2  }
0xa9: {  	[dreg:$0x3] =	wrdreg s4  }
0xaa: {  	[dreg:$0x4] =	wrdreg $0xC0  }
0xab: {  	_ =	task [dreg:s6], $0x5FFFF  }
0xac: {  	[dreg:$0x1] =	wrdreg $0xFFFFFFFF  }
0xad: {  	[dreg:$0x0] =	wrdreg $0x60  }
0xae: {  	[dreg:$0x2] =	wrdreg s24  }
0xaf: {  	[dreg:$0x3] =	wrdreg $0xA  }
0xb0: {  	_ =	task.clear_ibuf [dreg:s6], $0x4FFFF;
	_ =	strace $0x90000046  }
0xb1: {  	s29 =	simm.s32 $0xA;
	_ =	strace $0x80000048  }
0xb2: {  	_ =	swait.ge [sflag:s29], $0x1  }
0xb3: {  	[sflag:s29] =	ssyncadd.s32 $0xFFFFFFFF  }
0xb4: {  	_ =	strace $0x90000048  }
0xb5: {  	_ =	sfence  }
0xb6: {  	s30 =	sld [smem:$0x0];
	_ =	sdelay $0x2  }
0xb7: {  	s31 =	sshll.u32 s1, $0xD;
	s1 =	sshrl.u32 s1, $0x2  }
0xb8: {  	s3 =	sand.u32 $0x4000, s31;
	s1 =	sadd.s32 s1, s30  }
0xb9: {  	s0 =	sor.u32 s3, s0;
	s1 =	sshll.u32 s1, $0x11  }
0xba: {  	s0 =	sor.u32 s1, s0  }
0xbb: {  	s0 =	sadd.s32 $0x8F2B, s0  }
0xbc: {  	[sflag:s0] =	ssyncadd.remote.s32 $0x1  }
0xbd: {  	_ =	sfence.sel $0xFFFF  }
0xbe: {  	[dreg:$0x0] =	wrdreg $0xFFFFFFFF;
	(pc) =	sbr.abs _section_cstart, $3  }
0xbf: {  	[dreg:$0x1] =	wrdreg $0xFFFFFFFF  }
0xc0: {  	_ =	task.clear_ibuf [dreg:s6], $0x2FFFF;
	_ =	strace $0x9FFFFFFF  }
0xc1: {  	(tm) =	ssettm $0x7FFFFFFF  }
tec
execute0_lowered:
.L_overlay_start_1:
0x0: {  	(tag) =	ssettag $0x1  }
0x1: {  	v0 =	vimm.s32 $0x4380;
	vm9 =	vcmask $0x300;
	vm8 =	vcmask $0x704  }
0x2: {  	vm6 =	vcmask $0xB08;
	vm5 =	vcmask $0xF0C;
	vm3 =	vcmask $0x1310  }
0x3: {  	vm1 =	vcmask $0x1714;
	vm2 =	vcmask $0x1B18;
	vm0 =	vcmask $0x1F1C  }
0x4: {  	v2 =	vimm.f32 $8.392719000e+06;
	v3 =	vimm.s32 $0x4383;
	vm4 =	vcmask $0x2320  }
0x5: {  	vm7 =	vcmask $0x2724;
	vm10 =	vcmask $0x2B28;
	vm11 =	vcmask $0x2F2C  }
0x6: {  	vm12 =	vcmask $0x3330;
	vm13 =	vcmask $0x3734;
	vm14 =	vcmask $0x3B38  }
0x7: {  	v5 =	vimm.f32 $8.392735000e+06;
	v6 =	vimm.f32 $8.392751000e+06;
	v7 =	vimm.f32 $8.392767000e+06  }
0x8: {  	v8 =	vlaneseq.u32;
	v11 =	vimm.f32 $1.536000000e+03;
	v0 =	vsel vm9, $0x0, v0  }
0x9: {  	v2 =	vsel vm9, $0x4B001000, v2;
	v3 =	vsel vm9, $0x3, v3;
	v5 =	vsel vm9, $0x4B001010, v5  }
0xa: {  	s3 =	rddreg [dreg:$0x0];
	v6 =	vsel vm9, $0x4B001020, v6;
	v7 =	vsel vm9, $0x4B001030, v7;
	v9 =	vor.u32 $0x10, v8  }
0xb: {  	s2 =	sadd.s32 $0x6C2E00, s3;
	v10 =	vor.u32 $0x20, v8;
	v0 =	vsel vm8, $0x80, v0;
	v2 =	vsel vm8, $0x4B001001, v2  }
0xc: {  	v3 =	vsel vm8, $0x83, v3;
	v5 =	vsel vm8, $0x4B001011, v5;
	v6 =	vsel vm8, $0x4B001021, v6  }
0xd: {  	v7 =	vsel vm8, $0x4B001031, v7;
	v0 =	vsel vm6, $0x100, v0;
	v2 =	vsel vm6, $0x4B001002, v2  }
0xe: {  	v3 =	vsel vm6, $0x103, v3;
	v5 =	vsel vm6, $0x4B001012, v5;
	v6 =	vsel vm6, $0x4B001022, v6  }
0xf: {  	v7 =	vsel vm6, $0x4B001032, v7;
	v0 =	vsel vm5, $0x180, v0;
	v2 =	vsel vm5, $0x4B001003, v2  }
0x10: {  	v3 =	vsel vm5, $0x183, v3;
	v5 =	vsel vm5, $0x4B001013, v5;
	v6 =	vsel vm5, $0x4B001023, v6  }
0x11: {  	s3 =	sadd.s32 $0x9C2E00, s3;
	v7 =	vsel vm5, $0x4B001033, v7;
	v1 =	vsel vm3, $0x200, v0;
	v0 =	vimm.f32 $0.0e+00  }
0x12: {  	v2 =	vsel vm3, $0x4B001004, v2;
	v3 =	vsel vm3, $0x203, v3;
	v5 =	vsel vm3, $0x4B001014, v5  }
0x13: {  	v6 =	vsel vm3, $0x4B001024, v6;
	v7 =	vsel vm3, $0x4B001034, v7;
	v1 =	vsel vm1, $0x280, v1  }
0x14: {  	v2 =	vsel vm1, $0x4B001005, v2;
	v3 =	vsel vm1, $0x283, v3;
	v5 =	vsel vm1, $0x4B001015, v5  }
0x15: {  	v6 =	vsel vm1, $0x4B001025, v6;
	v7 =	vsel vm1, $0x4B001035, v7;
	v1 =	vsel vm2, $0x300, v1  }
0x16: {  	v2 =	vsel vm2, $0x4B001006, v2;
	v3 =	vsel vm2, $0x303, v3;
	v5 =	vsel vm2, $0x4B001016, v5  }
0x17: {  	v6 =	vsel vm2, $0x4B001026, v6;
	v7 =	vsel vm2, $0x4B001036, v7;
	v1 =	vsel vm0, $0x380, v1  }
0x18: {  	v2 =	vsel vm0, $0x4B001007, v2;
	v3 =	vsel vm0, $0x383, v3;
	v5 =	vsel vm0, $0x4B001017, v5  }
0x19: {  	v6 =	vsel vm0, $0x4B001027, v6;
	v7 =	vsel vm0, $0x4B001037, v7;
	v1 =	vsel vm4, $0x4000, v1  }
0x1a: {  	v2 =	vsel vm4, $0x4B001008, v2;
	v3 =	vsel vm4, $0x4003, v3;
	v5 =	vsel vm4, $0x4B001018, v5  }
0x1b: {  	v6 =	vsel vm4, $0x4B001028, v6;
	v7 =	vsel vm4, $0x4B001038, v7;
	v1 =	vsel vm7, $0x4080, v1  }
0x1c: {  	v2 =	vsel vm7, $0x4B001009, v2;
	v3 =	vsel vm7, $0x4083, v3;
	v5 =	vsel vm7, $0x4B001019, v5  }
0x1d: {  	v6 =	vsel vm7, $0x4B001029, v6;
	v7 =	vsel vm7, $0x4B001039, v7;
	v1 =	vsel vm10, $0x4100, v1  }
0x1e: {  	s9 =	simm.s32 $0xA080;
	v2 =	vsel vm10, $0x4B00100A, v2;
	v3 =	vsel vm10, $0x4103, v3;
	v5 =	vsel vm10, $0x4B00101A, v5  }
0x1f: {  	s1 =	simm.s32 $0x0;
	v6 =	vsel vm10, $0x4B00102A, v6;
	v7 =	vsel vm10, $0x4B00103A, v7;
	v1 =	vsel vm11, $0x4180, v1  }
0x20: {  	[smem:$0x7FF] =	sst s1;
	v2 =	vsel vm11, $0x4B00100B, v2;
	v3 =	vsel vm11, $0x4183, v3;
	v5 =	vsel vm11, $0x4B00101B, v5  }
0x21: {  	v6 =	vsel vm11, $0x4B00102B, v6;
	v7 =	vsel vm11, $0x4B00103B, v7;
	v1 =	vsel vm12, $0x4200, v1  }
0x22: {  	s0 =	rddreg [dreg:$0x1];
	s4 =	srdreg.scid;
	v2 =	vsel vm12, $0x4B00100C, v2;
	v5 =	vsel vm12, $0x4B00101C, v5;
	v6 =	vsel vm12, $0x4B00102C, v6  }
.Ltmp0:
0x23: {  	s5 =	sand.u32 $0x1, s4;
	s4 =	stileid.u32;
	v3 =	vsel vm12, $0x4203, v3;
	v7 =	vsel vm12, $0x4B00103C, v7;
	v1 =	vsel vm13, $0x4280, v1;
	(pc) =	sbr.rel .LBB2_1-.Ltmp0, $4  }
0x24: {  	_ =	strace $0x80000047;
	s6 =	ssub.s32 $0x2, s5;
	s8 =	sshll.u32 s4, $0x1;
	v2 =	vsel vm13, $0x4B00100D, v2;
	v4 =	vsel vm13, $0x4283, v3;
	v3 =	vimm.f32 $1.000000000e+00  }
0x25: {  	s7 =	sshrl.u32 s6, $0x1;
	s5 =	sor.u32 s5, s8;
	v5 =	vsel vm13, $0x4B00101D, v5;
	v6 =	vsel vm13, $0x4B00102D, v6;
	v7 =	vsel vm13, $0x4B00103D, v7  }
0x26: {  	s8 =	simm.s32 $0x8000;
	s6 =	ssub.s32 s6, s7;
	s5 =	smul.u32 $0x180, s5;
	v1 =	vsel vm14, $0x4300, v1;
	v2 =	vsel vm14, $0x4B00100E, v2;
	v4 =	vsel vm14, $0x4303, v4  }
0x27: {  	s10 =	simm.s32 $0x0;
	s7 =	simm.s32 $0x1;
	s6 =	smax.u32 s6, $0x1;
	v5 =	vsel vm14, $0x4B00101E, v5;
	v6 =	vsel vm14, $0x4B00102E, v6;
	v7 =	vsel vm14, $0x4B00103E, v7  }
.LBB2_25:
0x28: {  	s10 =	sadd.s32 $0x1, s10  }
0x29: {  	p0 =	sne.s32 s10, s6  }
.Ltmp1:
0x2a: {  	_ = 	snop;
	(pc) =	sbr.rel @!p0 .LBB2_26-.Ltmp1, $1  }
0x2b: {  	_ =	sdelay $0x3  }
.LBB2_1:
0x2c: {  	s11 =	simm.s32 $0x0  }
.LBB2_2:
0x2d: {  	s12 =	sshll.u32 s11, $0x4  }
0x2e: {  	s12 =	sadd.s32 s5, s12  }
0x2f: {  	s13 =	sshll.u32 s12, $0x8  }
0x30: {  	s13 =	sadd.s32 s2, s13  }
0x31: {  	[tilespmem:s1], [sflag:$0x1] =	stream.linear.gather [hbm4b:s13+s1], $0x8000, $0x38;
	[tilespmem:$0xA100] =	vst v63  }
0x32: {  	_ =	swait.ge [sflag:s7], $0x8000  }
0x33: {  	[sflag:s7] =	ssyncset.done $0x0  }
0x34: {  	s13 =	simm.s32 $0x8040;
	[sflag:s7] =	ssyncadd.s32 $0xFFFF8000  }
0x35: {  	[tilespmem:s13+$0xFFFFFFC0] =	vst v0  }
0x36: {  	[tilespmem:s13+$0x30] =	vst v0  }
0x37: {  	[tilespmem:s13+$0x20] =	vst v0  }
0x38: {  	[tilespmem:s13+$0x10] =	vst v0  }
0x39: {  	[tilespmem:s13+$0x0] =	vst v0  }
0x3a: {  	[tilespmem:s13+$0xFFFFFFF0] =	vst v0  }
0x3b: {  	s14 =	simm.s32 $0x0;
	[tilespmem:s13+$0xFFFFFFE0] =	vst v0  }
.LBB2_3:
0x3c: {  	s14 =	sadd.s32 $0x8, s14;
	[tilespmem:s13+$0xFFFFFFD0] =	vst v0;
	s13 =	sadd.s32 $0x80, s13  }
0x3d: {  	[tilespmem:s13+$0xFFFFFFC0] =	vst v0;
	p0 =	slt.u32 s14, $0x1F8  }
0x3e: {  	[tilespmem:s13+$0x30] =	vst v0  }
.Ltmp2:
0x3f: {  	[tilespmem:s13+$0x20] =	vst v0;
	(pc) =	sbr.rel @p0 .LBB2_3-.Ltmp2, $4  }
0x40: {  	[tilespmem:s13+$0x10] =	vst v0  }
0x41: {  	[tilespmem:s13+$0x0] =	vst v0  }
0x42: {  	[tilespmem:s13+$0xFFFFFFF0] =	vst v0  }
0x43: {  	[tilespmem:s13+$0xFFFFFFE0] =	vst v0  }
0x44: {  	[tilespmem:s13+$0xFFFFFFD0] =	vst v0;
	s13 =	simm.s32 $0x0  }
.LBB2_5:
0x45: {  	p0 =	sne.s32 s13, $0xC0  }
.Ltmp3:
0x46: {  	_ = 	snop;
	(pc) =	sbr.rel @p0 .LBB2_5-.Ltmp3, $3  }
0x47: {  	_ =	sdelay $0x1  }
0x48: {  	s14 =	sshra.s32 s13, $0x2  }
0x49: {  	s13 =	sadd.s32 $0x40, s13;
	[tilespmem:s14+$0xA000] =	vst v0  }
0x4a: {  	v12 =	vimm.s32 $0x0  }
0x4b: {  	v13 =	vshll.u32 v12, $0x3  }
0x4c: {  	v14 =	vand.u32 $0x78, v12;
	v13 =	vand.u32 $0xFFFFFC00, v13  }
0x4d: {  	v13 =	vor.u32 v14, v13  }
0x4e: {  	v14 =	vadd.s32 v1, v13  }
0x4f: {  	v15 =	vor.u32 $0x7, v14;
	_ =	sdelay $0x2  }
0x50: {  	v16 =	vor.u32 $0x1, v14;
	_ =	sdelay $0x1  }
0x51: {  	v17 =	vor.u32 $0x2, v14;
	v15 =	vld.idx.msk [tilespmem:v15+s1+$0x0], $0xffff  }
0x52: {  	v18 =	vor.u32 $0x4, v14  }
0x53: {  	v28 =	vadd.s32 $0x8, v12;
	v19 =	vor.u32 $0x5, v14  }
0x54: {  	v12 =	vadd.s32 v4, v13;
	v20 =	vor.u32 $0x6, v14;
	v13 =	vld.idx.msk [tilespmem:v16+s1+$0x0], $0xffff;
	v16 =	vshll.u32 v28, $0x3  }
0x55: {  	v21 =	vand.u32 $0x78, v28;
	v14 =	vld.idx.msk [tilespmem:v14+s1+$0x0], $0xffff;
	v16 =	vand.u32 $0xFFFFFC00, v16  }
0x56: {  	v17 =	vld.idx.msk [tilespmem:v17+s1+$0x0], $0xffff;
	v16 =	vor.u32 v21, v16;
	v15 =	vmul.f32 $6.400000000e+01, v15  }
0x57: {  	v18 =	vld.idx.msk [tilespmem:v18+s1+$0x0], $0xffff;
	v21 =	vadd.s32 v1, v16  }
0x58: {  	v19 =	vld.idx.msk [tilespmem:v19+s1+$0x0], $0xffff;
	v22 =	vor.u32 $0x7, v21;
	v15 =	vadd.f32 v2, v15  }
0x59: {  	v20 =	vld.idx.msk [tilespmem:v20+s1+$0x0], $0xffff;
	v23 =	vor.u32 $0x1, v21  }
0x5a: {  	v15 =	vand.u32 $0x7FFFFF, v15  }
0x5b: {  	v24 =	vld.idx.msk [tilespmem:v12+s1+$0x0], $0xffff;
	v12 =	vadd.s32 v4, v16;
	v26 =	vor.u32 $0x2, v21  }
0x5c: {  	v27 =	vor.u32 $0x4, v21;
	v14 =	vmul.f32 $6.400000000e+01, v14;
	v13 =	vmul.f32 $6.400000000e+01, v13  }
0x5d: {  	v16 =	vor.u32 $0x5, v21;
	v17 =	vmul.f32 $6.400000000e+01, v17;
	v18 =	vmul.f32 $6.400000000e+01, v18;
	v29 =	vld.idx.msk [tilespmem:v22+s1+$0x0], $0xffff  }
0x5e: {  	v19 =	vmul.f32 $6.400000000e+01, v19;
	v20 =	vmul.f32 $6.400000000e+01, v20;
	v25 =	vld.idx.msk [tilespmem:v23+s1+$0x0], $0xffff  }
0x5f: {  	v13 =	vadd.f32 v2, v13;
	v17 =	vadd.f32 v2, v17;
	[tilespmem:v15+s8+$0x0] =	vst.idx.add.f32.msk $0xffff, v3;
	v15 =	vor.u32 $0x6, v21  }
0x60: {  	v18 =	vadd.f32 v2, v18;
	v30 =	vadd.f32 v2, v19;
	v23 =	vmul.f32 $6.400000000e+01, v24;
	v24 =	vld.idx.msk [tilespmem:v26+s1+$0x0], $0xffff  }
0x61: {  	v31 =	vadd.f32 v2, v20;
	v19 =	vand.u32 $0x7FFFFF, v13;
	v13 =	vadd.f32 v2, v14;
	v26 =	vld.idx.msk [tilespmem:v27+s1+$0x0], $0xffff  }
0x62: {  	v22 =	vand.u32 $0x7FFFFF, v17;
	v20 =	vand.u32 $0x7FFFFF, v18;
	v18 =	vld.idx.msk [tilespmem:v16+s1+$0x0], $0xffff;
	v27 =	vadd.f32 v2, v23  }
0x63: {  	v17 =	vand.u32 $0x7FFFFF, v30;
	v16 =	vand.u32 $0x7FFFFF, v31;
	v14 =	vand.u32 $0x7FFFFF, v13;
	v21 =	vld.idx.msk [tilespmem:v21+s1+$0x0], $0xffff  }
0x64: {  	s13 =	simm.s32 $0x8;
	v13 =	vand.u32 $0x7FFFFF, v27;
	v27 =	vmul.f32 $6.400000000e+01, v29;
	v23 =	vld.idx.msk [tilespmem:v15+s1+$0x0], $0xffff;
	v15 =	vadd.s32 $0x8, v28  }
.LBB2_7:
0x65: {  	v28 =	vshll.u32 v15, $0x3;
	s13 =	sadd.s32 $0x8, s13;
	v25 =	vmul.f32 $6.400000000e+01, v25;
	v29 =	vld.idx.msk [tilespmem:v12+s1+$0x0], $0xffff  }
0x66: {  	v12 =	vand.u32 $0x78, v15;
	v28 =	vand.u32 $0xFFFFFC00, v28;
	p0 =	slt.u32 s13, $0x1F8;
	v27 =	vadd.f32 v2, v27;
	[tilespmem:v19+s8+$0x0] =	vst.idx.add.f32.msk $0xffff, v3  }
0x67: {  	v19 =	vmul.f32 $6.400000000e+01, v24;
	v24 =	vmul.f32 $6.400000000e+01, v26;
	v12 =	vor.u32 v12, v28;
	[tilespmem:v22+s8+$0x0] =	vst.idx.add.f32.msk $0xffff, v3  }
0x68: {  	v28 =	vadd.s32 v1, v12;
	v12 =	vadd.s32 v4, v12;
	v22 =	vand.u32 $0x7FFFFF, v27;
	[tilespmem:v20+s8+$0x0] =	vst.idx.add.f32.msk $0xffff, v3  }
0x69: {  	v20 =	vor.u32 $0x1, v28;
	v26 =	vor.u32 $0x2, v28;
	v27 =	vor.u32 $0x7, v28;
	[tilespmem:v17+s8+$0x0] =	vst.idx.add.f32.msk $0xffff, v3  }
0x6a: {  	v30 =	vor.u32 $0x4, v28;
	v31 =	vor.u32 $0x5, v28;
	v32 =	vor.u32 $0x6, v28;
	[tilespmem:v16+s8+$0x0] =	vst.idx.add.f32.msk $0xffff, v3  }
0x6b: {  	v17 =	vmul.f32 $6.400000000e+01, v18;
	v18 =	vmul.f32 $6.400000000e+01, v23;
	v16 =	vadd.f32 v2, v25;
	[tilespmem:v14+s8+$0x0] =	vst.idx.add.f32.msk $0xffff, v3  }
0x6c: {  	v23 =	vmul.f32 $6.400000000e+01, v29;
	v14 =	vmul.f32 $6.400000000e+01, v21;
	v21 =	vadd.f32 v2, v19;
	[tilespmem:v13+s8+$0x0] =	vst.idx.add.f32.msk $0xffff, v3  }
0x6d: {  	v19 =	vand.u32 $0x7FFFFF, v16;
	v13 =	vadd.f32 v2, v24;
	v16 =	vadd.f32 v2, v17;
	[tilespmem:v22+s8+$0x0] =	vst.idx.add.f32.msk $0xffff, v3  }
0x6e: {  	v18 =	vadd.f32 v2, v18;
	v14 =	vadd.f32 v2, v14;
	v22 =	vand.u32 $0x7FFFFF, v21;
	v27 =	vld.idx.msk [tilespmem:v27+s1+$0x0], $0xffff  }
0x6f: {  	v21 =	vadd.f32 v2, v23;
	v17 =	vand.u32 $0x7FFFFF, v16;
	v25 =	vld.idx.msk [tilespmem:v20+s1+$0x0], $0xffff;
	v20 =	vand.u32 $0x7FFFFF, v13  }
.Ltmp4:
0x70: {  	v16 =	vand.u32 $0x7FFFFF, v18;
	v14 =	vand.u32 $0x7FFFFF, v14;
	v24 =	vld.idx.msk [tilespmem:v26+s1+$0x0], $0xffff;
	(pc) =	sbr.rel @p0 .LBB2_7-.Ltmp4, $4  }
0x71: {  	v13 =	vand.u32 $0x7FFFFF, v21;
	v26 =	vld.idx.msk [tilespmem:v30+s1+$0x0], $0xffff  }
0x72: {  	v18 =	vld.idx.msk [tilespmem:v31+s1+$0x0], $0xffff  }
0x73: {  	v23 =	vld.idx.msk [tilespmem:v32+s1+$0x0], $0xffff  }
0x74: {  	v15 =	vadd.s32 $0x8, v15;
	v27 =	vmul.f32 $6.400000000e+01, v27;
	v21 =	vld.idx.msk [tilespmem:v28+s1+$0x0], $0xffff  }
0x75: {  	_ =	sdelay $0x3  }
0x76: {  	v15 =	vmul.f32 $6.400000000e+01, v25;
	v12 =	vld.idx.msk [tilespmem:v12+s1+$0x0], $0xffff  }
0x77: {  	[tilespmem:v19+s8+$0x0] =	vst.idx.add.f32.msk $0xffff, v3;
	v19 =	vmul.f32 $6.400000000e+01, v24;
	v25 =	vadd.f32 v2, v27  }
0x78: {  	[tilespmem:v22+s8+$0x0] =	vst.idx.add.f32.msk $0xffff, v3;
	v24 =	vmul.f32 $6.400000000e+01, v26;
	v15 =	vadd.f32 v2, v15;
	v18 =	vmul.f32 $6.400000000e+01, v18  }
0x79: {  	[tilespmem:v20+s8+$0x0] =	vst.idx.add.f32.msk $0xffff, v3;
	v19 =	vadd.f32 v2, v19;
	v22 =	vand.u32 $0x7FFFFF, v25;
	v20 =	vmul.f32 $6.400000000e+01, v23  }
0x7a: {  	[tilespmem:v17+s8+$0x0] =	vst.idx.add.f32.msk $0xffff, v3;
	v17 =	vmul.f32 $6.400000000e+01, v21;
	v15 =	vand.u32 $0x7FFFFF, v15;
	v21 =	vadd.f32 v2, v24  }
0x7b: {  	[tilespmem:v16+s8+$0x0] =	vst.idx.add.f32.msk $0xffff, v3;
	v16 =	vadd.f32 v2, v18;
	v18 =	vand.u32 $0x7FFFFF, v19;
	v12 =	vmul.f32 $6.400000000e+01, v12  }
0x7c: {  	[tilespmem:v14+s8+$0x0] =	vst.idx.add.f32.msk $0xffff, v3;
	v14 =	vadd.f32 v2, v17;
	v17 =	vadd.f32 v2, v20;
	v19 =	vand.u32 $0x7FFFFF, v21  }
0x7d: {  	[tilespmem:v13+s8+$0x0] =	vst.idx.add.f32.msk $0xffff, v3;
	v27 =	vimm.s32 $0x200;
	v13 =	vand.u32 $0x7FFFFF, v16  }
0x7e: {  	v16 =	vshll.u32 v27, $0x3;
	v12 =	vadd.f32 v2, v12;
	[tilespmem:v22+s8+$0x0] =	vst.idx.add.f32.msk $0xffff, v3;
	v17 =	vand.u32 $0x7FFFFF, v17  }
0x7f: {  	v20 =	vand.u32 $0x78, v27;
	v16 =	vand.u32 $0xFFFFFC00, v16;
	v14 =	vand.u32 $0x7FFFFF, v14;
	[tilespmem:v15+s8+$0x0] =	vst.idx.add.f32.msk $0xffff, v3  }
0x80: {  	v15 =	vor.u32 v20, v16;
	v12 =	vand.u32 $0x7FFFFF, v12;
	[tilespmem:v18+s8+$0x0] =	vst.idx.add.f32.msk $0xffff, v3  }
0x81: {  	v16 =	vadd.s32 v1, v15;
	v15 =	vadd.s32 v4, v15;
	[tilespmem:v19+s8+$0x0] =	vst.idx.add.f32.msk $0xffff, v3  }
0x82: {  	v18 =	vor.u32 $0x7, v16;
	[tilespmem:v13+s8+$0x0] =	vst.idx.add.f32.msk $0xffff, v3  }
0x83: {  	v13 =	vor.u32 $0x1, v16;
	[tilespmem:v17+s8+$0x0] =	vst.idx.add.f32.msk $0xffff, v3  }
0x84: {  	v19 =	vor.u32 $0x6, v16;
	[tilespmem:v14+s8+$0x0] =	vst.idx.add.f32.msk $0xffff, v3  }
0x85: {  	[tilespmem:v12+s8+$0x0] =	vst.idx.add.f32.msk $0xffff, v3  }
0x86: {  	v28 =	vadd.s32 $0x8, v27;
	v14 =	vor.u32 $0x2, v16;
	v15 =	vld.idx.msk [tilespmem:v15+s1+$0x0], $0xffff  }
0x87: {  	v20 =	vshll.u32 v28, $0x3;
	v17 =	vor.u32 $0x4, v16;
	v12 =	vld.idx.msk [tilespmem:v18+s1+$0x0], $0xffff  }
0x88: {  	v21 =	vand.u32 $0x78, v28;
	v20 =	vand.u32 $0xFFFFFC00, v20;
	v18 =	vor.u32 $0x5, v16;
	v13 =	vld.idx.msk [tilespmem:v13+s1+$0x0], $0xffff  }
0x89: {  	v20 =	vor.u32 v21, v20;
	v19 =	vld.idx.msk [tilespmem:v19+s1+$0x0], $0xffff  }
0x8a: {  	v21 =	vadd.s32 v1, v20;
	v16 =	vld.idx.msk [tilespmem:v16+s1+$0x0], $0xffff  }
0x8b: {  	v23 =	vor.u32 $0x7, v21;
	v14 =	vld.idx.msk [tilespmem:v14+s1+$0x0], $0xffff  }
0x8c: {  	v17 =	vld.idx.msk [tilespmem:v17+s1+$0x0], $0xffff;
	v12 =	vmul.f32 $6.400000000e+01, v12  }
0x8d: {  	v24 =	vor.u32 $0x1, v21;
	v26 =	vor.u32 $0x2, v21;
	v18 =	vld.idx.msk [tilespmem:v18+s1+$0x0], $0xffff  }
0x8e: {  	v27 =	vor.u32 $0x4, v21;
	v29 =	vor.u32 $0x5, v21;
	v12 =	vadd.f32 v5, v12  }
0x8f: {  	v30 =	vor.u32 $0x6, v21;
	v15 =	vmul.f32 $6.400000000e+01, v15;
	v13 =	vmul.f32 $6.400000000e+01, v13  }
0x90: {  	v31 =	vld.idx.msk [tilespmem:v23+s1+$0x0], $0xffff;
	v16 =	vmul.f32 $6.400000000e+01, v16;
	v14 =	vmul.f32 $6.400000000e+01, v14;
	v22 =	vand.u32 $0x7FFFFF, v12  }
0x91: {  	v21 =	vld.idx.msk [tilespmem:v21+s1+$0x0], $0xffff;
	v17 =	vmul.f32 $6.400000000e+01, v17;
	v13 =	vadd.f32 v5, v13;
	v12 =	vadd.s32 v4, v20  }
0x92: {  	v25 =	vld.idx.msk [tilespmem:v24+s1+$0x0], $0xffff;
	v20 =	vmul.f32 $6.400000000e+01, v19;
	v14 =	vadd.f32 v5, v14;
	v18 =	vmul.f32 $6.400000000e+01, v18  }
0x93: {  	v24 =	vld.idx.msk [tilespmem:v26+s1+$0x0], $0xffff;
	v17 =	vadd.f32 v5, v17;
	v19 =	vand.u32 $0x7FFFFF, v13;
	v13 =	vadd.f32 v5, v16  }
0x94: {  	v26 =	vld.idx.msk [tilespmem:v27+s1+$0x0], $0xffff;
	v16 =	vadd.f32 v5, v20;
	v23 =	vadd.f32 v5, v18  }
0x95: {  	v15 =	vadd.f32 v5, v15;
	v27 =	vmul.f32 $6.400000000e+01, v31;
	[tilespmem:v22+s8+$0x0] =	vst.idx.add.f32.msk $0xffff, v3;
	v22 =	vand.u32 $0x7FFFFF, v14  }
0x96: {  	v20 =	vand.u32 $0x7FFFFF, v17;
	v18 =	vld.idx.msk [tilespmem:v29+s1+$0x0], $0xffff;
	v16 =	vand.u32 $0x7FFFFF, v16;
	v17 =	vand.u32 $0x7FFFFF, v23  }
0x97: {  	s13 =	simm.s32 $0x8;
	v14 =	vand.u32 $0x7FFFFF, v13;
	v23 =	vld.idx.msk [tilespmem:v30+s1+$0x0], $0xffff;
	v13 =	vand.u32 $0x7FFFFF, v15;
	v15 =	vadd.s32 $0x8, v28  }
.LBB2_9:
0x98: {  	v28 =	vshll.u32 v15, $0x3;
	s13 =	sadd.s32 $0x8, s13;
	v25 =	vmul.f32 $6.400000000e+01, v25;
	v29 =	vld.idx.msk [tilespmem:v12+s1+$0x0], $0xffff  }
0x99: {  	v12 =	vand.u32 $0x78, v15;
	v28 =	vand.u32 $0xFFFFFC00, v28;
	p0 =	slt.u32 s13, $0x1F8;
	v27 =	vadd.f32 v5, v27;
	[tilespmem:v19+s8+$0x0] =	vst.idx.add.f32.msk $0xffff, v3  }
0x9a: {  	v19 =	vmul.f32 $6.400000000e+01, v24;
	v24 =	vmul.f32 $6.400000000e+01, v26;
	v12 =	vor.u32 v12, v28;
	[tilespmem:v22+s8+$0x0] =	vst.idx.add.f32.msk $0xffff, v3  }
0x9b: {  	v28 =	vadd.s32 v1, v12;
	v12 =	vadd.s32 v4, v12;
	v22 =	vand.u32 $0x7FFFFF, v27;
	[tilespmem:v20+s8+$0x0] =	vst.idx.add.f32.msk $0xffff, v3  }
0x9c: {  	v20 =	vor.u32 $0x1, v28;
	v26 =	vor.u32 $0x2, v28;
	v27 =	vor.u32 $0x7, v28;
	[tilespmem:v17+s8+$0x0] =	vst.idx.add.f32.msk $0xffff, v3  }
0x9d: {  	v30 =	vor.u32 $0x4, v28;
	v31 =	vor.u32 $0x5, v28;
	v32 =	vor.u32 $0x6, v28;
	[tilespmem:v16+s8+$0x0] =	vst.idx.add.f32.msk $0xffff, v3  }
0x9e: {  	v17 =	vmul.f32 $6.400000000e+01, v18;
	v18 =	vmul.f32 $6.400000000e+01, v23;
	v16 =	vadd.f32 v5, v25;
	[tilespmem:v14+s8+$0x0] =	vst.idx.add.f32.msk $0xffff, v3  }
0x9f: {  	v23 =	vmul.f32 $6.400000000e+01, v29;
	v14 =	vmul.f32 $6.400000000e+01, v21;
	v21 =	vadd.f32 v5, v19;
	[tilespmem:v13+s8+$0x0] =	vst.idx.add.f32.msk $0xffff, v3  }
0xa0: {  	v19 =	vand.u32 $0x7FFFFF, v16;
	v13 =	vadd.f32 v5, v24;
	v16 =	vadd.f32 v5, v17;
	[tilespmem:v22+s8+$0x0] =	vst.idx.add.f32.msk $0xffff, v3  }
0xa1: {  	v18 =	vadd.f32 v5, v18;
	v14 =	vadd.f32 v5, v14;
	v22 =	vand.u32 $0x7FFFFF, v21;
	v27 =	vld.idx.msk [tilespmem:v27+s1+$0x0], $0xffff  }
0xa2: {  	v21 =	vadd.f32 v5, v23;
	v17 =	vand.u32 $0x7FFFFF, v16;
	v25 =	vld.idx.msk [tilespmem:v20+s1+$0x0], $0xffff;
	v20 =	vand.u32 $0x7FFFFF, v13  }
.Ltmp5:
0xa3: {  	v16 =	vand.u32 $0x7FFFFF, v18;
	v14 =	vand.u32 $0x7FFFFF, v14;
	v24 =	vld.idx.msk [tilespmem:v26+s1+$0x0], $0xffff;
	(pc) =	sbr.rel @p0 .LBB2_9-.Ltmp5, $4  }
0xa4: {  	v13 =	vand.u32 $0x7FFFFF, v21;
	v26 =	vld.idx.msk [tilespmem:v30+s1+$0x0], $0xffff  }
0xa5: {  	v18 =	vld.idx.msk [tilespmem:v31+s1+$0x0], $0xffff  }
0xa6: {  	v23 =	vld.idx.msk [tilespmem:v32+s1+$0x0], $0xffff  }
0xa7: {  	v15 =	vadd.s32 $0x8, v15;
	v27 =	vmul.f32 $6.400000000e+01, v27;
	v21 =	vld.idx.msk [tilespmem:v28+s1+$0x0], $0xffff  }
0xa8: {  	_ =	sdelay $0x3  }
0xa9: {  	v15 =	vmul.f32 $6.400000000e+01, v25;
	v12 =	vld.idx.msk [tilespmem:v12+s1+$0x0], $0xffff  }
0xaa: {  	v28 =	vimm.s32 $0x400;
	[tilespmem:v19+s8+$0x0] =	vst.idx.add.f32.msk $0xffff, v3;
	v19 =	vmul.f32 $6.400000000e+01, v24;
	v25 =	vadd.f32 v5, v27  }
0xab: {  	[tilespmem:v22+s8+$0x0] =	vst.idx.add.f32.msk $0xffff, v3;
	v24 =	vmul.f32 $6.400000000e+01, v26;
	v15 =	vadd.f32 v5, v15;
	v18 =	vmul.f32 $6.400000000e+01, v18  }
0xac: {  	[tilespmem:v20+s8+$0x0] =	vst.idx.add.f32.msk $0xffff, v3;
	v19 =	vadd.f32 v5, v19;
	v22 =	vand.u32 $0x7FFFFF, v25;
	v20 =	vmul.f32 $6.400000000e+01, v23  }
0xad: {  	[tilespmem:v17+s8+$0x0] =	vst.idx.add.f32.msk $0xffff, v3;
	v17 =	vmul.f32 $6.400000000e+01, v21;
	v15 =	vand.u32 $0x7FFFFF, v15;
	v21 =	vadd.f32 v5, v24  }
0xae: {  	[tilespmem:v16+s8+$0x0] =	vst.idx.add.f32.msk $0xffff, v3;
	v16 =	vadd.f32 v5, v18;
	v18 =	vand.u32 $0x7FFFFF, v19;
	v12 =	vmul.f32 $6.400000000e+01, v12  }
0xaf: {  	[tilespmem:v14+s8+$0x0] =	vst.idx.add.f32.msk $0xffff, v3;
	v14 =	vadd.f32 v5, v17;
	v17 =	vadd.f32 v5, v20;
	v19 =	vand.u32 $0x7FFFFF, v21  }
0xb0: {  	[tilespmem:v13+s8+$0x0] =	vst.idx.add.f32.msk $0xffff, v3;
	v13 =	vand.u32 $0x7FFFFF, v16;
	v16 =	vshll.u32 v28, $0x3;
	v20 =	vand.u32 $0x78, v28  }
0xb1: {  	v12 =	vadd.f32 v5, v12;
	v16 =	vand.u32 $0xFFFFFC00, v16;
	[tilespmem:v22+s8+$0x0] =	vst.idx.add.f32.msk $0xffff, v3;
	v17 =	vand.u32 $0x7FFFFF, v17  }
0xb2: {  	v14 =	vand.u32 $0x7FFFFF, v14;
	[tilespmem:v15+s8+$0x0] =	vst.idx.add.f32.msk $0xffff, v3;
	v15 =	vor.u32 v20, v16  }
0xb3: {  	v12 =	vand.u32 $0x7FFFFF, v12;
	[tilespmem:v18+s8+$0x0] =	vst.idx.add.f32.msk $0xffff, v3;
	v18 =	vadd.s32 v1, v15  }
0xb4: {  	[tilespmem:v19+s8+$0x0] =	vst.idx.add.f32.msk $0xffff, v3;
	v16 =	vor.u32 $0x7, v18  }
0xb5: {  	[tilespmem:v13+s8+$0x0] =	vst.idx.add.f32.msk $0xffff, v3;
	v13 =	vor.u32 $0x1, v18  }
0xb6: {  	[tilespmem:v17+s8+$0x0] =	vst.idx.add.f32.msk $0xffff, v3;
	v17 =	vor.u32 $0x2, v18  }
0xb7: {  	[tilespmem:v14+s8+$0x0] =	vst.idx.add.f32.msk $0xffff, v3;
	v14 =	vor.u32 $0x4, v18  }
0xb8: {  	v21 =	vor.u32 $0x6, v18;
	[tilespmem:v12+s8+$0x0] =	vst.idx.add.f32.msk $0xffff, v3  }
0xb9: {  	v12 =	vor.u32 $0x5, v18;
	v22 =	vld.idx.msk [tilespmem:v16+s1+$0x0], $0xffff  }
0xba: {  	p1 =	por $0x1, $0x1;
	v20 =	vld.idx.msk [tilespmem:v13+s1+$0x0], $0xffff  }
.Ltmp6:
0xbb: {  	v16 =	vld.idx.msk [tilespmem:v17+s1+$0x0], $0xffff;
	(pc) =	sbr.rel @!p1 .LBB2_11-.Ltmp6, $4  }
0xbc: {  	v19 =	vld.idx.msk [tilespmem:v14+s1+$0x0], $0xffff  }
0xbd: {  	v14 =	vld.idx.msk [tilespmem:v21+s1+$0x0], $0xffff  }
0xbe: {  	v13 =	vld.idx.msk [tilespmem:v12+s1+$0x0], $0xffff  }
0xbf: {  	p0 =	por $0x0, $0x0;
	v24 =	vadd.s32 $0x8, v28;
	v12 =	vadd.s32 v4, v15;
	v15 =	vld.idx.msk [tilespmem:v18+s1+$0x0], $0xffff;
	v27 =	vmul.f32 $6.400000000e+01, v22  }
0xc0: {  	v17 =	vshll.u32 v24, $0x3  }
0xc1: {  	v18 =	vand.u32 $0x78, v24;
	v17 =	vand.u32 $0xFFFFFC00, v17;
	v21 =	vadd.f32 v6, v27  }
0xc2: {  	v17 =	vor.u32 v18, v17  }
0xc3: {  	v27 =	vadd.s32 v1, v17;
	v18 =	vand.u32 $0x7FFFFF, v21  }
0xc4: {  	v21 =	vor.u32 $0x7, v27  }
0xc5: {  	v22 =	vor.u32 $0x1, v27  }
0xc6: {  	v23 =	vld.idx.msk [tilespmem:v12+s1+$0x0], $0xffff;
	v25 =	vor.u32 $0x2, v27  }
0xc7: {  	v20 =	vmul.f32 $6.400000000e+01, v20;
	v16 =	vmul.f32 $6.400000000e+01, v16;
	v26 =	vor.u32 $0x4, v27  }
0xc8: {  	v24 =	vadd.s32 $0x8, v24;
	v12 =	vadd.s32 v4, v17;
	v17 =	vor.u32 $0x5, v27;
	[tilespmem:v18+s8+$0x0] =	vst.idx.add.f32.msk $0xffff, v3  }
0xc9: {  	v19 =	vmul.f32 $6.400000000e+01, v19;
	v28 =	vadd.f32 v6, v20;
	v14 =	vmul.f32 $6.400000000e+01, v14;
	v29 =	vld.idx.msk [tilespmem:v21+s1+$0x0], $0xffff  }
0xca: {  	p3 =	por $0x1, $0x1;
	v13 =	vmul.f32 $6.400000000e+01, v13;
	v15 =	vmul.f32 $6.400000000e+01, v15;
	v18 =	vor.u32 $0x6, v27;
	v20 =	vld.idx.msk [tilespmem:v22+s1+$0x0], $0xffff  }
.Ltmp7:
0xcb: {  	v30 =	vadd.f32 v6, v19;
	v23 =	vmul.f32 $6.400000000e+01, v23;
	v21 =	vadd.f32 v6, v16;
	v16 =	vld.idx.msk [tilespmem:v25+s1+$0x0], $0xffff;
	(pc) =	sbr.rel @!p3 .LBB2_14-.Ltmp7, $4  }
0xcc: {  	v31 =	vadd.f32 v6, v13;
	v15 =	vadd.f32 v6, v15;
	v22 =	vand.u32 $0x7FFFFF, v28;
	v19 =	vld.idx.msk [tilespmem:v26+s1+$0x0], $0xffff  }
0xcd: {  	v14 =	vadd.f32 v6, v14;
	v28 =	vadd.f32 v6, v23;
	v13 =	vld.idx.msk [tilespmem:v17+s1+$0x0], $0xffff;
	v25 =	vand.u32 $0x7FFFFF, v21  }
0xce: {  	v26 =	vand.u32 $0x7FFFFF, v30;
	v23 =	vand.u32 $0x7FFFFF, v31;
	v17 =	vand.u32 $0x7FFFFF, v15;
	v15 =	vld.idx.msk [tilespmem:v27+s1+$0x0], $0xffff  }
0xcf: {  	s13 =	simm.s32 $0x8;
	p2 =	por $0x1, $0x1;
	v21 =	vand.u32 $0x7FFFFF, v14;
	v14 =	vld.idx.msk [tilespmem:v18+s1+$0x0], $0xffff;
	v18 =	vand.u32 $0x7FFFFF, v28;
	v27 =	vmul.f32 $6.400000000e+01, v29  }
.LBB2_13:
0xd0: {  	v28 =	vshll.u32 v24, $0x3;
	s13 =	sadd.s32 $0x8, s13;
	v20 =	vmul.f32 $6.400000000e+01, v20;
	v29 =	vld.idx.msk [tilespmem:v12+s1+$0x0], $0xffff  }
0xd1: {  	v12 =	vand.u32 $0x78, v24;
	v28 =	vand.u32 $0xFFFFFC00, v28;
	p3 =	slt.u32 s13, $0x1F8;
	v27 =	vadd.f32 v6, v27;
	[tilespmem:v22+s8+$0x0] =	vst.idx.add.f32.msk $0xffff, v3  }
0xd2: {  	v16 =	vmul.f32 $6.400000000e+01, v16;
	v19 =	vmul.f32 $6.400000000e+01, v19;
	v12 =	vor.u32 v12, v28;
	[tilespmem:v25+s8+$0x0] =	vst.idx.add.f32.msk $0xffff, v3  }
0xd3: {  	v28 =	vadd.s32 v1, v12;
	v12 =	vadd.s32 v4, v12;
	v25 =	vand.u32 $0x7FFFFF, v27;
	[tilespmem:v26+s8+$0x0] =	vst.idx.add.f32.msk $0xffff, v3  }
0xd4: {  	v26 =	vor.u32 $0x1, v28;
	v27 =	vor.u32 $0x2, v28;
	v30 =	vor.u32 $0x7, v28;
	[tilespmem:v23+s8+$0x0] =	vst.idx.add.f32.msk $0xffff, v3  }
0xd5: {  	v31 =	vor.u32 $0x4, v28;
	v32 =	vor.u32 $0x5, v28;
	v33 =	vor.u32 $0x6, v28;
	[tilespmem:v21+s8+$0x0] =	vst.idx.add.f32.msk $0xffff, v3  }
0xd6: {  	v20 =	vadd.f32 v6, v20;
	v13 =	vmul.f32 $6.400000000e+01, v13;
	v14 =	vmul.f32 $6.400000000e+01, v14;
	[tilespmem:v17+s8+$0x0] =	vst.idx.add.f32.msk $0xffff, v3  }
0xd7: {  	v16 =	vadd.f32 v6, v16;
	v15 =	vmul.f32 $6.400000000e+01, v15;
	v17 =	vmul.f32 $6.400000000e+01, v29;
	[tilespmem:v18+s8+$0x0] =	vst.idx.add.f32.msk $0xffff, v3  }
0xd8: {  	v22 =	vand.u32 $0x7FFFFF, v20;
	v13 =	vadd.f32 v6, v13;
	v18 =	vadd.f32 v6, v19;
	[tilespmem:v25+s8+$0x0] =	vst.idx.add.f32.msk $0xffff, v3  }
0xd9: {  	v14 =	vadd.f32 v6, v14;
	v15 =	vadd.f32 v6, v15;
	v25 =	vand.u32 $0x7FFFFF, v16;
	v29 =	vld.idx.msk [tilespmem:v30+s1+$0x0], $0xffff  }
0xda: {  	v23 =	vand.u32 $0x7FFFFF, v13;
	v30 =	vadd.f32 v6, v17;
	v20 =	vld.idx.msk [tilespmem:v26+s1+$0x0], $0xffff;
	v26 =	vand.u32 $0x7FFFFF, v18  }
.Ltmp8:
0xdb: {  	v21 =	vand.u32 $0x7FFFFF, v14;
	v17 =	vand.u32 $0x7FFFFF, v15;
	v16 =	vld.idx.msk [tilespmem:v27+s1+$0x0], $0xffff;
	(pc) =	sbr.rel @p3 .LBB2_13-.Ltmp8, $4  }
0xdc: {  	v18 =	vand.u32 $0x7FFFFF, v30;
	v19 =	vld.idx.msk [tilespmem:v31+s1+$0x0], $0xffff  }
0xdd: {  	v13 =	vld.idx.msk [tilespmem:v32+s1+$0x0], $0xffff  }
0xde: {  	v14 =	vld.idx.msk [tilespmem:v33+s1+$0x0], $0xffff  }
0xdf: {  	v24 =	vadd.s32 $0x8, v24;
	v27 =	vmul.f32 $6.400000000e+01, v29;
	v15 =	vld.idx.msk [tilespmem:v28+s1+$0x0], $0xffff  }
.LBB2_14:
0xe0: {  	_ =	sdelay $0x3  }
0xe1: {  	v20 =	vmul.f32 $6.400000000e+01, v20;
	v12 =	vld.idx.msk [tilespmem:v12+s1+$0x0], $0xffff  }
0xe2: {  	[tilespmem:v22+s8+$0x0] =	vst.idx.add.f32.msk @p2 $0xffff, v3;
	v16 =	vmul.f32 $6.400000000e+01, v16;
	v24 =	vadd.f32 v6, v27;
	v27 =	vimm.s32 $0x600  }
0xe3: {  	[tilespmem:v25+s8+$0x0] =	vst.idx.add.f32.msk @p2 $0xffff, v3;
	v19 =	vmul.f32 $6.400000000e+01, v19;
	v20 =	vadd.f32 v6, v20;
	v13 =	vmul.f32 $6.400000000e+01, v13  }
0xe4: {  	[tilespmem:v18+s8+$0x0] =	vst.idx.add.f32.msk @p2 $0xffff, v3;
	v16 =	vadd.f32 v6, v16;
	v18 =	vshll.u32 v27, $0x3;
	v22 =	vand.u32 $0x7FFFFF, v24  }
0xe5: {  	[tilespmem:v26+s8+$0x0] =	vst.idx.add.f32.msk @p2 $0xffff, v3;
	v19 =	vadd.f32 v6, v19;
	v14 =	vmul.f32 $6.400000000e+01, v14;
	v20 =	vand.u32 $0x7FFFFF, v20  }
0xe6: {  	[tilespmem:v23+s8+$0x0] =	vst.idx.add.f32.msk @p2 $0xffff, v3;
	v15 =	vmul.f32 $6.400000000e+01, v15;
	v13 =	vadd.f32 v6, v13;
	v16 =	vand.u32 $0x7FFFFF, v16  }
0xe7: {  	[tilespmem:v17+s8+$0x0] =	vst.idx.add.f32.msk @p2 $0xffff, v3;
	v12 =	vmul.f32 $6.400000000e+01, v12;
	v17 =	vand.u32 $0x7FFFFF, v19;
	v14 =	vadd.f32 v6, v14  }
0xe8: {  	[tilespmem:v21+s8+$0x0] =	vst.idx.add.f32.msk @p2 $0xffff, v3;
	v18 =	vand.u32 $0xFFFFFC00, v18;
	v15 =	vadd.f32 v6, v15;
	v13 =	vand.u32 $0x7FFFFF, v13  }
0xe9: {  	v19 =	vand.u32 $0x78, v27;
	v12 =	vadd.f32 v6, v12;
	[tilespmem:v22+s8+$0x0] =	vst.idx.add.f32.msk $0xffff, v3;
	v14 =	vand.u32 $0x7FFFFF, v14  }
0xea: {  	v18 =	vor.u32 v19, v18;
	v15 =	vand.u32 $0x7FFFFF, v15;
	[tilespmem:v20+s8+$0x0] =	vst.idx.add.f32.msk $0xffff, v3  }
0xeb: {  	v19 =	vadd.s32 v1, v18;
	v12 =	vand.u32 $0x7FFFFF, v12;
	[tilespmem:v16+s8+$0x0] =	vst.idx.add.f32.msk $0xffff, v3  }
0xec: {  	v16 =	vor.u32 $0x7, v19;
	[tilespmem:v17+s8+$0x0] =	vst.idx.add.f32.msk $0xffff, v3  }
0xed: {  	v22 =	vor.u32 $0x6, v19;
	[tilespmem:v13+s8+$0x0] =	vst.idx.add.f32.msk $0xffff, v3  }
0xee: {  	v13 =	vor.u32 $0x1, v19;
	[tilespmem:v14+s8+$0x0] =	vst.idx.add.f32.msk $0xffff, v3  }
0xef: {  	v14 =	vor.u32 $0x2, v19;
	[tilespmem:v15+s8+$0x0] =	vst.idx.add.f32.msk $0xffff, v3  }
0xf0: {  	v15 =	vor.u32 $0x4, v19;
	[tilespmem:v12+s8+$0x0] =	vst.idx.add.f32.msk $0xffff, v3  }
0xf1: {  	v23 =	vld.idx.msk [tilespmem:v16+s1+$0x0], $0xffff  }
0xf2: {  	v12 =	vor.u32 $0x5, v19;
	v16 =	vld.idx.msk [tilespmem:v22+s1+$0x0], $0xffff  }
.Ltmp9:
0xf3: {  	v20 =	vld.idx.msk [tilespmem:v13+s1+$0x0], $0xffff;
	(pc) =	sbr.rel @!p1 .LBB2_15-.Ltmp9, $4  }
0xf4: {  	v17 =	vld.idx.msk [tilespmem:v14+s1+$0x0], $0xffff  }
0xf5: {  	v21 =	vld.idx.msk [tilespmem:v15+s1+$0x0], $0xffff  }
0xf6: {  	v13 =	vadd.s32 v4, v18;
	v15 =	vld.idx.msk [tilespmem:v19+s1+$0x0], $0xffff  }
0xf7: {  	v14 =	vld.idx.msk [tilespmem:v12+s1+$0x0], $0xffff;
	v12 =	vimm.f32 $1.280000000e+02;
	v28 =	vmul.f32 $6.400000000e+01, v23;
	v23 =	vadd.s32 $0x8, v27  }
0xf8: {  	v18 =	vshll.u32 v23, $0x3  }
0xf9: {  	v19 =	vand.u32 $0x78, v23;
	v18 =	vand.u32 $0xFFFFFC00, v18;
	v22 =	vadd.f32 v7, v28  }
0xfa: {  	v18 =	vor.u32 v19, v18  }
0xfb: {  	v28 =	vadd.s32 v1, v18;
	v19 =	vand.u32 $0x7FFFFF, v22  }
0xfc: {  	v22 =	vor.u32 $0x7, v28  }
0xfd: {  	v24 =	vor.u32 $0x1, v28  }
0xfe: {  	v25 =	vld.idx.msk [tilespmem:v13+s1+$0x0], $0xffff;
	v26 =	vor.u32 $0x2, v28  }
0xff: {  	v20 =	vmul.f32 $6.400000000e+01, v20;
	v16 =	vmul.f32 $6.400000000e+01, v16;
	v27 =	vor.u32 $0x4, v28  }
0x100: {  	v23 =	vadd.s32 $0x8, v23;
	v13 =	vadd.s32 v4, v18;
	v18 =	vor.u32 $0x5, v28;
	[tilespmem:v19+s8+$0x0] =	vst.idx.add.f32.msk $0xffff, v3  }
0x101: {  	v17 =	vmul.f32 $6.400000000e+01, v17;
	v21 =	vmul.f32 $6.400000000e+01, v21;
	v29 =	vadd.f32 v7, v20;
	v30 =	vld.idx.msk [tilespmem:v22+s1+$0x0], $0xffff  }
0x102: {  	p1 =	por $0x1, $0x1;
	v15 =	vmul.f32 $6.400000000e+01, v15;
	v14 =	vmul.f32 $6.400000000e+01, v14;
	v19 =	vor.u32 $0x6, v28;
	v20 =	vld.idx.msk [tilespmem:v24+s1+$0x0], $0xffff  }
.Ltmp10:
0x103: {  	v31 =	vadd.f32 v7, v21;
	v25 =	vmul.f32 $6.400000000e+01, v25;
	v22 =	vadd.f32 v7, v17;
	v17 =	vld.idx.msk [tilespmem:v26+s1+$0x0], $0xffff;
	(pc) =	sbr.rel @!p1 .LBB2_18-.Ltmp10, $4  }
0x104: {  	v15 =	vadd.f32 v7, v15;
	v32 =	vadd.f32 v7, v14;
	v24 =	vand.u32 $0x7FFFFF, v29;
	v21 =	vld.idx.msk [tilespmem:v27+s1+$0x0], $0xffff  }
0x105: {  	v16 =	vadd.f32 v7, v16;
	v29 =	vadd.f32 v7, v25;
	v14 =	vld.idx.msk [tilespmem:v18+s1+$0x0], $0xffff;
	v26 =	vand.u32 $0x7FFFFF, v22  }
0x106: {  	v27 =	vand.u32 $0x7FFFFF, v31;
	v25 =	vand.u32 $0x7FFFFF, v32;
	v18 =	vand.u32 $0x7FFFFF, v15;
	v15 =	vld.idx.msk [tilespmem:v28+s1+$0x0], $0xffff  }
0x107: {  	s13 =	simm.s32 $0x8;
	p0 =	por $0x1, $0x1;
	v22 =	vand.u32 $0x7FFFFF, v16;
	v16 =	vld.idx.msk [tilespmem:v19+s1+$0x0], $0xffff;
	v19 =	vand.u32 $0x7FFFFF, v29;
	v28 =	vmul.f32 $6.400000000e+01, v30  }
.LBB2_17:
0x108: {  	v29 =	vshll.u32 v23, $0x3;
	s13 =	sadd.s32 $0x8, s13;
	v20 =	vmul.f32 $6.400000000e+01, v20;
	v30 =	vld.idx.msk [tilespmem:v13+s1+$0x0], $0xffff  }
0x109: {  	v13 =	vand.u32 $0x78, v23;
	v29 =	vand.u32 $0xFFFFFC00, v29;
	p1 =	slt.u32 s13, $0x1F8;
	v28 =	vadd.f32 v7, v28;
	[tilespmem:v24+s8+$0x0] =	vst.idx.add.f32.msk $0xffff, v3  }
0x10a: {  	v17 =	vmul.f32 $6.400000000e+01, v17;
	v21 =	vmul.f32 $6.400000000e+01, v21;
	v13 =	vor.u32 v13, v29;
	[tilespmem:v26+s8+$0x0] =	vst.idx.add.f32.msk $0xffff, v3  }
0x10b: {  	v29 =	vadd.s32 v1, v13;
	v13 =	vadd.s32 v4, v13;
	v26 =	vand.u32 $0x7FFFFF, v28;
	[tilespmem:v27+s8+$0x0] =	vst.idx.add.f32.msk $0xffff, v3  }
0x10c: {  	v27 =	vor.u32 $0x1, v29;
	v28 =	vor.u32 $0x2, v29;
	v31 =	vor.u32 $0x7, v29;
	[tilespmem:v25+s8+$0x0] =	vst.idx.add.f32.msk $0xffff, v3  }
0x10d: {  	v32 =	vor.u32 $0x4, v29;
	v33 =	vor.u32 $0x5, v29;
	v34 =	vor.u32 $0x6, v29;
	[tilespmem:v22+s8+$0x0] =	vst.idx.add.f32.msk $0xffff, v3  }
0x10e: {  	v20 =	vadd.f32 v7, v20;
	v14 =	vmul.f32 $6.400000000e+01, v14;
	v16 =	vmul.f32 $6.400000000e+01, v16;
	[tilespmem:v18+s8+$0x0] =	vst.idx.add.f32.msk $0xffff, v3  }
0x10f: {  	v17 =	vadd.f32 v7, v17;
	v15 =	vmul.f32 $6.400000000e+01, v15;
	v18 =	vmul.f32 $6.400000000e+01, v30;
	[tilespmem:v19+s8+$0x0] =	vst.idx.add.f32.msk $0xffff, v3  }
0x110: {  	v24 =	vand.u32 $0x7FFFFF, v20;
	v14 =	vadd.f32 v7, v14;
	v19 =	vadd.f32 v7, v21;
	[tilespmem:v26+s8+$0x0] =	vst.idx.add.f32.msk $0xffff, v3  }
0x111: {  	v16 =	vadd.f32 v7, v16;
	v15 =	vadd.f32 v7, v15;
	v26 =	vand.u32 $0x7FFFFF, v17;
	v30 =	vld.idx.msk [tilespmem:v31+s1+$0x0], $0xffff  }
0x112: {  	v25 =	vand.u32 $0x7FFFFF, v14;
	v31 =	vadd.f32 v7, v18;
	v20 =	vld.idx.msk [tilespmem:v27+s1+$0x0], $0xffff;
	v27 =	vand.u32 $0x7FFFFF, v19  }
.Ltmp11:
0x113: {  	v22 =	vand.u32 $0x7FFFFF, v16;
	v18 =	vand.u32 $0x7FFFFF, v15;
	v17 =	vld.idx.msk [tilespmem:v28+s1+$0x0], $0xffff;
	(pc) =	sbr.rel @p1 .LBB2_17-.Ltmp11, $4  }
0x114: {  	v19 =	vand.u32 $0x7FFFFF, v31;
	v21 =	vld.idx.msk [tilespmem:v32+s1+$0x0], $0xffff  }
0x115: {  	v14 =	vld.idx.msk [tilespmem:v33+s1+$0x0], $0xffff  }
0x116: {  	v16 =	vld.idx.msk [tilespmem:v34+s1+$0x0], $0xffff  }
0x117: {  	v23 =	vadd.s32 $0x8, v23;
	v28 =	vmul.f32 $6.400000000e+01, v30;
	v15 =	vld.idx.msk [tilespmem:v29+s1+$0x0], $0xffff  }
.LBB2_18:
0x118: {  	_ =	sdelay $0x3  }
0x119: {  	v20 =	vmul.f32 $6.400000000e+01, v20;
	v13 =	vld.idx.msk [tilespmem:v13+s1+$0x0], $0xffff  }
0x11a: {  	[tilespmem:v24+s8+$0x0] =	vst.idx.add.f32.msk @p0 $0xffff, v3;
	v17 =	vmul.f32 $6.400000000e+01, v17;
	v23 =	vadd.f32 v7, v28  }
0x11b: {  	[tilespmem:v26+s8+$0x0] =	vst.idx.add.f32.msk @p0 $0xffff, v3;
	v21 =	vmul.f32 $6.400000000e+01, v21;
	v20 =	vadd.f32 v7, v20  }
0x11c: {  	[tilespmem:v27+s8+$0x0] =	vst.idx.add.f32.msk @p0 $0xffff, v3;
	v14 =	vmul.f32 $6.400000000e+01, v14;
	v17 =	vadd.f32 v7, v17;
	v23 =	vand.u32 $0x7FFFFF, v23  }
0x11d: {  	[tilespmem:v25+s8+$0x0] =	vst.idx.add.f32.msk @p0 $0xffff, v3;
	v21 =	vadd.f32 v7, v21;
	v16 =	vmul.f32 $6.400000000e+01, v16;
	v20 =	vand.u32 $0x7FFFFF, v20  }
0x11e: {  	[tilespmem:v22+s8+$0x0] =	vst.idx.add.f32.msk @p0 $0xffff, v3;
	v15 =	vmul.f32 $6.400000000e+01, v15;
	v14 =	vadd.f32 v7, v14;
	v17 =	vand.u32 $0x7FFFFF, v17  }
0x11f: {  	[tilespmem:v18+s8+$0x0] =	vst.idx.add.f32.msk @p0 $0xffff, v3;
	v13 =	vmul.f32 $6.400000000e+01, v13;
	v18 =	vand.u32 $0x7FFFFF, v21;
	v16 =	vadd.f32 v7, v16  }
0x120: {  	[tilespmem:v19+s8+$0x0] =	vst.idx.add.f32.msk @p0 $0xffff, v3;
	v15 =	vadd.f32 v7, v15;
	v14 =	vand.u32 $0x7FFFFF, v14  }
0x121: {  	v13 =	vadd.f32 v7, v13;
	[tilespmem:v23+s8+$0x0] =	vst.idx.add.f32.msk $0xffff, v3;
	v16 =	vand.u32 $0x7FFFFF, v16  }
0x122: {  	v15 =	vand.u32 $0x7FFFFF, v15;
	[tilespmem:v20+s8+$0x0] =	vst.idx.add.f32.msk $0xffff, v3  }
0x123: {  	v13 =	vand.u32 $0x7FFFFF, v13;
	[tilespmem:v17+s8+$0x0] =	vst.idx.add.f32.msk $0xffff, v3  }
0x124: {  	[tilespmem:v18+s8+$0x0] =	vst.idx.add.f32.msk $0xffff, v3  }
0x125: {  	[tilespmem:v14+s8+$0x0] =	vst.idx.add.f32.msk $0xffff, v3  }
0x126: {  	[tilespmem:v16+s8+$0x0] =	vst.idx.add.f32.msk $0xffff, v3  }
0x127: {  	[tilespmem:v15+s8+$0x0] =	vst.idx.add.f32.msk $0xffff, v3  }
0x128: {  	s13 =	simm.s32 $0xA030;
	[tilespmem:v13+s8+$0x0] =	vst.idx.add.f32.msk $0xffff, v3  }
0x129: {  	v13 =	vld [tilespmem:s13+$0xFFFFFF30]  }
0x12a: {  	v14 =	vld [tilespmem:s13+$0xFFFFFF20]  }
0x12b: {  	v15 =	vld [tilespmem:s13+$0xFFFFFF10]  }
0x12c: {  	v16 =	vld [tilespmem:s13+$0xFFFFFF60]  }
0x12d: {  	v17 =	vld [tilespmem:s13+$0xFFFFFF50]  }
0x12e: {  	v18 =	vld [tilespmem:s13+$0xFFFFFFA0]  }
0x12f: {  	v19 =	vld [tilespmem:s13+$0xFFFFFFD0]  }
0x130: {  	v21 =	vld [tilespmem:s13+$0xFFFFFFE0]  }
0x131: {  	v24 =	vld [tilespmem:s13+$0xFFFFFF90]  }
0x132: {  	p1 =	por $0x1, $0x1;
	v25 =	vld [tilespmem:s13+$0xFFFFFFF0]  }
.Ltmp12:
0x133: {  	v20 =	vld [tilespmem:s13+$0xFFFFFFB0];
	(pc) =	sbr.rel @!p1 .LBB2_19-.Ltmp12, $4  }
0x134: {  	v23 =	vld [tilespmem:s13+$0x0]  }
0x135: {  	v22 =	vld [tilespmem:s13+$0xFFFFFFC0];
	v14 =	vadd.f32 v14, v15;
	v15 =	vadd.f32 v21, v19  }
0x136: {  	v21 =	vld [tilespmem:s13+$0xFFFFFF70];
	v19 =	vadd.f32 v16, v17;
	v28 =	vadd.f32 v18, v24  }
0x137: {  	p0 =	por $0x0, $0x0;
	v24 =	vld [tilespmem:s13+$0xFFFFFF80];
	v17 =	vadd.f32 v13, v14;
	v13 =	vimm.f32 $0.0e+00;
	v27 =	vadd.f32 v25, v15  }
0x138: {  	v15 =	vld [tilespmem:s13+$0xFFFFFF40];
	s13 =	simm.s32 $0x9F30  }
0x139: {  	v18 =	vld [tilespmem:s13+$0xFFFFFF20]  }
0x13a: {  	v16 =	vadd.f32 v20, v28;
	v20 =	vld [tilespmem:s13+$0xFFFFFF10]  }
0x13b: {  	v14 =	vadd.f32 v23, v27;
	v26 =	vld [tilespmem:s13+$0xFFFFFFD0]  }
0x13c: {  	v23 =	vadd.f32 $-1.000000000e+00, v12;
	v28 =	vld [tilespmem:s13+$0xFFFFFFE0];
	v19 =	vadd.f32 v21, v19  }
0x13d: {  	v21 =	vadd.f32 v14, v13;
	v14 =	vadd.f32 v22, v16  }
0x13e: {  	vm1 =	veq.f32 v13, $0.0e+00;
	v25 =	vld [tilespmem:s13+$0xFFFFFF30];
	v31 =	vadd.f32 $-1.000000000e+00, v23  }
0x13f: {  	v22 =	vld [tilespmem:s13+$0xFFFFFF60];
	v16 =	vadd.f32 v24, v19;
	vm0 =	vge.f32 v21, $1.020000000e+02;
	v14 =	vadd.f32 v14, v21  }
0x140: {  	v19 =	vld [tilespmem:s13+$0xFFFFFF50];
	v15 =	vadd.f32 v15, v17;
	vm0 =	vmand vm1, vm0;
	v29 =	vadd.f32 v18, v20  }
0x141: {  	v30 =	vld [tilespmem:s13+$0xFFFFFF90];
	v28 =	vadd.f32 v28, v26;
	v27 =	vsel vm0, $0x3F800000, v13;
	v16 =	vadd.f32 v16, v14  }
0x142: {  	v32 =	vld [tilespmem:s13+$0xFFFFFFF0];
	v17 =	vsel vm0, v12, v13;
	vm1 =	vge.f32 v14, $1.020000000e+02;
	vm2 =	veq.f32 v27, $0.0e+00  }
0x143: {  	p1 =	por $0x1, $0x1;
	v24 =	vld [tilespmem:s13+$0xFFFFFFA0];
	v18 =	vsel vm0, v13, v13;
	vm0 =	vmand vm2, vm1;
	v15 =	vadd.f32 v15, v16  }
.Ltmp13:
0x144: {  	v20 =	vld [tilespmem:s13+$0xFFFFFFB0];
	vm1 =	vge.f32 v16, $1.020000000e+02;
	v33 =	vsel vm0, v23, v17;
	v27 =	vsel vm0, $0x3F800000, v27;
	(pc) =	sbr.rel @!p1 .LBB2_22-.Ltmp13, $4  }
0x145: {  	v19 =	vadd.f32 v22, v19;
	v18 =	vsel vm0, v21, v18;
	v23 =	vld [tilespmem:s13+$0x0];
	vm0 =	veq.f32 v27, $0.0e+00  }
0x146: {  	v17 =	vadd.f32 v25, v29;
	v25 =	vadd.f32 $-1.000000000e+00, v31;
	v21 =	vld [tilespmem:s13+$0xFFFFFF70];
	vm0 =	vmand vm0, vm1  }
0x147: {  	v22 =	vld [tilespmem:s13+$0xFFFFFFC0];
	vm1 =	vge.f32 v15, $1.020000000e+02;
	v26 =	vsel vm0, v31, v33;
	v29 =	vsel vm0, $0x3F800000, v27  }
0x148: {  	s14 =	simm.s32 $0x4;
	p0 =	por $0x1, $0x1;
	v27 =	vadd.f32 v32, v28;
	v28 =	vadd.f32 v24, v30;
	v24 =	vld [tilespmem:s13+$0xFFFFFF80];
	vm2 =	veq.f32 v29, $0.0e+00  }
.LBB2_21:
0x149: {  	s14 =	sadd.s32 $0x4, s14;
	v30 =	vld [tilespmem:s13+$0xFFFFFF40];
	s13 =	sadd.s32 $0xFFFFFF00, s13;
	v14 =	vsel vm0, v14, v18  }
0x14a: {  	vm0 =	vmand vm2, vm1;
	v31 =	vld [tilespmem:s13+$0xFFFFFF30];
	p1 =	slt.u32 s14, $0x7C;
	v18 =	vadd.f32 v23, v27;
	v20 =	vadd.f32 v20, v28  }
0x14b: {  	v27 =	vadd.f32 $-1.000000000e+00, v25;
	v23 =	vld [tilespmem:s13+$0xFFFFFF20];
	v19 =	vadd.f32 v21, v19;
	v21 =	vsel vm0, $0x3F800000, v29  }
0x14c: {  	v28 =	vld [tilespmem:s13+$0xFFFFFF10];
	v18 =	vadd.f32 v18, v15;
	v20 =	vadd.f32 v22, v20;
	v22 =	vsel vm0, v25, v26  }
0x14d: {  	v25 =	vld [tilespmem:s13+$0xFFFFFF60];
	v19 =	vadd.f32 v24, v19;
	v24 =	vsel vm0, v16, v14  }
0x14e: {  	vm1 =	veq.f32 v21, $0.0e+00;
	v26 =	vld [tilespmem:s13+$0xFFFFFF50];
	vm0 =	vge.f32 v18, $1.020000000e+02;
	v14 =	vadd.f32 v20, v18  }
0x14f: {  	v20 =	vadd.f32 $-1.000000000e+00, v27;
	v17 =	vadd.f32 v30, v17;
	v32 =	vld [tilespmem:s13+$0xFFFFFFA0];
	vm0 =	vmand vm1, vm0  }
0x150: {  	v29 =	vld [tilespmem:s13+$0xFFFFFFD0];
	v22 =	vsel vm0, v27, v22;
	v21 =	vsel vm0, $0x3F800000, v21;
	vm1 =	vge.f32 v14, $1.020000000e+02  }
0x151: {  	v16 =	vadd.f32 v19, v14;
	v27 =	vld [tilespmem:s13+$0xFFFFFFE0];
	v28 =	vadd.f32 v23, v28;
	vm2 =	veq.f32 v21, $0.0e+00  }
0x152: {  	v23 =	vsel vm0, v15, v24;
	v24 =	vadd.f32 $-1.000000000e+00, v20;
	v30 =	vld [tilespmem:s13+$0xFFFFFF90];
	vm0 =	vmand vm2, vm1  }
0x153: {  	v15 =	vadd.f32 v17, v16;
	v33 =	vld [tilespmem:s13+$0xFFFFFFF0];
	v34 =	vsel vm0, v20, v22;
	v35 =	vsel vm0, $0x3F800000, v21  }
.Ltmp14:
0x154: {  	v19 =	vadd.f32 v25, v26;
	v18 =	vsel vm0, v18, v23;
	v20 =	vld [tilespmem:s13+$0xFFFFFFB0];
	vm0 =	veq.f32 v35, $0.0e+00;
	(pc) =	sbr.rel @p1 .LBB2_21-.Ltmp14, $4  }
0x155: {  	vm1 =	vge.f32 v16, $1.020000000e+02;
	v17 =	vadd.f32 v31, v28;
	v25 =	vadd.f32 $-1.000000000e+00, v24;
	v23 =	vld [tilespmem:s13+$0x0]  }
0x156: {  	vm0 =	vmand vm0, vm1;
	v27 =	vadd.f32 v27, v29;
	v21 =	vld [tilespmem:s13+$0xFFFFFF70]  }
0x157: {  	vm1 =	vge.f32 v15, $1.020000000e+02;
	v26 =	vsel vm0, v24, v34;
	v29 =	vsel vm0, $0x3F800000, v35;
	v22 =	vld [tilespmem:s13+$0xFFFFFFC0]  }
0x158: {  	v28 =	vadd.f32 v32, v30;
	vm2 =	veq.f32 v29, $0.0e+00;
	v27 =	vadd.f32 v33, v27;
	v24 =	vld [tilespmem:s13+$0xFFFFFF80]  }
.LBB2_22:
0x159: {  	_ = 	snop  }
0x15a: {  	v23 =	vadd.f32 v23, v27  }
0x15b: {  	vm1 =	vmand @p0 vm2, vm1;
	v20 =	vadd.f32 v20, v28  }
0x15c: {  	v27 =	vsel @p0 vm1, $0x3F800000, v29;
	v28 =	vld [tilespmem:$0x8000];
	v23 =	vadd.f32 v23, v15  }
0x15d: {  	v19 =	vadd.f32 v21, v19;
	v21 =	vpsel p0, v27, v13;
	v20 =	vadd.f32 v22, v20;
	v22 =	vld [tilespmem:$0x8010]  }
0x15e: {  	v29 =	vadd.f32 @p0 $-1.000000000e+00, v25;
	v27 =	vld [tilespmem:s13+$0xFFFFFF40];
	vm3 =	veq.f32 v21, $0.0e+00;
	vm2 =	vge.f32 v23, $1.020000000e+02  }
0x15f: {  	v25 =	vsel @p0 vm1, v25, v26;
	v26 =	vld [tilespmem:$0x8020];
	v20 =	vadd.f32 v20, v23;
	vm2 =	vmand vm3, vm2  }
0x160: {  	v25 =	vpsel p0, v25, v13;
	v19 =	vadd.f32 v24, v19;
	v21 =	vsel vm2, $0x3F800000, v21  }
0x161: {  	v12 =	vpsel p0, v29, v12;
	v29 =	vld [tilespmem:$0x8030];
	vm3 =	vge.f32 v20, $1.020000000e+02;
	vm4 =	veq.f32 v21, $0.0e+00  }
0x162: {  	v19 =	vadd.f32 v19, v20;
	v22 =	vadd.f32 v22, v28;
	vm3 =	vmand vm4, vm3  }
0x163: {  	v24 =	vadd.f32 $-1.000000000e+00, v12;
	v17 =	vadd.f32 v27, v17;
	v21 =	vsel vm3, $0x3F800000, v21  }
0x164: {  	vm5 =	vge.f32 v19, $1.020000000e+02;
	v22 =	vadd.f32 v26, v22;
	vm4 =	veq.f32 v21, $0.0e+00  }
0x165: {  	v12 =	vsel vm2, v12, v25;
	v17 =	vadd.f32 v17, v19;
	vm4 =	vmand vm4, vm5  }
0x166: {  	v25 =	vadd.f32 $-1.000000000e+00, v24;
	v22 =	vadd.f32 v29, v22;
	v21 =	vsel vm4, $0x3F800000, v21  }
0x167: {  	v12 =	vsel vm3, v24, v12;
	vm5 =	vge.f32 v17, $1.020000000e+02;
	vm6 =	veq.f32 v21, $0.0e+00  }
0x168: {  	v24 =	vadd.f32 $-1.000000000e+00, v25;
	v22 =	vadd.f32 v22, v17;
	vm5 =	vmand vm6, vm5  }
0x169: {  	v12 =	vsel vm4, v25, v12;
	v21 =	vsel vm5, $0x3F800000, v21  }
0x16a: {  	v25 =	vadd.f32 $-1.000000000e+00, v24;
	vm6 =	vge.f32 v22, $1.020000000e+02;
	vm7 =	veq.f32 v21, $0.0e+00  }
0x16b: {  	v12 =	vsel vm5, v24, v12;
	vm6 =	vmand vm7, vm6  }
0x16c: {  	v12 =	vsel vm6, v25, v12  }
0x16d: {  	v21 =	vadd.f32 $8.388608000e+06, v12;
	_ =	sdelay $0x1  }
0x16e: {  	v21 =	vshll.u32 v21, $0x6  }
0x16f: {  	v22 =	vor.u32 v8, v21  }
0x170: {  	v24 =	vor.u32 v9, v21;
	v22 =	vand.u32 $0x1FFFFFCF, v22  }
0x171: {  	v24 =	vand.u32 $0x1FFFFFDF, v24  }
0x172: {  	v21 =	vor.u32 v10, v21  }
0x173: {  	v21 =	vand.u32 $0x1FFFFFEF, v21;
	_ =	sdelay $0x1  }
0x174: {  	v14 =	vsel @p0 vm0, v14, v18;
	v18 =	vld.idx.msk [tilespmem:v22+s8+$0x0], $0xffff  }
0x175: {  	v14 =	vsel @p0 vm1, v16, v14;
	v16 =	vld.idx.msk [tilespmem:v24+s8+$0x0], $0xffff  }
0x176: {  	v14 =	vpsel p0, v14, v13  }
0x177: {  	v14 =	vsel vm2, v15, v14;
	v15 =	vld.idx.msk [tilespmem:v21+s8+$0x0], $0xffff  }
0x178: {  	v14 =	vsel vm3, v23, v14  }
0x179: {  	v14 =	vsel vm4, v20, v14  }
0x17a: {  	v14 =	vsel vm5, v19, v14;
	v16 =	vadd.f32 v16, v18  }
0x17b: {  	v14 =	vsel vm6, v17, v14  }
0x17c: {  	v14 =	vsub.f32 $1.020000000e+02, v14;
	v17 =	vadd.f32 v15, v16;
	_ =	sdelay $0x1  }
0x17d: {  	vm0 =	vge.f32 v17, v14  }
0x17e: {  	vm1 =	vge.f32 v16, v14;
	v15 =	vsel vm0, $0x44800000, v11  }
0x17f: {  	vm2 =	vge.f32 v18, v14;
	v15 =	vsel vm1, $0x44000000, v15  }
0x180: {  	v15 =	vsel vm2, $0x0, v15  }
0x181: {  	v16 =	vsel vm0, v16, v17;
	v19 =	vadd.f32 $8.388608000e+06, v15  }
0x182: {  	v16 =	vsel vm1, v18, v16  }
0x183: {  	v12 =	vadd.f32 $-6.400000000e+01, v12;
	v16 =	vsel vm2, $0x0, v16;
	v24 =	vand.u32 $0x7FFFFF, v19  }
0x184: {  	v14 =	vsub.f32 v14, v16;
	v17 =	vshll.u32 v24, $0x3;
	v16 =	vand.u32 $0x7F, v24  }
0x185: {  	v18 =	vadd.s32 $0x2, v24;
	v19 =	vadd.s32 $0x1, v24;
	v21 =	vadd.s32 $0x6, v24  }
0x186: {  	v22 =	vadd.s32 $0x4, v24;
	v17 =	vand.u32 $0xFFFFFC00, v17;
	v20 =	vand.u32 $0x7F, v19  }
0x187: {  	v19 =	vshll.u32 v19, $0x3;
	v23 =	vshll.u32 v18, $0x3;
	v25 =	vshll.u32 v22, $0x3  }
0x188: {  	v22 =	vand.u32 $0x7F, v22;
	v18 =	vand.u32 $0x7F, v18;
	v16 =	vor.u32 v16, v17  }
0x189: {  	v19 =	vand.u32 $0xFFFFFC00, v19;
	v25 =	vand.u32 $0xFFFFFC00, v25;
	v16 =	vadd.s32 v1, v16  }
0x18a: {  	v23 =	vand.u32 $0xFFFFFC00, v23;
	v22 =	vor.u32 v22, v25;
	v25 =	vshll.u32 v21, $0x3  }
0x18b: {  	v21 =	vand.u32 $0x7F, v21;
	v27 =	vadd.s32 v1, v22;
	v22 =	vand.u32 $0xFFFFFC00, v25  }
0x18c: {  	v19 =	vor.u32 v20, v19;
	v21 =	vor.u32 v21, v22;
	v22 =	vadd.f32 $1.000000000e+00, v15  }
0x18d: {  	v17 =	vadd.s32 $0x7, v24;
	v18 =	vor.u32 v18, v23;
	v19 =	vadd.s32 v1, v19  }
0x18e: {  	v20 =	vadd.s32 v1, v21;
	v21 =	vadd.f32 $1.000000000e+00, v22;
	v23 =	vld.idx.msk [tilespmem:v16+s1+$0x0], $0xffff;
	v16 =	vshll.u32 v17, $0x3  }
0x18f: {  	v18 =	vadd.s32 v1, v18;
	v17 =	vand.u32 $0x7F, v17;
	v16 =	vand.u32 $0xFFFFFC00, v16  }
0x190: {  	v28 =	vadd.s32 $0x5, v24;
	v17 =	vor.u32 v17, v16;
	v16 =	vadd.f32 $1.000000000e+00, v21  }
0x191: {  	v26 =	vadd.s32 $0x3, v24;
	v30 =	vshll.u32 v28, $0x3;
	v27 =	vld.idx.msk [tilespmem:v27+s1+$0x0], $0xffff;
	v29 =	vadd.s32 v1, v17  }
0x192: {  	v28 =	vand.u32 $0x7F, v28;
	v25 =	vshll.u32 v26, $0x3;
	v31 =	vld.idx.msk [tilespmem:v19+s1+$0x0], $0xffff;
	v17 =	vadd.f32 $1.000000000e+00, v16  }
0x193: {  	v30 =	vand.u32 $0xFFFFFC00, v30;
	v26 =	vand.u32 $0x7F, v26;
	v25 =	vand.u32 $0xFFFFFC00, v25;
	v20 =	vld.idx.msk [tilespmem:v20+s1+$0x0], $0xffff  }
0x194: {  	vm2 =	veq.f32 v23, v12;
	v23 =	vor.u32 v26, v25;
	v26 =	vld.idx.msk [tilespmem:v18+s1+$0x0], $0xffff;
	v18 =	vadd.f32 $1.000000000e+00, v17  }
0x195: {  	v19 =	vsel vm2, $0x3F800000, v0;
	v32 =	vadd.s32 v1, v23;
	v23 =	vor.u32 v28, v30  }
0x196: {  	v28 =	vadd.s32 v1, v23;
	v33 =	vadd.f32 v19, v13;
	v19 =	vadd.f32 $1.000000000e+00, v18;
	v34 =	vld.idx.msk [tilespmem:v29+s1+$0x0], $0xffff  }
0x197: {  	v24 =	vadd.s32 $0x8, v24;
	vm1 =	veq.f32 v27, v12;
	vm4 =	veq.f32 v31, v12  }
0x198: {  	v25 =	vsel vm1, $0x3F800000, v0;
	vm0 =	veq.f32 v20, v12;
	v20 =	vadd.f32 $1.000000000e+00, v19  }
0x199: {  	v29 =	vsel vm4, $0x3F800000, v0;
	v23 =	vsel vm0, $0x3F800000, v0;
	vm3 =	veq.f32 v33, v14  }
0x19a: {  	vm5 =	vmand vm2, vm3;
	vm3 =	veq.f32 v26, v12;
	v27 =	vld.idx.msk [tilespmem:v32+s1+$0x0], $0xffff;
	v26 =	vadd.f32 $1.000000000e+00, v20  }
0x19b: {  	s13 =	simm.s32 $0x0;
	v29 =	vadd.f32 v29, v33;
	v30 =	vsel vm3, $0x3F800000, v0;
	v28 =	vld.idx.msk [tilespmem:v28+s1+$0x0], $0xffff;
	vm2 =	veq.f32 v34, v12  }
.LBB2_23:
0x19c: {  	v31 =	vadd.s32 $0x2, v24;
	v32 =	vadd.s32 $0x7, v24;
	s13 =	sadd.s32 $0x8, s13;
	v13 =	vsel vm5, v15, v13;
	v15 =	vmovc v26  }
0x19d: {  	v33 =	vand.u32 $0x7F, v24;
	v34 =	vshll.u32 v24, $0x3;
	v30 =	vadd.f32 v30, v29;
	p0 =	slt.u32 s13, $0x1F8  }
0x19e: {  	v35 =	vadd.s32 $0x1, v24;
	vm5 =	veq.f32 v29, v14;
	v34 =	vand.u32 $0xFFFFFC00, v34  }
0x19f: {  	vm4 =	vmand vm4, vm5;
	v29 =	vor.u32 v33, v34;
	v33 =	vand.u32 $0x7F, v35  }
0x1a0: {  	v34 =	vshll.u32 v35, $0x3;
	v35 =	vadd.s32 $0x6, v24;
	v29 =	vadd.s32 v1, v29  }
0x1a1: {  	v36 =	vshll.u32 v31, $0x3;
	v13 =	vsel vm4, v22, v13;
	v34 =	vand.u32 $0xFFFFFC00, v34  }
0x1a2: {  	vm5 =	veq.f32 v27, v12;
	v22 =	vand.u32 $0xFFFFFC00, v36;
	v36 =	vadd.s32 $0x3, v24  }
0x1a3: {  	v37 =	vadd.s32 $0x4, v24;
	v27 =	vand.u32 $0x7F, v31;
	v31 =	vshll.u32 v36, $0x3  }
0x1a4: {  	v38 =	vand.u32 $0x7F, v37;
	v31 =	vand.u32 $0xFFFFFC00, v31;
	vm4 =	veq.f32 v28, v12  }
0x1a5: {  	v28 =	vld.idx.msk [tilespmem:v29+s1+$0x0], $0xffff;
	v29 =	vand.u32 $0x7F, v36;
	v36 =	vshll.u32 v37, $0x3;
	v37 =	vsel vm4, $0x3F800000, v0  }
0x1a6: {  	v33 =	vor.u32 v33, v34;
	v34 =	vand.u32 $0xFFFFFC00, v36;
	v36 =	vadd.s32 $0x5, v24  }
0x1a7: {  	v39 =	vsel vm5, $0x3F800000, v0;
	v34 =	vor.u32 v38, v34;
	v38 =	vshll.u32 v36, $0x3  }
0x1a8: {  	vm6 =	veq.f32 v30, v14;
	v34 =	vadd.s32 v1, v34;
	v38 =	vand.u32 $0xFFFFFC00, v38  }
0x1a9: {  	v40 =	vshll.u32 v35, $0x3;
	vm6 =	vmand vm3, vm6;
	v36 =	vand.u32 $0x7F, v36  }
0x1aa: {  	v22 =	vor.u32 v27, v22;
	v27 =	vand.u32 $0x7F, v35;
	v35 =	vand.u32 $0xFFFFFC00, v40  }
0x1ab: {  	v13 =	vsel vm6, v21, v13;
	v27 =	vor.u32 v27, v35;
	vm3 =	veq.f32 v28, v12  }
0x1ac: {  	v21 =	vadd.f32 v39, v30;
	v27 =	vadd.s32 v1, v27;
	v28 =	vsel vm3, $0x3F800000, v0  }
0x1ad: {  	v30 =	vadd.s32 v1, v22;
	v39 =	vsel vm2, $0x3F800000, v0;
	v35 =	vshll.u32 v32, $0x3;
	v34 =	vld.idx.msk [tilespmem:v34+s1+$0x0], $0xffff  }
0x1ae: {  	v22 =	vadd.f32 $1.000000000e+00, v26;
	v26 =	vand.u32 $0x7F, v32;
	v25 =	vadd.f32 v25, v21  }
0x1af: {  	v32 =	vadd.s32 v1, v33;
	vm6 =	veq.f32 v21, v14;
	v29 =	vor.u32 v29, v31  }
0x1b0: {  	v21 =	vadd.f32 $1.000000000e+00, v22;
	vm7 =	veq.f32 v25, v14;
	v31 =	vand.u32 $0xFFFFFC00, v35  }
0x1b1: {  	v25 =	vadd.f32 v37, v25;
	v29 =	vadd.s32 v1, v29;
	v26 =	vor.u32 v26, v31;
	v27 =	vld.idx.msk [tilespmem:v27+s1+$0x0], $0xffff  }
0x1b2: {  	vm5 =	vmand vm5, vm6;
	v31 =	vadd.f32 $1.000000000e+00, v21;
	v26 =	vadd.s32 v1, v26  }
0x1b3: {  	vm6 =	vmand vm1, vm7;
	v23 =	vadd.f32 v23, v25;
	v33 =	vor.u32 v36, v38  }
0x1b4: {  	v13 =	vsel vm5, v16, v13;
	v35 =	vadd.f32 $1.000000000e+00, v31;
	v16 =	vmovc v31;
	vm1 =	veq.f32 v34, v12;
	v32 =	vld.idx.msk [tilespmem:v32+s1+$0x0], $0xffff  }
0x1b5: {  	v31 =	vadd.s32 v1, v33;
	vm5 =	veq.f32 v23, v14;
	v23 =	vadd.f32 v39, v23;
	v30 =	vld.idx.msk [tilespmem:v30+s1+$0x0], $0xffff  }
0x1b6: {  	vm7 =	veq.f32 v25, v14;
	v33 =	vadd.f32 $1.000000000e+00, v35;
	vm8 =	vmand vm0, vm5  }
0x1b7: {  	vm5 =	veq.f32 v23, v14;
	v25 =	vsel vm1, $0x3F800000, v0;
	vm0 =	veq.f32 v27, v12  }
0x1b8: {  	v28 =	vadd.f32 v28, v23;
	v34 =	vadd.f32 $1.000000000e+00, v33;
	v23 =	vsel vm0, $0x3F800000, v0;
	v36 =	vld.idx.msk [tilespmem:v26+s1+$0x0], $0xffff  }
0x1b9: {  	v13 =	vsel vm6, v17, v13;
	vm6 =	vmand vm4, vm7;
	v17 =	vmovc v35;
	vm7 =	vmand vm2, vm5;
	v27 =	vld.idx.msk [tilespmem:v29+s1+$0x0], $0xffff  }
.Ltmp15:
0x1ba: {  	vm2 =	veq.f32 v28, v14;
	vm4 =	veq.f32 v32, v12;
	v32 =	vadd.f32 $1.000000000e+00, v34;
	(pc) =	sbr.rel @p0 .LBB2_23-.Ltmp15, $4  }
0x1bb: {  	v13 =	vsel vm6, v18, v13;
	v18 =	vmovc v33;
	vm5 =	vmand vm3, vm2;
	vm3 =	veq.f32 v30, v12  }
0x1bc: {  	v29 =	vsel vm4, $0x3F800000, v0;
	v30 =	vsel vm3, $0x3F800000, v0;
	v26 =	vadd.f32 $1.000000000e+00, v32  }
0x1bd: {  	v13 =	vsel vm8, v19, v13;
	v19 =	vmov v34;
	v29 =	vadd.f32 v29, v28  }
0x1be: {  	v24 =	vadd.s32 $0x8, v24;
	v13 =	vsel vm7, v20, v13;
	v20 =	vmovc v32;
	vm2 =	veq.f32 v36, v12;
	v28 =	vld.idx.msk [tilespmem:v31+s1+$0x0], $0xffff  }
0x1bf: {  	v24 =	vadd.f32 v30, v29;
	vm6 =	veq.f32 v27, v12  }
0x1c0: {  	v26 =	vsel vm6, $0x3F800000, v0  }
0x1c1: {  	v26 =	vadd.f32 v26, v24;
	_ =	sdelay $0x1  }
0x1c2: {  	vm7 =	veq.f32 v28, v12;
	v57 =	vadd.f32 v25, v26  }
0x1c3: {  	v13 =	vsel vm5, v15, v13;
	vm15 =	veq.f32 v29, v14;
	v58 =	vsel vm7, $0x3F800000, v0  }
0x1c4: {  	vm4 =	vmand vm4, vm15;
	vm8 =	veq.f32 v24, v14;
	v59 =	vadd.f32 v58, v57  }
0x1c5: {  	v13 =	vsel vm4, v22, v13;
	vm3 =	vmand vm3, vm8;
	vm9 =	veq.f32 v26, v14  }
0x1c6: {  	v13 =	vsel vm3, v21, v13;
	vm3 =	vmand vm6, vm9;
	v60 =	vadd.f32 v23, v59  }
0x1c7: {  	v61 =	vsel vm2, $0x3F800000, v0;
	vm10 =	veq.f32 v57, v14;
	v13 =	vsel vm3, v16, v13  }
0x1c8: {  	vm1 =	vmand vm1, vm10;
	vm11 =	veq.f32 v59, v14;
	v62 =	vadd.f32 v61, v60  }
0x1c9: {  	v13 =	vsel vm1, v17, v13;
	vm13 =	vmand vm7, vm11;
	vm12 =	veq.f32 v60, v14  }
0x1ca: {  	v13 =	vsel vm13, v18, v13;
	vm0 =	vmand vm0, vm12;
	vm14 =	veq.f32 v62, v14  }
0x1cb: {  	v13 =	vsel vm0, v19, v13;
	vm15 =	vmand vm2, vm14  }
0x1cc: {  	v13 =	vsel vm15, v20, v13  }
0x1cd: {  	v63 =	vmul.f32 $2.048000000e+03, v12;
	v13 =	vsub.f32 $2.047000000e+03, v13;
	_ =	sdelay $0x1  }
0x1ce: {  	v12 =	vadd.f32 v13, v63  }
0x1cf: {  	s12 =	sshrl.u32 s12, $0x3;
	s11 =	sadd.s32 $0x1, s11  }
0x1d0: {  	s12 =	sadd.s32 s3, s12;
	p0 =	sne.s32 s11, $0x18;
	[tilespmem:$0xA080] =	vst v12  }
0x1d1: {  	[hbm4b:s12+s1] =	stream.linear.scatter [tilespmem:s9], [sflag:$0x1], $0x10, $0x38;
	[tilespmem:$0xA100] =	vst v63  }
.Ltmp16:
0x1d2: {  	_ = 	snop;
	(pc) =	sbr.rel @p0 .LBB2_2-.Ltmp16, $4  }
.Ltmp17:
0x1d3: {  	_ = 	snop;
	(pc) =	sbr.rel @!p0 .LBB2_25-.Ltmp17, $4  }
0x1d4: {  	_ =	swait.ge [sflag:s7], $0x10  }
0x1d5: {  	[sflag:s7] =	ssyncset.done $0x0  }
0x1d6: {  	[sflag:s7] =	ssyncadd.s32 $0xFFFFFFF0  }
0x1d7: {  	_ = 	snop  }
.LBB2_11:
.Ltmp18:
0x1d8: {  	(pc) =	sbr.rel .LBB2_14-.Ltmp18, $2  }
0x1d9: {  	_ =	sdelay $0x2  }
0x1da: {  	p2 =	por $0x0, $0x0  }
.LBB2_15:
.Ltmp19:
0x1db: {  	(pc) =	sbr.rel .LBB2_18-.Ltmp19, $2  }
0x1dc: {  	_ =	sdelay $0x2  }
0x1dd: {  	_ = 	snop  }
.LBB2_19:
.Ltmp20:
0x1de: {  	(pc) =	sbr.rel .LBB2_22-.Ltmp20, $2  }
0x1df: {  	_ =	sdelay $0x2  }
0x1e0: {  	v15 =	vimm.f32 $0.0e+00  }
.LBB2_26:
0x1e1: {  	_ =	sfence.sel $0x180000  }
0x1e2: {  	[bflag:$0x0] =	sbarrier.arrive $0xFFFF  }
0x1e3: {  	p0 =	sne.s32 s4, $0x0;
	_ =	strace $0x90000047  }
0x1e4: {  	s0 =	sadd.s32 @!p0 $0x100000, s0;
	[bflag:$0x2] =	sbarrier.arrive $0xFFFF  }
0x1e5: {  	[sflag:s0] =	ssyncadd.tile.s32 @!p0 $0x1;
	_ =	shalt  }
.Lfunc_end2:
_tile_overlayer_lowered:
.L_overlay_start_2:
0x1e6: {  	(tag) =	ssettag $0x2  }
0x1e7: {  	s0 =	rddreg [dreg:$0x0];
	s2 =	stileid.u32  }
0x1e8: {  	s1 =	rddreg [dreg:$0x1];
	p0 =	sne.s32 s2, $0x0  }
0x1e9: {  	s3 =	rddreg [dreg:$0x2];
	[bflag:$0x3] =	sbarrier.arrive $0xFFFF;
	s2 =	simm.s32 @!p0 $0x1C01  }
0x1ea: {  	[timem:s3], [sflag:s2] =	dma.local @!p0 [hbm:s0], s1  }
0x1eb: {  	s0 =	simm.s32 @!p0 $0x1  }
0x1ec: {  	_ =	swait.ge @!p0 [sflag:s0], s1  }
0x1ed: {  	s1 =	ssub.s32 @!p0 $0x0, s1;
	[sflag:s0] =	ssyncset.done @!p0 $0x0  }
0x1ee: {  	[sflag:s0] =	ssyncadd.s32 @!p0 s1  }
0x1ef: {  	[bflag:$0x3] =	sbarrier.arrive $0xFFFF  }
0x1f0: {  	_ =	shalt  }

// kernel: kernel.7.cloned.1.call-start
scs
__scs_entry_jumppad:
0x0: {  	(pc) =	sbr.rel $0x88, $3  }
0x1: {  	(tag) =	ssettag $0x0;
	lr =	simm.s32 $0x1  }
0x2: {  	[smem:$0x3F9E] =	sst lr;
	_ =	strace $0xD0000000  }
0x3: {  	_ = 	snop  }
0x4: {  	_ = 	snop  }
0x5: {  	_ = 	snop  }
0x6: {  	_ = 	snop  }
0x7: {  	_ = 	snop  }
__scs_overlays_trampoline_lowered:
0x8: {  	[smem:$0x3FAD] =	sst s0  }
0x9: {  	[smem:$0x3FAE] =	sst s1  }
0xa: {  	[smem:$0x3FAF] =	sst s2  }
0xb: {  	[smem:$0x3FB0] =	sst s3  }
0xc: {  	[smem:$0x3FB1] =	sst s4  }
0xd: {  	[smem:$0x3FB2] =	sst s5  }
0xe: {  	[smem:$0x3FB3] =	sst s6  }
0xf: {  	[smem:$0x3FB4] =	sst s7  }
0x10: {  	[smem:$0x3FB5] =	sst s8  }
0x11: {  	[smem:$0x3FB6] =	sst s9;
	s0 =	simm.s32 @!p0 $0x0  }
0x12: {  	s1 =	sld [smem:$0x3F9C];
	s0 =	simm.s32 @p0 $0x1  }
0x13: {  	[smem:$0x3FB7] =	sst s0;
	s0 =	simm.s32 @!p1 $0x0  }
0x14: {  	s2 =	sld [smem:$0x3F9B];
	s0 =	simm.s32 @p1 $0x1  }
0x15: {  	[smem:$0x3FB8] =	sst s0;
	s0 =	simm.s32 @!p2 $0x0  }
0x16: {  	s3 =	sld [smem:$0x3FDB];
	s0 =	simm.s32 @p2 $0x1  }
0x17: {  	s4 =	simm.s32 $0x1BF5;
	[smem:$0x3FBA] =	sst s0  }
0x18: {  	s0 =	sld [smem:$0x3F9D];
	_ =	swait.ge [sflag:s4], $0x0  }
0x19: {  	s7 =	sld [smem:$0x3F9E]  }
0x1a: {  	s8 =	sadd.s32 $0xFFFFE003, lr  }
0x1b: {  	s9 =	sadd.s32 $0xFFFFFEF7, lr;
	s5 =	simm.s32 $0xFFFFFFFF;
	p2 =	slt.u32 s8, $0xFFFFF086  }
0x1c: {  	p1 =	slt.u32 s9, $0xF7A;
	s5 =	simm.s32 @!p2 $0x0  }
0x1d: {  	s5 =	simm.s32 @p1 $0x1;
	p0 =	seq.s32 s7, s2  }
0x1e: {  	s7 =	smul.u32 @!p0 $0xF7A, s2;
	p2 =	seq.s32 @!p0 s5, $0x0  }
0x1f: {  	s9 =	smul.u32 $0xF7A, s1;
	s8 =	simm.s32 @!p0 $0x1BF5;
	p2 =	por !p2, p0  }
0x20: {  	[sflag:s8] =	ssyncset.s32 @!p0 $0xFFFFF086;
	s6 =	sadd.s32 @!p0 s3, s7;
	s7 =	simm.s32 @!p0 $0x108  }
0x21: {  	s3 =	sadd.s32 s3, s9;
	s6 =	sadd.s32 @!p0 $0x88, s6;
	s7 =	simm.s32 @p2 $0x1082  }
0x22: {  	[simem:s7], [sflag:s8] =	dma.local @!p0 [hbm:s6], $0xF7A  }
0x23: {  	s9 =	sor.u32 $0xD0000000, s2;
	s6 =	simm.s32 $0x108;
	_ =	swait.ge @!p0 [sflag:s8], $0x0  }
0x24: {  	s3 =	sadd.s32 $0x88, s3;
	s6 =	simm.s32 @!p1 $0x1082;
	[sflag:s4] =	ssyncset.s32 $0xFFFFF086  }
0x25: {  	[simem:s6], [sflag:s4] =	dma.local [hbm:s3], $0xF7A  }
0x26: {  	[smem:$0x3F9E] =	sst s1;
	(tag) =	ssettag s2;
	_ =	strace s9  }
0x27: {  	s1 =	sld [smem:$0x3FAE]  }
0x28: {  	s2 =	sld [smem:$0x3FAF]  }
0x29: {  	s4 =	sld [smem:$0x3FB1]  }
0x2a: {  	p0 =	seq.s32 s5, $0x0;
	s5 =	sld [smem:$0x3FB2]  }
0x2b: {  	s6 =	sld [smem:$0x3FB3]  }
0x2c: {  	s7 =	sld [smem:$0x3FB4]  }
0x2d: {  	s3 =	simm.s32 $0x108;
	s8 =	sld [smem:$0x3FB5]  }
0x2e: {  	s3 =	simm.s32 @!p0 $0x1082;
	s9 =	sld [smem:$0x3FB6]  }
0x2f: {  	lr =	sadd.s32 s0, s3;
	s0 =	sld [smem:$0x3FAD]  }
0x30: {  	s3 =	sld [smem:$0x3FB0]  }
0x31: {  	[smem:$0x3FB9] =	sst s10  }
0x32: {  	s10 =	sld [smem:$0x3FB7];
	_ =	sdelay $0x3  }
0x33: {  	p0 =	seq.s32 s10, $0x1;
	s10 =	sld [smem:$0x3FB9];
	_ =	sdelay $0x3  }
0x34: {  	[smem:$0x3FB9] =	sst s10  }
0x35: {  	s10 =	sld [smem:$0x3FB8];
	_ =	sdelay $0x3  }
0x36: {  	p1 =	seq.s32 s10, $0x1;
	s10 =	sld [smem:$0x3FB9];
	_ =	sdelay $0x3  }
0x37: {  	[smem:$0x3FB9] =	sst s10  }
0x38: {  	s10 =	sld [smem:$0x3FBA]  }
0x39: {  	_ = 	snop;
	(pc) =	sbr.ind lr, $3  }
0x3a: {  	_ = 	snop  }
0x3b: {  	_ = 	snop  }
0x3c: {  	p2 =	seq.s32 s10, $0x1;
	s10 =	sld [smem:$0x3FB9]  }
0x3d: {  	_ =	shalt  }
0x3e: {  	_ =	shalt  }
0x3f: {  	_ =	shalt  }
0x40: {  	_ =	shalt  }
0x41: {  	_ =	shalt  }
0x42: {  	_ =	shalt  }
0x43: {  	_ =	shalt  }
0x44: {  	_ =	shalt  }
0x45: {  	_ =	shalt  }
0x46: {  	_ =	shalt  }
0x47: {  	_ =	shalt  }
0x48: {  	_ =	shalt  }
0x49: {  	_ =	shalt  }
0x4a: {  	_ =	shalt  }
0x4b: {  	_ =	shalt  }
0x4c: {  	_ =	shalt  }
0x4d: {  	_ =	shalt  }
0x4e: {  	_ =	shalt  }
0x4f: {  	_ =	shalt  }
0x50: {  	_ =	shalt  }
0x51: {  	_ =	shalt  }
0x52: {  	_ =	shalt  }
0x53: {  	_ =	shalt  }
0x54: {  	_ =	shalt  }
0x55: {  	_ =	shalt  }
0x56: {  	_ =	shalt  }
0x57: {  	_ =	shalt  }
0x58: {  	_ =	shalt  }
0x59: {  	_ =	shalt  }
0x5a: {  	_ =	shalt  }
0x5b: {  	_ =	shalt  }
0x5c: {  	_ =	shalt  }
0x5d: {  	_ =	shalt  }
0x5e: {  	_ =	shalt  }
0x5f: {  	_ =	shalt  }
0x60: {  	_ =	shalt  }
0x61: {  	_ =	shalt  }
0x62: {  	_ =	shalt  }
0x63: {  	_ =	shalt  }
0x64: {  	_ =	shalt  }
0x65: {  	_ =	shalt  }
0x66: {  	_ =	shalt  }
0x67: {  	_ =	shalt  }
0x68: {  	_ =	shalt  }
0x69: {  	_ =	shalt  }
0x6a: {  	_ =	shalt  }
0x6b: {  	_ =	shalt  }
0x6c: {  	_ =	shalt  }
0x6d: {  	_ =	shalt  }
0x6e: {  	_ =	shalt  }
0x6f: {  	_ =	shalt  }
0x70: {  	_ =	shalt  }
0x71: {  	_ =	shalt  }
0x72: {  	_ =	shalt  }
0x73: {  	_ =	shalt  }
0x74: {  	_ =	shalt  }
0x75: {  	_ =	shalt  }
0x76: {  	_ =	shalt  }
0x77: {  	_ =	shalt  }
0x78: {  	_ =	shalt  }
0x79: {  	_ =	shalt  }
0x7a: {  	_ =	shalt  }
0x7b: {  	_ =	shalt  }
0x7c: {  	_ =	shalt  }
0x7d: {  	_ =	shalt  }
0x7e: {  	_ =	shalt  }
0x7f: {  	_ =	shalt  }
0x80: {  	_ =	shalt  }
0x81: {  	_ =	shalt  }
0x82: {  	_ =	shalt  }
0x83: {  	_ =	shalt  }
0x84: {  	_ =	shalt  }
0x85: {  	_ =	shalt  }
0x86: {  	_ =	shalt  }
0x87: {  	_ =	shalt  }
.Lfunc_end0:
.L_simem_size_0:
called_computation_lowered:
.L_overlay_start_0:
0x88: {  	s2 =	sld [smem:$0x3FD9]  }
0x89: {  	s3 =	sld [smem:$0x3FFE];
	_ =	sdelay $0x1  }
0x8a: {  	s1 =	srdreg.scid  }
0x8b: {  	s0 =	sand.u32 $0x1, s1  }
0x8c: {  	s17 =	sshll.u32 s0, $0xA;
	s2 =	sadd.s32 s3, s2  }
0x8d: {  	s2 =	sadd.s32 s2, s17  }
0x8e: {  	[smem:$0x3FC5] =	sst s2  }
0x8f: {  	_ = 	snop  }
0x90: {  	(tm) =	ssettm $0x1  }
0x91: {  	s18 =	sld [smem:$0x3FFB];
	_ =	sdelay $0x3  }
0x92: {  	_ =	strace s18  }
0x93: {  	s2 =	sld [smem:$0x3FFC];
	_ =	sdelay $0x3  }
0x94: {  	_ =	strace s2  }
0x95: {  	s2 =	sld [smem:$0x3FFD];
	_ =	sdelay $0x3  }
0x96: {  	_ =	strace s2  }
0x97: {  	_ =	strace $0x8FFFFFFF  }
0x98: {  	s19 =	sld [smem:$0x3FDB];
	_ =	sdelay $0x1  }
0x99: {  	s20 =	simm.s32 $_scs_section_size  }
0x9a: {  	s4 =	simm.s32 $_size__tile_overlayer_lowered;
	s5 =	simm.s32 $_tile_overlayer_lowered  }
0x9b: {  	s6 =	simm.s32 $0x1BFF;
	s21 =	sshll.u32 s5, $0x1;
	s3 =	sadd.s32 s20, s19  }
0x9c: {  	s22 =	simm.s32 $0x0;
	s4 =	sshll.u32 s4, $0x1;
	s5 =	sadd.s32 s21, s3  }
0x9d: {  	[timem:s22], [sflag:s6] =	dma.local [hbm:s5], s4  }
0x9e: {  	_ =	swait.ge [sflag:s6], s4  }
0x9f: {  	s4 =	ssub.s32 $0x0, s4;
	[sflag:s6] =	ssyncset.done $0x0  }
0xa0: {  	[sflag:s6] =	ssyncadd.s32 s4;
	_ =	sdelay $0x1  }
0xa1: {  	s23 =	simm.s32 $0x1B8B  }
0xa2: {  	_ =	swait.ge [sflag:s23], $0x1  }
0xa3: {  	[sflag:s23] =	ssyncset.done $0x0  }
0xa4: {  	[sflag:s23] =	ssyncadd.s32 $0xFFFFFFFF  }
0xa5: {  	s4 =	sld [smem:$0x0]  }
0xa6: {  	s5 =	sand.u32 $0xFFFFFFFE, s1  }
0xa7: {  	p0 =	sne.s32 s1, s5  }
0xa8: {  	s5 =	sshll.u32 @p0 s5, $0xE  }
0xa9: {  	s5 =	sadd.s32 @p0 $0x11B8D, s5;
	s6 =	sshll.u32 @p0 s4, $0x11  }
0xaa: {  	s5 =	sor.u32 @p0 s6, s5  }
0xab: {  	[sflag:s5] =	ssyncadd.remote.s32 @p0 $0x1;
	_ =	sdelay $0x1  }
0xac: {  	s5 =	simm.s32 @p0 $0x1B8D  }
0xad: {  	_ =	swait.eq @p0 [sflag:s5], $0x1  }
0xae: {  	[sflag:s5] =	ssyncadd.s32 @p0 $0xFFFFFFFF  }
0xaf: {  	s6 =	sshll.u32 @!p0 s1, $0xE  }
0xb0: {  	s6 =	sor.u32 @!p0 $0x4000, s6;
	s5 =	simm.s32 @!p0 $0x1B8D  }
0xb1: {  	s4 =	sshll.u32 @!p0 s4, $0x11;
	s6 =	sadd.s32 @!p0 $0x11B8D, s6;
	_ =	swait.eq @!p0 [sflag:s5], $0x1  }
0xb2: {  	s4 =	sor.u32 @!p0 s4, s6;
	[sflag:s5] =	ssyncadd.s32 @!p0 $0xFFFFFFFF  }
0xb3: {  	s25 =	simm.s32 $0x1B8E;
	s24 =	sld [smem:$0x3FFE];
	[sflag:s4] =	ssyncadd.remote.s32 @!p0 $0x1  }
0xb4: {  	s26 =	simm.s32 $execute0_lowered;
	[smem:$0x3FD2] =	sst s25  }
0xb5: {  	s5 =	sshll.u32 s26, $0x1;
	_ =	strace $0x80000049;
	[dreg:$0x1] =	wrdreg $0xFFFFFFFF  }
0xb6: {  	s28 =	simm.s32 $_size_execute0_lowered;
	s3 =	sadd.s32 s3, s5;
	[dreg:$0x0] =	wrdreg $0x0  }
0xb7: {  	s5 =	sshll.u32 s28, $0x1;
	[dreg:$0x2] =	wrdreg s3  }
0xb8: {  	[dreg:$0x3] =	wrdreg s5  }
0xb9: {  	[dreg:$0x4] =	wrdreg $0xC0  }
0xba: {  	_ =	task [dreg:s22], $0x5FFFF  }
0xbb: {  	[dreg:$0x1] =	wrdreg $0xFFFFFFFF  }
0xbc: {  	[dreg:$0x0] =	wrdreg $0x60  }
0xbd: {  	[dreg:$0x2] =	wrdreg s24  }
0xbe: {  	[dreg:$0x3] =	wrdreg $0x9  }
0xbf: {  	_ =	task.clear_ibuf [dreg:s22], $0x4FFFF;
	_ =	strace $0x90000049  }
0xc0: {  	s29 =	simm.s32 $0x9;
	_ =	strace $0x8000004B  }
0xc1: {  	_ =	swait.ge [sflag:s29], $0x1  }
0xc2: {  	[sflag:s29] =	ssyncadd.s32 $0xFFFFFFFF  }
0xc3: {  	_ =	strace $0x9000004B  }
0xc4: {  	_ =	sfence  }
0xc5: {  	s30 =	sld [smem:$0x0];
	_ =	sdelay $0x2  }
0xc6: {  	s31 =	sshll.u32 s1, $0xD;
	s1 =	sshrl.u32 s1, $0x2  }
0xc7: {  	s4 =	sand.u32 $0x4000, s31;
	s1 =	sadd.s32 s1, s30  }
0xc8: {  	s0 =	sor.u32 s4, s0;
	s1 =	sshll.u32 s1, $0x11  }
0xc9: {  	s0 =	sor.u32 s1, s0  }
0xca: {  	s0 =	sadd.s32 $0x8F2B, s0  }
0xcb: {  	[sflag:s0] =	ssyncadd.remote.s32 $0x1  }
0xcc: {  	_ =	sfence.sel $0xFFFF  }
0xcd: {  	[dreg:$0x0] =	wrdreg $0xFFFFFFFF;
	(pc) =	sbr.abs _section_cstart, $3  }
0xce: {  	[dreg:$0x1] =	wrdreg $0xFFFFFFFF  }
0xcf: {  	_ =	task.clear_ibuf [dreg:s22], $0x2FFFF;
	_ =	strace $0x9FFFFFFF  }
0xd0: {  	(tm) =	ssettm $0x7FFFFFFF  }
0xd1: {  	_ =	shalt  }
tec
execute0_lowered:
.L_overlay_start_1:
0x0: {  	(tag) =	ssettag $0x1  }
0x1: {  	v0 =	vimm.s32 $0x4380;
	vm9 =	vcmask $0x300;
	vm8 =	vcmask $0x704  }
0x2: {  	vm6 =	vcmask $0xB08;
	vm5 =	vcmask $0xF0C;
	vm3 =	vcmask $0x1310  }
0x3: {  	vm1 =	vcmask $0x1714;
	vm2 =	vcmask $0x1B18;
	vm0 =	vcmask $0x1F1C  }
0x4: {  	v2 =	vimm.f32 $8.392719000e+06;
	v3 =	vimm.s32 $0x4383;
	vm4 =	vcmask $0x2320  }
0x5: {  	vm7 =	vcmask $0x2724;
	vm10 =	vcmask $0x2B28;
	vm11 =	vcmask $0x2F2C  }
0x6: {  	vm12 =	vcmask $0x3330;
	vm13 =	vcmask $0x3734;
	vm14 =	vcmask $0x3B38  }
0x7: {  	v5 =	vimm.f32 $8.392735000e+06;
	v6 =	vimm.f32 $8.392751000e+06;
	v7 =	vimm.f32 $8.392767000e+06  }
0x8: {  	v8 =	vlaneseq.u32;
	v11 =	vimm.f32 $1.536000000e+03;
	v0 =	vsel vm9, $0x0, v0  }
0x9: {  	v2 =	vsel vm9, $0x4B001000, v2;
	v3 =	vsel vm9, $0x3, v3;
	v5 =	vsel vm9, $0x4B001010, v5  }
0xa: {  	v6 =	vsel vm9, $0x4B001020, v6;
	v7 =	vsel vm9, $0x4B001030, v7;
	v9 =	vor.u32 $0x10, v8  }
0xb: {  	v10 =	vor.u32 $0x20, v8;
	v0 =	vsel vm8, $0x80, v0;
	v2 =	vsel vm8, $0x4B001001, v2  }
0xc: {  	v3 =	vsel vm8, $0x83, v3;
	v5 =	vsel vm8, $0x4B001011, v5;
	v6 =	vsel vm8, $0x4B001021, v6  }
0xd: {  	v7 =	vsel vm8, $0x4B001031, v7;
	v0 =	vsel vm6, $0x100, v0;
	v2 =	vsel vm6, $0x4B001002, v2  }
0xe: {  	v3 =	vsel vm6, $0x103, v3;
	v5 =	vsel vm6, $0x4B001012, v5;
	v6 =	vsel vm6, $0x4B001022, v6  }
0xf: {  	v7 =	vsel vm6, $0x4B001032, v7;
	v0 =	vsel vm5, $0x180, v0;
	v2 =	vsel vm5, $0x4B001003, v2  }
0x10: {  	s3 =	rddreg [dreg:$0x0];
	v3 =	vsel vm5, $0x183, v3;
	v5 =	vsel vm5, $0x4B001013, v5;
	v6 =	vsel vm5, $0x4B001023, v6  }
0x11: {  	s2 =	sadd.s32 $0x9C3400, s3;
	v7 =	vsel vm5, $0x4B001033, v7;
	v1 =	vsel vm3, $0x200, v0;
	v0 =	vimm.f32 $0.0e+00  }
0x12: {  	v2 =	vsel vm3, $0x4B001004, v2;
	v3 =	vsel vm3, $0x203, v3;
	v5 =	vsel vm3, $0x4B001014, v5  }
0x13: {  	v6 =	vsel vm3, $0x4B001024, v6;
	v7 =	vsel vm3, $0x4B001034, v7;
	v1 =	vsel vm1, $0x280, v1  }
0x14: {  	v2 =	vsel vm1, $0x4B001005, v2;
	v3 =	vsel vm1, $0x283, v3;
	v5 =	vsel vm1, $0x4B001015, v5  }
0x15: {  	v6 =	vsel vm1, $0x4B001025, v6;
	v7 =	vsel vm1, $0x4B001035, v7;
	v1 =	vsel vm2, $0x300, v1  }
0x16: {  	v2 =	vsel vm2, $0x4B001006, v2;
	v3 =	vsel vm2, $0x303, v3;
	v5 =	vsel vm2, $0x4B001016, v5  }
0x17: {  	v6 =	vsel vm2, $0x4B001026, v6;
	v7 =	vsel vm2, $0x4B001036, v7;
	v1 =	vsel vm0, $0x380, v1  }
0x18: {  	v2 =	vsel vm0, $0x4B001007, v2;
	v3 =	vsel vm0, $0x383, v3;
	v5 =	vsel vm0, $0x4B001017, v5  }
0x19: {  	v6 =	vsel vm0, $0x4B001027, v6;
	v7 =	vsel vm0, $0x4B001037, v7;
	v1 =	vsel vm4, $0x4000, v1  }
0x1a: {  	v2 =	vsel vm4, $0x4B001008, v2;
	v3 =	vsel vm4, $0x4003, v3;
	v5 =	vsel vm4, $0x4B001018, v5  }
0x1b: {  	v6 =	vsel vm4, $0x4B001028, v6;
	v7 =	vsel vm4, $0x4B001038, v7;
	v1 =	vsel vm7, $0x4080, v1  }
0x1c: {  	s9 =	simm.s32 $0xA080;
	v2 =	vsel vm7, $0x4B001009, v2;
	v3 =	vsel vm7, $0x4083, v3;
	v5 =	vsel vm7, $0x4B001019, v5  }
0x1d: {  	s1 =	simm.s32 $0x0;
	v6 =	vsel vm7, $0x4B001029, v6;
	v7 =	vsel vm7, $0x4B001039, v7;
	v1 =	vsel vm10, $0x4100, v1  }
0x1e: {  	[smem:$0x7FF] =	sst s1;
	v2 =	vsel vm10, $0x4B00100A, v2;
	v3 =	vsel vm10, $0x4103, v3;
	v5 =	vsel vm10, $0x4B00101A, v5  }
0x1f: {  	v6 =	vsel vm10, $0x4B00102A, v6;
	v7 =	vsel vm10, $0x4B00103A, v7;
	v1 =	vsel vm11, $0x4180, v1  }
0x20: {  	s3 =	sadd.s32 $0xC2E00, s3;
	v2 =	vsel vm11, $0x4B00100B, v2;
	v3 =	vsel vm11, $0x4183, v3;
	v5 =	vsel vm11, $0x4B00101B, v5  }
0x21: {  	v6 =	vsel vm11, $0x4B00102B, v6;
	v7 =	vsel vm11, $0x4B00103B, v7;
	v1 =	vsel vm12, $0x4200, v1  }
0x22: {  	s0 =	rddreg [dreg:$0x1];
	s4 =	srdreg.scid;
	v2 =	vsel vm12, $0x4B00100C, v2;
	v5 =	vsel vm12, $0x4B00101C, v5;
	v6 =	vsel vm12, $0x4B00102C, v6  }
.Ltmp0:
0x23: {  	s5 =	sand.u32 $0x1, s4;
	s4 =	stileid.u32;
	v3 =	vsel vm12, $0x4203, v3;
	v7 =	vsel vm12, $0x4B00103C, v7;
	v1 =	vsel vm13, $0x4280, v1;
	(pc) =	sbr.rel .LBB2_1-.Ltmp0, $4  }
0x24: {  	_ =	strace $0x8000004A;
	s6 =	ssub.s32 $0x2, s5;
	s8 =	sshll.u32 s4, $0x1;
	v2 =	vsel vm13, $0x4B00100D, v2;
	v4 =	vsel vm13, $0x4283, v3;
	v3 =	vimm.f32 $1.000000000e+00  }
0x25: {  	s7 =	sshrl.u32 s6, $0x1;
	s5 =	sor.u32 s5, s8;
	v5 =	vsel vm13, $0x4B00101D, v5;
	v6 =	vsel vm13, $0x4B00102D, v6;
	v7 =	vsel vm13, $0x4B00103D, v7  }
0x26: {  	s8 =	simm.s32 $0x8000;
	s6 =	ssub.s32 s6, s7;
	s5 =	smul.u32 $0x180, s5;
	v1 =	vsel vm14, $0x4300, v1;
	v2 =	vsel vm14, $0x4B00100E, v2;
	v4 =	vsel vm14, $0x4303, v4  }
0x27: {  	s10 =	simm.s32 $0x0;
	s7 =	simm.s32 $0x1;
	s6 =	smax.u32 s6, $0x1;
	v5 =	vsel vm14, $0x4B00101E, v5;
	v6 =	vsel vm14, $0x4B00102E, v6;
	v7 =	vsel vm14, $0x4B00103E, v7  }
.LBB2_25:
0x28: {  	s10 =	sadd.s32 $0x1, s10  }
0x29: {  	p0 =	sne.s32 s10, s6  }
.Ltmp1:
0x2a: {  	_ = 	snop;
	(pc) =	sbr.rel @!p0 .LBB2_26-.Ltmp1, $1  }
0x2b: {  	_ =	sdelay $0x3  }
.LBB2_1:
0x2c: {  	s11 =	simm.s32 $0x0  }
.LBB2_2:
0x2d: {  	s12 =	sshll.u32 s11, $0x4  }
0x2e: {  	s12 =	sadd.s32 s5, s12  }
0x2f: {  	s13 =	sshll.u32 s12, $0x8  }
0x30: {  	s13 =	sadd.s32 s2, s13  }
0x31: {  	[tilespmem:s1], [sflag:$0x1] =	stream.linear.gather [hbm4b:s13+s1], $0x8000, $0x38;
	[tilespmem:$0xA100] =	vst v63  }
0x32: {  	_ =	swait.ge [sflag:s7], $0x8000  }
0x33: {  	[sflag:s7] =	ssyncset.done $0x0  }
0x34: {  	s13 =	simm.s32 $0x8040;
	[sflag:s7] =	ssyncadd.s32 $0xFFFF8000  }
0x35: {  	[tilespmem:s13+$0xFFFFFFC0] =	vst v0  }
0x36: {  	[tilespmem:s13+$0x30] =	vst v0  }
0x37: {  	[tilespmem:s13+$0x20] =	vst v0  }
0x38: {  	[tilespmem:s13+$0x10] =	vst v0  }
0x39: {  	[tilespmem:s13+$0x0] =	vst v0  }
0x3a: {  	[tilespmem:s13+$0xFFFFFFF0] =	vst v0  }
0x3b: {  	s14 =	simm.s32 $0x0;
	[tilespmem:s13+$0xFFFFFFE0] =	vst v0  }
.LBB2_3:
0x3c: {  	s14 =	sadd.s32 $0x8, s14;
	[tilespmem:s13+$0xFFFFFFD0] =	vst v0;
	s13 =	sadd.s32 $0x80, s13  }
0x3d: {  	[tilespmem:s13+$0xFFFFFFC0] =	vst v0;
	p0 =	slt.u32 s14, $0x1F8  }
0x3e: {  	[tilespmem:s13+$0x30] =	vst v0  }
.Ltmp2:
0x3f: {  	[tilespmem:s13+$0x20] =	vst v0;
	(pc) =	sbr.rel @p0 .LBB2_3-.Ltmp2, $4  }
0x40: {  	[tilespmem:s13+$0x10] =	vst v0  }
0x41: {  	[tilespmem:s13+$0x0] =	vst v0  }
0x42: {  	[tilespmem:s13+$0xFFFFFFF0] =	vst v0  }
0x43: {  	[tilespmem:s13+$0xFFFFFFE0] =	vst v0  }
0x44: {  	[tilespmem:s13+$0xFFFFFFD0] =	vst v0;
	s13 =	simm.s32 $0x0  }
.LBB2_5:
0x45: {  	p0 =	sne.s32 s13, $0xC0  }
.Ltmp3:
0x46: {  	_ = 	snop;
	(pc) =	sbr.rel @p0 .LBB2_5-.Ltmp3, $3  }
0x47: {  	_ =	sdelay $0x1  }
0x48: {  	s14 =	sshra.s32 s13, $0x2  }
0x49: {  	s13 =	sadd.s32 $0x40, s13;
	[tilespmem:s14+$0xA000] =	vst v0  }
0x4a: {  	v12 =	vimm.s32 $0x0  }
0x4b: {  	v13 =	vshll.u32 v12, $0x3  }
0x4c: {  	v14 =	vand.u32 $0x78, v12;
	v13 =	vand.u32 $0xFFFFFC00, v13  }
0x4d: {  	v13 =	vor.u32 v14, v13  }
0x4e: {  	v14 =	vadd.s32 v1, v13  }
0x4f: {  	v15 =	vor.u32 $0x7, v14;
	_ =	sdelay $0x2  }
0x50: {  	v16 =	vor.u32 $0x1, v14;
	_ =	sdelay $0x1  }
0x51: {  	v17 =	vor.u32 $0x2, v14;
	v15 =	vld.idx.msk [tilespmem:v15+s1+$0x0], $0xffff  }
0x52: {  	v18 =	vor.u32 $0x4, v14  }
0x53: {  	v28 =	vadd.s32 $0x8, v12;
	v19 =	vor.u32 $0x5, v14  }
0x54: {  	v12 =	vadd.s32 v4, v13;
	v20 =	vor.u32 $0x6, v14;
	v13 =	vld.idx.msk [tilespmem:v16+s1+$0x0], $0xffff;
	v16 =	vshll.u32 v28, $0x3  }
0x55: {  	v21 =	vand.u32 $0x78, v28;
	v14 =	vld.idx.msk [tilespmem:v14+s1+$0x0], $0xffff;
	v16 =	vand.u32 $0xFFFFFC00, v16  }
0x56: {  	v17 =	vld.idx.msk [tilespmem:v17+s1+$0x0], $0xffff;
	v16 =	vor.u32 v21, v16;
	v15 =	vmul.f32 $6.400000000e+01, v15  }
0x57: {  	v18 =	vld.idx.msk [tilespmem:v18+s1+$0x0], $0xffff;
	v21 =	vadd.s32 v1, v16  }
0x58: {  	v19 =	vld.idx.msk [tilespmem:v19+s1+$0x0], $0xffff;
	v22 =	vor.u32 $0x7, v21;
	v15 =	vadd.f32 v2, v15  }
0x59: {  	v20 =	vld.idx.msk [tilespmem:v20+s1+$0x0], $0xffff;
	v23 =	vor.u32 $0x1, v21  }
0x5a: {  	v15 =	vand.u32 $0x7FFFFF, v15  }
0x5b: {  	v24 =	vld.idx.msk [tilespmem:v12+s1+$0x0], $0xffff;
	v12 =	vadd.s32 v4, v16;
	v26 =	vor.u32 $0x2, v21  }
0x5c: {  	v27 =	vor.u32 $0x4, v21;
	v14 =	vmul.f32 $6.400000000e+01, v14;
	v13 =	vmul.f32 $6.400000000e+01, v13  }
0x5d: {  	v16 =	vor.u32 $0x5, v21;
	v17 =	vmul.f32 $6.400000000e+01, v17;
	v18 =	vmul.f32 $6.400000000e+01, v18;
	v29 =	vld.idx.msk [tilespmem:v22+s1+$0x0], $0xffff  }
0x5e: {  	v19 =	vmul.f32 $6.400000000e+01, v19;
	v20 =	vmul.f32 $6.400000000e+01, v20;
	v25 =	vld.idx.msk [tilespmem:v23+s1+$0x0], $0xffff  }
0x5f: {  	v13 =	vadd.f32 v2, v13;
	v17 =	vadd.f32 v2, v17;
	[tilespmem:v15+s8+$0x0] =	vst.idx.add.f32.msk $0xffff, v3;
	v15 =	vor.u32 $0x6, v21  }
0x60: {  	v18 =	vadd.f32 v2, v18;
	v30 =	vadd.f32 v2, v19;
	v23 =	vmul.f32 $6.400000000e+01, v24;
	v24 =	vld.idx.msk [tilespmem:v26+s1+$0x0], $0xffff  }
0x61: {  	v31 =	vadd.f32 v2, v20;
	v19 =	vand.u32 $0x7FFFFF, v13;
	v13 =	vadd.f32 v2, v14;
	v26 =	vld.idx.msk [tilespmem:v27+s1+$0x0], $0xffff  }
0x62: {  	v22 =	vand.u32 $0x7FFFFF, v17;
	v20 =	vand.u32 $0x7FFFFF, v18;
	v18 =	vld.idx.msk [tilespmem:v16+s1+$0x0], $0xffff;
	v27 =	vadd.f32 v2, v23  }
0x63: {  	v17 =	vand.u32 $0x7FFFFF, v30;
	v16 =	vand.u32 $0x7FFFFF, v31;
	v14 =	vand.u32 $0x7FFFFF, v13;
	v21 =	vld.idx.msk [tilespmem:v21+s1+$0x0], $0xffff  }
0x64: {  	s13 =	simm.s32 $0x8;
	v13 =	vand.u32 $0x7FFFFF, v27;
	v27 =	vmul.f32 $6.400000000e+01, v29;
	v23 =	vld.idx.msk [tilespmem:v15+s1+$0x0], $0xffff;
	v15 =	vadd.s32 $0x8, v28  }
.LBB2_7:
0x65: {  	v28 =	vshll.u32 v15, $0x3;
	s13 =	sadd.s32 $0x8, s13;
	v25 =	vmul.f32 $6.400000000e+01, v25;
	v29 =	vld.idx.msk [tilespmem:v12+s1+$0x0], $0xffff  }
0x66: {  	v12 =	vand.u32 $0x78, v15;
	v28 =	vand.u32 $0xFFFFFC00, v28;
	p0 =	slt.u32 s13, $0x1F8;
	v27 =	vadd.f32 v2, v27;
	[tilespmem:v19+s8+$0x0] =	vst.idx.add.f32.msk $0xffff, v3  }
0x67: {  	v19 =	vmul.f32 $6.400000000e+01, v24;
	v24 =	vmul.f32 $6.400000000e+01, v26;
	v12 =	vor.u32 v12, v28;
	[tilespmem:v22+s8+$0x0] =	vst.idx.add.f32.msk $0xffff, v3  }
0x68: {  	v28 =	vadd.s32 v1, v12;
	v12 =	vadd.s32 v4, v12;
	v22 =	vand.u32 $0x7FFFFF, v27;
	[tilespmem:v20+s8+$0x0] =	vst.idx.add.f32.msk $0xffff, v3  }
0x69: {  	v20 =	vor.u32 $0x1, v28;
	v26 =	vor.u32 $0x2, v28;
	v27 =	vor.u32 $0x7, v28;
	[tilespmem:v17+s8+$0x0] =	vst.idx.add.f32.msk $0xffff, v3  }
0x6a: {  	v30 =	vor.u32 $0x4, v28;
	v31 =	vor.u32 $0x5, v28;
	v32 =	vor.u32 $0x6, v28;
	[tilespmem:v16+s8+$0x0] =	vst.idx.add.f32.msk $0xffff, v3  }
0x6b: {  	v17 =	vmul.f32 $6.400000000e+01, v18;
	v18 =	vmul.f32 $6.400000000e+01, v23;
	v16 =	vadd.f32 v2, v25;
	[tilespmem:v14+s8+$0x0] =	vst.idx.add.f32.msk $0xffff, v3  }
0x6c: {  	v23 =	vmul.f32 $6.400000000e+01, v29;
	v14 =	vmul.f32 $6.400000000e+01, v21;
	v21 =	vadd.f32 v2, v19;
	[tilespmem:v13+s8+$0x0] =	vst.idx.add.f32.msk $0xffff, v3  }
0x6d: {  	v19 =	vand.u32 $0x7FFFFF, v16;
	v13 =	vadd.f32 v2, v24;
	v16 =	vadd.f32 v2, v17;
	[tilespmem:v22+s8+$0x0] =	vst.idx.add.f32.msk $0xffff, v3  }
0x6e: {  	v18 =	vadd.f32 v2, v18;
	v14 =	vadd.f32 v2, v14;
	v22 =	vand.u32 $0x7FFFFF, v21;
	v27 =	vld.idx.msk [tilespmem:v27+s1+$0x0], $0xffff  }
0x6f: {  	v21 =	vadd.f32 v2, v23;
	v17 =	vand.u32 $0x7FFFFF, v16;
	v25 =	vld.idx.msk [tilespmem:v20+s1+$0x0], $0xffff;
	v20 =	vand.u32 $0x7FFFFF, v13  }
.Ltmp4:
0x70: {  	v16 =	vand.u32 $0x7FFFFF, v18;
	v14 =	vand.u32 $0x7FFFFF, v14;
	v24 =	vld.idx.msk [tilespmem:v26+s1+$0x0], $0xffff;
	(pc) =	sbr.rel @p0 .LBB2_7-.Ltmp4, $4  }
0x71: {  	v13 =	vand.u32 $0x7FFFFF, v21;
	v26 =	vld.idx.msk [tilespmem:v30+s1+$0x0], $0xffff  }
0x72: {  	v18 =	vld.idx.msk [tilespmem:v31+s1+$0x0], $0xffff  }
0x73: {  	v23 =	vld.idx.msk [tilespmem:v32+s1+$0x0], $0xffff  }
0x74: {  	v15 =	vadd.s32 $0x8, v15;
	v27 =	vmul.f32 $6.400000000e+01, v27;
	v21 =	vld.idx.msk [tilespmem:v28+s1+$0x0], $0xffff  }
0x75: {  	_ =	sdelay $0x3  }
0x76: {  	v15 =	vmul.f32 $6.400000000e+01, v25;
	v12 =	vld.idx.msk [tilespmem:v12+s1+$0x0], $0xffff  }
0x77: {  	[tilespmem:v19+s8+$0x0] =	vst.idx.add.f32.msk $0xffff, v3;
	v19 =	vmul.f32 $6.400000000e+01, v24;
	v25 =	vadd.f32 v2, v27  }
0x78: {  	[tilespmem:v22+s8+$0x0] =	vst.idx.add.f32.msk $0xffff, v3;
	v24 =	vmul.f32 $6.400000000e+01, v26;
	v15 =	vadd.f32 v2, v15;
	v18 =	vmul.f32 $6.400000000e+01, v18  }
0x79: {  	[tilespmem:v20+s8+$0x0] =	vst.idx.add.f32.msk $0xffff, v3;
	v19 =	vadd.f32 v2, v19;
	v22 =	vand.u32 $0x7FFFFF, v25;
	v20 =	vmul.f32 $6.400000000e+01, v23  }
0x7a: {  	[tilespmem:v17+s8+$0x0] =	vst.idx.add.f32.msk $0xffff, v3;
	v17 =	vmul.f32 $6.400000000e+01, v21;
	v15 =	vand.u32 $0x7FFFFF, v15;
	v21 =	vadd.f32 v2, v24  }
0x7b: {  	[tilespmem:v16+s8+$0x0] =	vst.idx.add.f32.msk $0xffff, v3;
	v16 =	vadd.f32 v2, v18;
	v18 =	vand.u32 $0x7FFFFF, v19;
	v12 =	vmul.f32 $6.400000000e+01, v12  }
0x7c: {  	[tilespmem:v14+s8+$0x0] =	vst.idx.add.f32.msk $0xffff, v3;
	v14 =	vadd.f32 v2, v17;
	v17 =	vadd.f32 v2, v20;
	v19 =	vand.u32 $0x7FFFFF, v21  }
0x7d: {  	[tilespmem:v13+s8+$0x0] =	vst.idx.add.f32.msk $0xffff, v3;
	v27 =	vimm.s32 $0x200;
	v13 =	vand.u32 $0x7FFFFF, v16  }
0x7e: {  	v16 =	vshll.u32 v27, $0x3;
	v12 =	vadd.f32 v2, v12;
	[tilespmem:v22+s8+$0x0] =	vst.idx.add.f32.msk $0xffff, v3;
	v17 =	vand.u32 $0x7FFFFF, v17  }
0x7f: {  	v20 =	vand.u32 $0x78, v27;
	v16 =	vand.u32 $0xFFFFFC00, v16;
	v14 =	vand.u32 $0x7FFFFF, v14;
	[tilespmem:v15+s8+$0x0] =	vst.idx.add.f32.msk $0xffff, v3  }
0x80: {  	v15 =	vor.u32 v20, v16;
	v12 =	vand.u32 $0x7FFFFF, v12;
	[tilespmem:v18+s8+$0x0] =	vst.idx.add.f32.msk $0xffff, v3  }
0x81: {  	v16 =	vadd.s32 v1, v15;
	v15 =	vadd.s32 v4, v15;
	[tilespmem:v19+s8+$0x0] =	vst.idx.add.f32.msk $0xffff, v3  }
0x82: {  	v18 =	vor.u32 $0x7, v16;
	[tilespmem:v13+s8+$0x0] =	vst.idx.add.f32.msk $0xffff, v3  }
0x83: {  	v13 =	vor.u32 $0x1, v16;
	[tilespmem:v17+s8+$0x0] =	vst.idx.add.f32.msk $0xffff, v3  }
0x84: {  	v19 =	vor.u32 $0x6, v16;
	[tilespmem:v14+s8+$0x0] =	vst.idx.add.f32.msk $0xffff, v3  }
0x85: {  	[tilespmem:v12+s8+$0x0] =	vst.idx.add.f32.msk $0xffff, v3  }
0x86: {  	v28 =	vadd.s32 $0x8, v27;
	v14 =	vor.u32 $0x2, v16;
	v15 =	vld.idx.msk [tilespmem:v15+s1+$0x0], $0xffff  }
0x87: {  	v20 =	vshll.u32 v28, $0x3;
	v17 =	vor.u32 $0x4, v16;
	v12 =	vld.idx.msk [tilespmem:v18+s1+$0x0], $0xffff  }
0x88: {  	v21 =	vand.u32 $0x78, v28;
	v20 =	vand.u32 $0xFFFFFC00, v20;
	v18 =	vor.u32 $0x5, v16;
	v13 =	vld.idx.msk [tilespmem:v13+s1+$0x0], $0xffff  }
0x89: {  	v20 =	vor.u32 v21, v20;
	v19 =	vld.idx.msk [tilespmem:v19+s1+$0x0], $0xffff  }
0x8a: {  	v21 =	vadd.s32 v1, v20;
	v16 =	vld.idx.msk [tilespmem:v16+s1+$0x0], $0xffff  }
0x8b: {  	v23 =	vor.u32 $0x7, v21;
	v14 =	vld.idx.msk [tilespmem:v14+s1+$0x0], $0xffff  }
0x8c: {  	v17 =	vld.idx.msk [tilespmem:v17+s1+$0x0], $0xffff;
	v12 =	vmul.f32 $6.400000000e+01, v12  }
0x8d: {  	v24 =	vor.u32 $0x1, v21;
	v26 =	vor.u32 $0x2, v21;
	v18 =	vld.idx.msk [tilespmem:v18+s1+$0x0], $0xffff  }
0x8e: {  	v27 =	vor.u32 $0x4, v21;
	v29 =	vor.u32 $0x5, v21;
	v12 =	vadd.f32 v5, v12  }
0x8f: {  	v30 =	vor.u32 $0x6, v21;
	v15 =	vmul.f32 $6.400000000e+01, v15;
	v13 =	vmul.f32 $6.400000000e+01, v13  }
0x90: {  	v31 =	vld.idx.msk [tilespmem:v23+s1+$0x0], $0xffff;
	v16 =	vmul.f32 $6.400000000e+01, v16;
	v14 =	vmul.f32 $6.400000000e+01, v14;
	v22 =	vand.u32 $0x7FFFFF, v12  }
0x91: {  	v21 =	vld.idx.msk [tilespmem:v21+s1+$0x0], $0xffff;
	v17 =	vmul.f32 $6.400000000e+01, v17;
	v13 =	vadd.f32 v5, v13;
	v12 =	vadd.s32 v4, v20  }
0x92: {  	v25 =	vld.idx.msk [tilespmem:v24+s1+$0x0], $0xffff;
	v20 =	vmul.f32 $6.400000000e+01, v19;
	v14 =	vadd.f32 v5, v14;
	v18 =	vmul.f32 $6.400000000e+01, v18  }
0x93: {  	v24 =	vld.idx.msk [tilespmem:v26+s1+$0x0], $0xffff;
	v17 =	vadd.f32 v5, v17;
	v19 =	vand.u32 $0x7FFFFF, v13;
	v13 =	vadd.f32 v5, v16  }
0x94: {  	v26 =	vld.idx.msk [tilespmem:v27+s1+$0x0], $0xffff;
	v16 =	vadd.f32 v5, v20;
	v23 =	vadd.f32 v5, v18  }
0x95: {  	v15 =	vadd.f32 v5, v15;
	v27 =	vmul.f32 $6.400000000e+01, v31;
	[tilespmem:v22+s8+$0x0] =	vst.idx.add.f32.msk $0xffff, v3;
	v22 =	vand.u32 $0x7FFFFF, v14  }
0x96: {  	v20 =	vand.u32 $0x7FFFFF, v17;
	v18 =	vld.idx.msk [tilespmem:v29+s1+$0x0], $0xffff;
	v16 =	vand.u32 $0x7FFFFF, v16;
	v17 =	vand.u32 $0x7FFFFF, v23  }
0x97: {  	s13 =	simm.s32 $0x8;
	v14 =	vand.u32 $0x7FFFFF, v13;
	v23 =	vld.idx.msk [tilespmem:v30+s1+$0x0], $0xffff;
	v13 =	vand.u32 $0x7FFFFF, v15;
	v15 =	vadd.s32 $0x8, v28  }
.LBB2_9:
0x98: {  	v28 =	vshll.u32 v15, $0x3;
	s13 =	sadd.s32 $0x8, s13;
	v25 =	vmul.f32 $6.400000000e+01, v25;
	v29 =	vld.idx.msk [tilespmem:v12+s1+$0x0], $0xffff  }
0x99: {  	v12 =	vand.u32 $0x78, v15;
	v28 =	vand.u32 $0xFFFFFC00, v28;
	p0 =	slt.u32 s13, $0x1F8;
	v27 =	vadd.f32 v5, v27;
	[tilespmem:v19+s8+$0x0] =	vst.idx.add.f32.msk $0xffff, v3  }
0x9a: {  	v19 =	vmul.f32 $6.400000000e+01, v24;
	v24 =	vmul.f32 $6.400000000e+01, v26;
	v12 =	vor.u32 v12, v28;
	[tilespmem:v22+s8+$0x0] =	vst.idx.add.f32.msk $0xffff, v3  }
0x9b: {  	v28 =	vadd.s32 v1, v12;
	v12 =	vadd.s32 v4, v12;
	v22 =	vand.u32 $0x7FFFFF, v27;
	[tilespmem:v20+s8+$0x0] =	vst.idx.add.f32.msk $0xffff, v3  }
0x9c: {  	v20 =	vor.u32 $0x1, v28;
	v26 =	vor.u32 $0x2, v28;
	v27 =	vor.u32 $0x7, v28;
	[tilespmem:v17+s8+$0x0] =	vst.idx.add.f32.msk $0xffff, v3  }
0x9d: {  	v30 =	vor.u32 $0x4, v28;
	v31 =	vor.u32 $0x5, v28;
	v32 =	vor.u32 $0x6, v28;
	[tilespmem:v16+s8+$0x0] =	vst.idx.add.f32.msk $0xffff, v3  }
0x9e: {  	v17 =	vmul.f32 $6.400000000e+01, v18;
	v18 =	vmul.f32 $6.400000000e+01, v23;
	v16 =	vadd.f32 v5, v25;
	[tilespmem:v14+s8+$0x0] =	vst.idx.add.f32.msk $0xffff, v3  }
0x9f: {  	v23 =	vmul.f32 $6.400000000e+01, v29;
	v14 =	vmul.f32 $6.400000000e+01, v21;
	v21 =	vadd.f32 v5, v19;
	[tilespmem:v13+s8+$0x0] =	vst.idx.add.f32.msk $0xffff, v3  }
0xa0: {  	v19 =	vand.u32 $0x7FFFFF, v16;
	v13 =	vadd.f32 v5, v24;
	v16 =	vadd.f32 v5, v17;
	[tilespmem:v22+s8+$0x0] =	vst.idx.add.f32.msk $0xffff, v3  }
0xa1: {  	v18 =	vadd.f32 v5, v18;
	v14 =	vadd.f32 v5, v14;
	v22 =	vand.u32 $0x7FFFFF, v21;
	v27 =	vld.idx.msk [tilespmem:v27+s1+$0x0], $0xffff  }
0xa2: {  	v21 =	vadd.f32 v5, v23;
	v17 =	vand.u32 $0x7FFFFF, v16;
	v25 =	vld.idx.msk [tilespmem:v20+s1+$0x0], $0xffff;
	v20 =	vand.u32 $0x7FFFFF, v13  }
.Ltmp5:
0xa3: {  	v16 =	vand.u32 $0x7FFFFF, v18;
	v14 =	vand.u32 $0x7FFFFF, v14;
	v24 =	vld.idx.msk [tilespmem:v26+s1+$0x0], $0xffff;
	(pc) =	sbr.rel @p0 .LBB2_9-.Ltmp5, $4  }
0xa4: {  	v13 =	vand.u32 $0x7FFFFF, v21;
	v26 =	vld.idx.msk [tilespmem:v30+s1+$0x0], $0xffff  }
0xa5: {  	v18 =	vld.idx.msk [tilespmem:v31+s1+$0x0], $0xffff  }
0xa6: {  	v23 =	vld.idx.msk [tilespmem:v32+s1+$0x0], $0xffff  }
0xa7: {  	v15 =	vadd.s32 $0x8, v15;
	v27 =	vmul.f32 $6.400000000e+01, v27;
	v21 =	vld.idx.msk [tilespmem:v28+s1+$0x0], $0xffff  }
0xa8: {  	_ =	sdelay $0x3  }
0xa9: {  	v15 =	vmul.f32 $6.400000000e+01, v25;
	v12 =	vld.idx.msk [tilespmem:v12+s1+$0x0], $0xffff  }
0xaa: {  	v28 =	vimm.s32 $0x400;
	[tilespmem:v19+s8+$0x0] =	vst.idx.add.f32.msk $0xffff, v3;
	v19 =	vmul.f32 $6.400000000e+01, v24;
	v25 =	vadd.f32 v5, v27  }
0xab: {  	[tilespmem:v22+s8+$0x0] =	vst.idx.add.f32.msk $0xffff, v3;
	v24 =	vmul.f32 $6.400000000e+01, v26;
	v15 =	vadd.f32 v5, v15;
	v18 =	vmul.f32 $6.400000000e+01, v18  }
0xac: {  	[tilespmem:v20+s8+$0x0] =	vst.idx.add.f32.msk $0xffff, v3;
	v19 =	vadd.f32 v5, v19;
	v22 =	vand.u32 $0x7FFFFF, v25;
	v20 =	vmul.f32 $6.400000000e+01, v23  }
0xad: {  	[tilespmem:v17+s8+$0x0] =	vst.idx.add.f32.msk $0xffff, v3;
	v17 =	vmul.f32 $6.400000000e+01, v21;
	v15 =	vand.u32 $0x7FFFFF, v15;
	v21 =	vadd.f32 v5, v24  }
0xae: {  	[tilespmem:v16+s8+$0x0] =	vst.idx.add.f32.msk $0xffff, v3;
	v16 =	vadd.f32 v5, v18;
	v18 =	vand.u32 $0x7FFFFF, v19;
	v12 =	vmul.f32 $6.400000000e+01, v12  }
0xaf: {  	[tilespmem:v14+s8+$0x0] =	vst.idx.add.f32.msk $0xffff, v3;
	v14 =	vadd.f32 v5, v17;
	v17 =	vadd.f32 v5, v20;
	v19 =	vand.u32 $0x7FFFFF, v21  }
0xb0: {  	[tilespmem:v13+s8+$0x0] =	vst.idx.add.f32.msk $0xffff, v3;
	v13 =	vand.u32 $0x7FFFFF, v16;
	v16 =	vshll.u32 v28, $0x3;
	v20 =	vand.u32 $0x78, v28  }
0xb1: {  	v12 =	vadd.f32 v5, v12;
	v16 =	vand.u32 $0xFFFFFC00, v16;
	[tilespmem:v22+s8+$0x0] =	vst.idx.add.f32.msk $0xffff, v3;
	v17 =	vand.u32 $0x7FFFFF, v17  }
0xb2: {  	v14 =	vand.u32 $0x7FFFFF, v14;
	[tilespmem:v15+s8+$0x0] =	vst.idx.add.f32.msk $0xffff, v3;
	v15 =	vor.u32 v20, v16  }
0xb3: {  	v12 =	vand.u32 $0x7FFFFF, v12;
	[tilespmem:v18+s8+$0x0] =	vst.idx.add.f32.msk $0xffff, v3;
	v18 =	vadd.s32 v1, v15  }
0xb4: {  	[tilespmem:v19+s8+$0x0] =	vst.idx.add.f32.msk $0xffff, v3;
	v16 =	vor.u32 $0x7, v18  }
0xb5: {  	[tilespmem:v13+s8+$0x0] =	vst.idx.add.f32.msk $0xffff, v3;
	v13 =	vor.u32 $0x1, v18  }
0xb6: {  	[tilespmem:v17+s8+$0x0] =	vst.idx.add.f32.msk $0xffff, v3;
	v17 =	vor.u32 $0x2, v18  }
0xb7: {  	[tilespmem:v14+s8+$0x0] =	vst.idx.add.f32.msk $0xffff, v3;
	v14 =	vor.u32 $0x4, v18  }
0xb8: {  	v21 =	vor.u32 $0x6, v18;
	[tilespmem:v12+s8+$0x0] =	vst.idx.add.f32.msk $0xffff, v3  }
0xb9: {  	v12 =	vor.u32 $0x5, v18;
	v22 =	vld.idx.msk [tilespmem:v16+s1+$0x0], $0xffff  }
0xba: {  	p1 =	por $0x1, $0x1;
	v20 =	vld.idx.msk [tilespmem:v13+s1+$0x0], $0xffff  }
.Ltmp6:
0xbb: {  	v16 =	vld.idx.msk [tilespmem:v17+s1+$0x0], $0xffff;
	(pc) =	sbr.rel @!p1 .LBB2_11-.Ltmp6, $4  }
0xbc: {  	v19 =	vld.idx.msk [tilespmem:v14+s1+$0x0], $0xffff  }
0xbd: {  	v14 =	vld.idx.msk [tilespmem:v21+s1+$0x0], $0xffff  }
0xbe: {  	v13 =	vld.idx.msk [tilespmem:v12+s1+$0x0], $0xffff  }
0xbf: {  	p0 =	por $0x0, $0x0;
	v24 =	vadd.s32 $0x8, v28;
	v12 =	vadd.s32 v4, v15;
	v15 =	vld.idx.msk [tilespmem:v18+s1+$0x0], $0xffff;
	v27 =	vmul.f32 $6.400000000e+01, v22  }
0xc0: {  	v17 =	vshll.u32 v24, $0x3  }
0xc1: {  	v18 =	vand.u32 $0x78, v24;
	v17 =	vand.u32 $0xFFFFFC00, v17;
	v21 =	vadd.f32 v6, v27  }
0xc2: {  	v17 =	vor.u32 v18, v17  }
0xc3: {  	v27 =	vadd.s32 v1, v17;
	v18 =	vand.u32 $0x7FFFFF, v21  }
0xc4: {  	v21 =	vor.u32 $0x7, v27  }
0xc5: {  	v22 =	vor.u32 $0x1, v27  }
0xc6: {  	v23 =	vld.idx.msk [tilespmem:v12+s1+$0x0], $0xffff;
	v25 =	vor.u32 $0x2, v27  }
0xc7: {  	v20 =	vmul.f32 $6.400000000e+01, v20;
	v16 =	vmul.f32 $6.400000000e+01, v16;
	v26 =	vor.u32 $0x4, v27  }
0xc8: {  	v24 =	vadd.s32 $0x8, v24;
	v12 =	vadd.s32 v4, v17;
	v17 =	vor.u32 $0x5, v27;
	[tilespmem:v18+s8+$0x0] =	vst.idx.add.f32.msk $0xffff, v3  }
0xc9: {  	v19 =	vmul.f32 $6.400000000e+01, v19;
	v28 =	vadd.f32 v6, v20;
	v14 =	vmul.f32 $6.400000000e+01, v14;
	v29 =	vld.idx.msk [tilespmem:v21+s1+$0x0], $0xffff  }
0xca: {  	p3 =	por $0x1, $0x1;
	v13 =	vmul.f32 $6.400000000e+01, v13;
	v15 =	vmul.f32 $6.400000000e+01, v15;
	v18 =	vor.u32 $0x6, v27;
	v20 =	vld.idx.msk [tilespmem:v22+s1+$0x0], $0xffff  }
.Ltmp7:
0xcb: {  	v30 =	vadd.f32 v6, v19;
	v23 =	vmul.f32 $6.400000000e+01, v23;
	v21 =	vadd.f32 v6, v16;
	v16 =	vld.idx.msk [tilespmem:v25+s1+$0x0], $0xffff;
	(pc) =	sbr.rel @!p3 .LBB2_14-.Ltmp7, $4  }
0xcc: {  	v31 =	vadd.f32 v6, v13;
	v15 =	vadd.f32 v6, v15;
	v22 =	vand.u32 $0x7FFFFF, v28;
	v19 =	vld.idx.msk [tilespmem:v26+s1+$0x0], $0xffff  }
0xcd: {  	v14 =	vadd.f32 v6, v14;
	v28 =	vadd.f32 v6, v23;
	v13 =	vld.idx.msk [tilespmem:v17+s1+$0x0], $0xffff;
	v25 =	vand.u32 $0x7FFFFF, v21  }
0xce: {  	v26 =	vand.u32 $0x7FFFFF, v30;
	v23 =	vand.u32 $0x7FFFFF, v31;
	v17 =	vand.u32 $0x7FFFFF, v15;
	v15 =	vld.idx.msk [tilespmem:v27+s1+$0x0], $0xffff  }
0xcf: {  	s13 =	simm.s32 $0x8;
	p2 =	por $0x1, $0x1;
	v21 =	vand.u32 $0x7FFFFF, v14;
	v14 =	vld.idx.msk [tilespmem:v18+s1+$0x0], $0xffff;
	v18 =	vand.u32 $0x7FFFFF, v28;
	v27 =	vmul.f32 $6.400000000e+01, v29  }
.LBB2_13:
0xd0: {  	v28 =	vshll.u32 v24, $0x3;
	s13 =	sadd.s32 $0x8, s13;
	v20 =	vmul.f32 $6.400000000e+01, v20;
	v29 =	vld.idx.msk [tilespmem:v12+s1+$0x0], $0xffff  }
0xd1: {  	v12 =	vand.u32 $0x78, v24;
	v28 =	vand.u32 $0xFFFFFC00, v28;
	p3 =	slt.u32 s13, $0x1F8;
	v27 =	vadd.f32 v6, v27;
	[tilespmem:v22+s8+$0x0] =	vst.idx.add.f32.msk $0xffff, v3  }
0xd2: {  	v16 =	vmul.f32 $6.400000000e+01, v16;
	v19 =	vmul.f32 $6.400000000e+01, v19;
	v12 =	vor.u32 v12, v28;
	[tilespmem:v25+s8+$0x0] =	vst.idx.add.f32.msk $0xffff, v3  }
0xd3: {  	v28 =	vadd.s32 v1, v12;
	v12 =	vadd.s32 v4, v12;
	v25 =	vand.u32 $0x7FFFFF, v27;
	[tilespmem:v26+s8+$0x0] =	vst.idx.add.f32.msk $0xffff, v3  }
0xd4: {  	v26 =	vor.u32 $0x1, v28;
	v27 =	vor.u32 $0x2, v28;
	v30 =	vor.u32 $0x7, v28;
	[tilespmem:v23+s8+$0x0] =	vst.idx.add.f32.msk $0xffff, v3  }
0xd5: {  	v31 =	vor.u32 $0x4, v28;
	v32 =	vor.u32 $0x5, v28;
	v33 =	vor.u32 $0x6, v28;
	[tilespmem:v21+s8+$0x0] =	vst.idx.add.f32.msk $0xffff, v3  }
0xd6: {  	v20 =	vadd.f32 v6, v20;
	v13 =	vmul.f32 $6.400000000e+01, v13;
	v14 =	vmul.f32 $6.400000000e+01, v14;
	[tilespmem:v17+s8+$0x0] =	vst.idx.add.f32.msk $0xffff, v3  }
0xd7: {  	v16 =	vadd.f32 v6, v16;
	v15 =	vmul.f32 $6.400000000e+01, v15;
	v17 =	vmul.f32 $6.400000000e+01, v29;
	[tilespmem:v18+s8+$0x0] =	vst.idx.add.f32.msk $0xffff, v3  }
0xd8: {  	v22 =	vand.u32 $0x7FFFFF, v20;
	v13 =	vadd.f32 v6, v13;
	v18 =	vadd.f32 v6, v19;
	[tilespmem:v25+s8+$0x0] =	vst.idx.add.f32.msk $0xffff, v3  }
0xd9: {  	v14 =	vadd.f32 v6, v14;
	v15 =	vadd.f32 v6, v15;
	v25 =	vand.u32 $0x7FFFFF, v16;
	v29 =	vld.idx.msk [tilespmem:v30+s1+$0x0], $0xffff  }
0xda: {  	v23 =	vand.u32 $0x7FFFFF, v13;
	v30 =	vadd.f32 v6, v17;
	v20 =	vld.idx.msk [tilespmem:v26+s1+$0x0], $0xffff;
	v26 =	vand.u32 $0x7FFFFF, v18  }
.Ltmp8:
0xdb: {  	v21 =	vand.u32 $0x7FFFFF, v14;
	v17 =	vand.u32 $0x7FFFFF, v15;
	v16 =	vld.idx.msk [tilespmem:v27+s1+$0x0], $0xffff;
	(pc) =	sbr.rel @p3 .LBB2_13-.Ltmp8, $4  }
0xdc: {  	v18 =	vand.u32 $0x7FFFFF, v30;
	v19 =	vld.idx.msk [tilespmem:v31+s1+$0x0], $0xffff  }
0xdd: {  	v13 =	vld.idx.msk [tilespmem:v32+s1+$0x0], $0xffff  }
0xde: {  	v14 =	vld.idx.msk [tilespmem:v33+s1+$0x0], $0xffff  }
0xdf: {  	v24 =	vadd.s32 $0x8, v24;
	v27 =	vmul.f32 $6.400000000e+01, v29;
	v15 =	vld.idx.msk [tilespmem:v28+s1+$0x0], $0xffff  }
.LBB2_14:
0xe0: {  	_ =	sdelay $0x3  }
0xe1: {  	v20 =	vmul.f32 $6.400000000e+01, v20;
	v12 =	vld.idx.msk [tilespmem:v12+s1+$0x0], $0xffff  }
0xe2: {  	[tilespmem:v22+s8+$0x0] =	vst.idx.add.f32.msk @p2 $0xffff, v3;
	v16 =	vmul.f32 $6.400000000e+01, v16;
	v24 =	vadd.f32 v6, v27;
	v27 =	vimm.s32 $0x600  }
0xe3: {  	[tilespmem:v25+s8+$0x0] =	vst.idx.add.f32.msk @p2 $0xffff, v3;
	v19 =	vmul.f32 $6.400000000e+01, v19;
	v20 =	vadd.f32 v6, v20;
	v13 =	vmul.f32 $6.400000000e+01, v13  }
0xe4: {  	[tilespmem:v18+s8+$0x0] =	vst.idx.add.f32.msk @p2 $0xffff, v3;
	v16 =	vadd.f32 v6, v16;
	v18 =	vshll.u32 v27, $0x3;
	v22 =	vand.u32 $0x7FFFFF, v24  }
0xe5: {  	[tilespmem:v26+s8+$0x0] =	vst.idx.add.f32.msk @p2 $0xffff, v3;
	v19 =	vadd.f32 v6, v19;
	v14 =	vmul.f32 $6.400000000e+01, v14;
	v20 =	vand.u32 $0x7FFFFF, v20  }
0xe6: {  	[tilespmem:v23+s8+$0x0] =	vst.idx.add.f32.msk @p2 $0xffff, v3;
	v15 =	vmul.f32 $6.400000000e+01, v15;
	v13 =	vadd.f32 v6, v13;
	v16 =	vand.u32 $0x7FFFFF, v16  }
0xe7: {  	[tilespmem:v17+s8+$0x0] =	vst.idx.add.f32.msk @p2 $0xffff, v3;
	v12 =	vmul.f32 $6.400000000e+01, v12;
	v17 =	vand.u32 $0x7FFFFF, v19;
	v14 =	vadd.f32 v6, v14  }
0xe8: {  	[tilespmem:v21+s8+$0x0] =	vst.idx.add.f32.msk @p2 $0xffff, v3;
	v18 =	vand.u32 $0xFFFFFC00, v18;
	v15 =	vadd.f32 v6, v15;
	v13 =	vand.u32 $0x7FFFFF, v13  }
0xe9: {  	v19 =	vand.u32 $0x78, v27;
	v12 =	vadd.f32 v6, v12;
	[tilespmem:v22+s8+$0x0] =	vst.idx.add.f32.msk $0xffff, v3;
	v14 =	vand.u32 $0x7FFFFF, v14  }
0xea: {  	v18 =	vor.u32 v19, v18;
	v15 =	vand.u32 $0x7FFFFF, v15;
	[tilespmem:v20+s8+$0x0] =	vst.idx.add.f32.msk $0xffff, v3  }
0xeb: {  	v19 =	vadd.s32 v1, v18;
	v12 =	vand.u32 $0x7FFFFF, v12;
	[tilespmem:v16+s8+$0x0] =	vst.idx.add.f32.msk $0xffff, v3  }
0xec: {  	v16 =	vor.u32 $0x7, v19;
	[tilespmem:v17+s8+$0x0] =	vst.idx.add.f32.msk $0xffff, v3  }
0xed: {  	v22 =	vor.u32 $0x6, v19;
	[tilespmem:v13+s8+$0x0] =	vst.idx.add.f32.msk $0xffff, v3  }
0xee: {  	v13 =	vor.u32 $0x1, v19;
	[tilespmem:v14+s8+$0x0] =	vst.idx.add.f32.msk $0xffff, v3  }
0xef: {  	v14 =	vor.u32 $0x2, v19;
	[tilespmem:v15+s8+$0x0] =	vst.idx.add.f32.msk $0xffff, v3  }
0xf0: {  	v15 =	vor.u32 $0x4, v19;
	[tilespmem:v12+s8+$0x0] =	vst.idx.add.f32.msk $0xffff, v3  }
0xf1: {  	v23 =	vld.idx.msk [tilespmem:v16+s1+$0x0], $0xffff  }
0xf2: {  	v12 =	vor.u32 $0x5, v19;
	v16 =	vld.idx.msk [tilespmem:v22+s1+$0x0], $0xffff  }
.Ltmp9:
0xf3: {  	v20 =	vld.idx.msk [tilespmem:v13+s1+$0x0], $0xffff;
	(pc) =	sbr.rel @!p1 .LBB2_15-.Ltmp9, $4  }
0xf4: {  	v17 =	vld.idx.msk [tilespmem:v14+s1+$0x0], $0xffff  }
0xf5: {  	v21 =	vld.idx.msk [tilespmem:v15+s1+$0x0], $0xffff  }
0xf6: {  	v13 =	vadd.s32 v4, v18;
	v15 =	vld.idx.msk [tilespmem:v19+s1+$0x0], $0xffff  }
0xf7: {  	v14 =	vld.idx.msk [tilespmem:v12+s1+$0x0], $0xffff;
	v12 =	vimm.f32 $1.280000000e+02;
	v28 =	vmul.f32 $6.400000000e+01, v23;
	v23 =	vadd.s32 $0x8, v27  }
0xf8: {  	v18 =	vshll.u32 v23, $0x3  }
0xf9: {  	v19 =	vand.u32 $0x78, v23;
	v18 =	vand.u32 $0xFFFFFC00, v18;
	v22 =	vadd.f32 v7, v28  }
0xfa: {  	v18 =	vor.u32 v19, v18  }
0xfb: {  	v28 =	vadd.s32 v1, v18;
	v19 =	vand.u32 $0x7FFFFF, v22  }
0xfc: {  	v22 =	vor.u32 $0x7, v28  }
0xfd: {  	v24 =	vor.u32 $0x1, v28  }
0xfe: {  	v25 =	vld.idx.msk [tilespmem:v13+s1+$0x0], $0xffff;
	v26 =	vor.u32 $0x2, v28  }
0xff: {  	v20 =	vmul.f32 $6.400000000e+01, v20;
	v16 =	vmul.f32 $6.400000000e+01, v16;
	v27 =	vor.u32 $0x4, v28  }
0x100: {  	v23 =	vadd.s32 $0x8, v23;
	v13 =	vadd.s32 v4, v18;
	v18 =	vor.u32 $0x5, v28;
	[tilespmem:v19+s8+$0x0] =	vst.idx.add.f32.msk $0xffff, v3  }
0x101: {  	v17 =	vmul.f32 $6.400000000e+01, v17;
	v21 =	vmul.f32 $6.400000000e+01, v21;
	v29 =	vadd.f32 v7, v20;
	v30 =	vld.idx.msk [tilespmem:v22+s1+$0x0], $0xffff  }
0x102: {  	p1 =	por $0x1, $0x1;
	v15 =	vmul.f32 $6.400000000e+01, v15;
	v14 =	vmul.f32 $6.400000000e+01, v14;
	v19 =	vor.u32 $0x6, v28;
	v20 =	vld.idx.msk [tilespmem:v24+s1+$0x0], $0xffff  }
.Ltmp10:
0x103: {  	v31 =	vadd.f32 v7, v21;
	v25 =	vmul.f32 $6.400000000e+01, v25;
	v22 =	vadd.f32 v7, v17;
	v17 =	vld.idx.msk [tilespmem:v26+s1+$0x0], $0xffff;
	(pc) =	sbr.rel @!p1 .LBB2_18-.Ltmp10, $4  }
0x104: {  	v15 =	vadd.f32 v7, v15;
	v32 =	vadd.f32 v7, v14;
	v24 =	vand.u32 $0x7FFFFF, v29;
	v21 =	vld.idx.msk [tilespmem:v27+s1+$0x0], $0xffff  }
0x105: {  	v16 =	vadd.f32 v7, v16;
	v29 =	vadd.f32 v7, v25;
	v14 =	vld.idx.msk [tilespmem:v18+s1+$0x0], $0xffff;
	v26 =	vand.u32 $0x7FFFFF, v22  }
0x106: {  	v27 =	vand.u32 $0x7FFFFF, v31;
	v25 =	vand.u32 $0x7FFFFF, v32;
	v18 =	vand.u32 $0x7FFFFF, v15;
	v15 =	vld.idx.msk [tilespmem:v28+s1+$0x0], $0xffff  }
0x107: {  	s13 =	simm.s32 $0x8;
	p0 =	por $0x1, $0x1;
	v22 =	vand.u32 $0x7FFFFF, v16;
	v16 =	vld.idx.msk [tilespmem:v19+s1+$0x0], $0xffff;
	v19 =	vand.u32 $0x7FFFFF, v29;
	v28 =	vmul.f32 $6.400000000e+01, v30  }
.LBB2_17:
0x108: {  	v29 =	vshll.u32 v23, $0x3;
	s13 =	sadd.s32 $0x8, s13;
	v20 =	vmul.f32 $6.400000000e+01, v20;
	v30 =	vld.idx.msk [tilespmem:v13+s1+$0x0], $0xffff  }
0x109: {  	v13 =	vand.u32 $0x78, v23;
	v29 =	vand.u32 $0xFFFFFC00, v29;
	p1 =	slt.u32 s13, $0x1F8;
	v28 =	vadd.f32 v7, v28;
	[tilespmem:v24+s8+$0x0] =	vst.idx.add.f32.msk $0xffff, v3  }
0x10a: {  	v17 =	vmul.f32 $6.400000000e+01, v17;
	v21 =	vmul.f32 $6.400000000e+01, v21;
	v13 =	vor.u32 v13, v29;
	[tilespmem:v26+s8+$0x0] =	vst.idx.add.f32.msk $0xffff, v3  }
0x10b: {  	v29 =	vadd.s32 v1, v13;
	v13 =	vadd.s32 v4, v13;
	v26 =	vand.u32 $0x7FFFFF, v28;
	[tilespmem:v27+s8+$0x0] =	vst.idx.add.f32.msk $0xffff, v3  }
0x10c: {  	v27 =	vor.u32 $0x1, v29;
	v28 =	vor.u32 $0x2, v29;
	v31 =	vor.u32 $0x7, v29;
	[tilespmem:v25+s8+$0x0] =	vst.idx.add.f32.msk $0xffff, v3  }
0x10d: {  	v32 =	vor.u32 $0x4, v29;
	v33 =	vor.u32 $0x5, v29;
	v34 =	vor.u32 $0x6, v29;
	[tilespmem:v22+s8+$0x0] =	vst.idx.add.f32.msk $0xffff, v3  }
0x10e: {  	v20 =	vadd.f32 v7, v20;
	v14 =	vmul.f32 $6.400000000e+01, v14;
	v16 =	vmul.f32 $6.400000000e+01, v16;
	[tilespmem:v18+s8+$0x0] =	vst.idx.add.f32.msk $0xffff, v3  }
0x10f: {  	v17 =	vadd.f32 v7, v17;
	v15 =	vmul.f32 $6.400000000e+01, v15;
	v18 =	vmul.f32 $6.400000000e+01, v30;
	[tilespmem:v19+s8+$0x0] =	vst.idx.add.f32.msk $0xffff, v3  }
0x110: {  	v24 =	vand.u32 $0x7FFFFF, v20;
	v14 =	vadd.f32 v7, v14;
	v19 =	vadd.f32 v7, v21;
	[tilespmem:v26+s8+$0x0] =	vst.idx.add.f32.msk $0xffff, v3  }
0x111: {  	v16 =	vadd.f32 v7, v16;
	v15 =	vadd.f32 v7, v15;
	v26 =	vand.u32 $0x7FFFFF, v17;
	v30 =	vld.idx.msk [tilespmem:v31+s1+$0x0], $0xffff  }
0x112: {  	v25 =	vand.u32 $0x7FFFFF, v14;
	v31 =	vadd.f32 v7, v18;
	v20 =	vld.idx.msk [tilespmem:v27+s1+$0x0], $0xffff;
	v27 =	vand.u32 $0x7FFFFF, v19  }
.Ltmp11:
0x113: {  	v22 =	vand.u32 $0x7FFFFF, v16;
	v18 =	vand.u32 $0x7FFFFF, v15;
	v17 =	vld.idx.msk [tilespmem:v28+s1+$0x0], $0xffff;
	(pc) =	sbr.rel @p1 .LBB2_17-.Ltmp11, $4  }
0x114: {  	v19 =	vand.u32 $0x7FFFFF, v31;
	v21 =	vld.idx.msk [tilespmem:v32+s1+$0x0], $0xffff  }
0x115: {  	v14 =	vld.idx.msk [tilespmem:v33+s1+$0x0], $0xffff  }
0x116: {  	v16 =	vld.idx.msk [tilespmem:v34+s1+$0x0], $0xffff  }
0x117: {  	v23 =	vadd.s32 $0x8, v23;
	v28 =	vmul.f32 $6.400000000e+01, v30;
	v15 =	vld.idx.msk [tilespmem:v29+s1+$0x0], $0xffff  }
.LBB2_18:
0x118: {  	_ =	sdelay $0x3  }
0x119: {  	v20 =	vmul.f32 $6.400000000e+01, v20;
	v13 =	vld.idx.msk [tilespmem:v13+s1+$0x0], $0xffff  }
0x11a: {  	[tilespmem:v24+s8+$0x0] =	vst.idx.add.f32.msk @p0 $0xffff, v3;
	v17 =	vmul.f32 $6.400000000e+01, v17;
	v23 =	vadd.f32 v7, v28  }
0x11b: {  	[tilespmem:v26+s8+$0x0] =	vst.idx.add.f32.msk @p0 $0xffff, v3;
	v21 =	vmul.f32 $6.400000000e+01, v21;
	v20 =	vadd.f32 v7, v20  }
0x11c: {  	[tilespmem:v27+s8+$0x0] =	vst.idx.add.f32.msk @p0 $0xffff, v3;
	v14 =	vmul.f32 $6.400000000e+01, v14;
	v17 =	vadd.f32 v7, v17;
	v23 =	vand.u32 $0x7FFFFF, v23  }
0x11d: {  	[tilespmem:v25+s8+$0x0] =	vst.idx.add.f32.msk @p0 $0xffff, v3;
	v21 =	vadd.f32 v7, v21;
	v16 =	vmul.f32 $6.400000000e+01, v16;
	v20 =	vand.u32 $0x7FFFFF, v20  }
0x11e: {  	[tilespmem:v22+s8+$0x0] =	vst.idx.add.f32.msk @p0 $0xffff, v3;
	v15 =	vmul.f32 $6.400000000e+01, v15;
	v14 =	vadd.f32 v7, v14;
	v17 =	vand.u32 $0x7FFFFF, v17  }
0x11f: {  	[tilespmem:v18+s8+$0x0] =	vst.idx.add.f32.msk @p0 $0xffff, v3;
	v13 =	vmul.f32 $6.400000000e+01, v13;
	v18 =	vand.u32 $0x7FFFFF, v21;
	v16 =	vadd.f32 v7, v16  }
0x120: {  	[tilespmem:v19+s8+$0x0] =	vst.idx.add.f32.msk @p0 $0xffff, v3;
	v15 =	vadd.f32 v7, v15;
	v14 =	vand.u32 $0x7FFFFF, v14  }
0x121: {  	v13 =	vadd.f32 v7, v13;
	[tilespmem:v23+s8+$0x0] =	vst.idx.add.f32.msk $0xffff, v3;
	v16 =	vand.u32 $0x7FFFFF, v16  }
0x122: {  	v15 =	vand.u32 $0x7FFFFF, v15;
	[tilespmem:v20+s8+$0x0] =	vst.idx.add.f32.msk $0xffff, v3  }
0x123: {  	v13 =	vand.u32 $0x7FFFFF, v13;
	[tilespmem:v17+s8+$0x0] =	vst.idx.add.f32.msk $0xffff, v3  }
0x124: {  	[tilespmem:v18+s8+$0x0] =	vst.idx.add.f32.msk $0xffff, v3  }
0x125: {  	[tilespmem:v14+s8+$0x0] =	vst.idx.add.f32.msk $0xffff, v3  }
0x126: {  	[tilespmem:v16+s8+$0x0] =	vst.idx.add.f32.msk $0xffff, v3  }
0x127: {  	[tilespmem:v15+s8+$0x0] =	vst.idx.add.f32.msk $0xffff, v3  }
0x128: {  	s13 =	simm.s32 $0xA030;
	[tilespmem:v13+s8+$0x0] =	vst.idx.add.f32.msk $0xffff, v3  }
0x129: {  	v13 =	vld [tilespmem:s13+$0xFFFFFF30]  }
0x12a: {  	v14 =	vld [tilespmem:s13+$0xFFFFFF20]  }
0x12b: {  	v15 =	vld [tilespmem:s13+$0xFFFFFF10]  }
0x12c: {  	v16 =	vld [tilespmem:s13+$0xFFFFFF60]  }
0x12d: {  	v17 =	vld [tilespmem:s13+$0xFFFFFF50]  }
0x12e: {  	v18 =	vld [tilespmem:s13+$0xFFFFFFA0]  }
0x12f: {  	v19 =	vld [tilespmem:s13+$0xFFFFFFD0]  }
0x130: {  	v21 =	vld [tilespmem:s13+$0xFFFFFFE0]  }
0x131: {  	v24 =	vld [tilespmem:s13+$0xFFFFFF90]  }
0x132: {  	p1 =	por $0x1, $0x1;
	v25 =	vld [tilespmem:s13+$0xFFFFFFF0]  }
.Ltmp12:
0x133: {  	v20 =	vld [tilespmem:s13+$0xFFFFFFB0];
	(pc) =	sbr.rel @!p1 .LBB2_19-.Ltmp12, $4  }
0x134: {  	v23 =	vld [tilespmem:s13+$0x0]  }
0x135: {  	v22 =	vld [tilespmem:s13+$0xFFFFFFC0];
	v14 =	vadd.f32 v14, v15;
	v15 =	vadd.f32 v21, v19  }
0x136: {  	v21 =	vld [tilespmem:s13+$0xFFFFFF70];
	v19 =	vadd.f32 v16, v17;
	v28 =	vadd.f32 v18, v24  }
0x137: {  	p0 =	por $0x0, $0x0;
	v24 =	vld [tilespmem:s13+$0xFFFFFF80];
	v17 =	vadd.f32 v13, v14;
	v13 =	vimm.f32 $0.0e+00;
	v27 =	vadd.f32 v25, v15  }
0x138: {  	v15 =	vld [tilespmem:s13+$0xFFFFFF40];
	s13 =	simm.s32 $0x9F30  }
0x139: {  	v18 =	vld [tilespmem:s13+$0xFFFFFF20]  }
0x13a: {  	v16 =	vadd.f32 v20, v28;
	v20 =	vld [tilespmem:s13+$0xFFFFFF10]  }
0x13b: {  	v14 =	vadd.f32 v23, v27;
	v26 =	vld [tilespmem:s13+$0xFFFFFFD0]  }
0x13c: {  	v23 =	vadd.f32 $-1.000000000e+00, v12;
	v28 =	vld [tilespmem:s13+$0xFFFFFFE0];
	v19 =	vadd.f32 v21, v19  }
0x13d: {  	v21 =	vadd.f32 v14, v13;
	v14 =	vadd.f32 v22, v16  }
0x13e: {  	vm1 =	veq.f32 v13, $0.0e+00;
	v25 =	vld [tilespmem:s13+$0xFFFFFF30];
	v31 =	vadd.f32 $-1.000000000e+00, v23  }
0x13f: {  	v22 =	vld [tilespmem:s13+$0xFFFFFF60];
	v16 =	vadd.f32 v24, v19;
	vm0 =	vge.f32 v21, $1.020000000e+02;
	v14 =	vadd.f32 v14, v21  }
0x140: {  	v19 =	vld [tilespmem:s13+$0xFFFFFF50];
	v15 =	vadd.f32 v15, v17;
	vm0 =	vmand vm1, vm0;
	v29 =	vadd.f32 v18, v20  }
0x141: {  	v30 =	vld [tilespmem:s13+$0xFFFFFF90];
	v28 =	vadd.f32 v28, v26;
	v27 =	vsel vm0, $0x3F800000, v13;
	v16 =	vadd.f32 v16, v14  }
0x142: {  	v32 =	vld [tilespmem:s13+$0xFFFFFFF0];
	v17 =	vsel vm0, v12, v13;
	vm1 =	vge.f32 v14, $1.020000000e+02;
	vm2 =	veq.f32 v27, $0.0e+00  }
0x143: {  	p1 =	por $0x1, $0x1;
	v24 =	vld [tilespmem:s13+$0xFFFFFFA0];
	v18 =	vsel vm0, v13, v13;
	vm0 =	vmand vm2, vm1;
	v15 =	vadd.f32 v15, v16  }
.Ltmp13:
0x144: {  	v20 =	vld [tilespmem:s13+$0xFFFFFFB0];
	vm1 =	vge.f32 v16, $1.020000000e+02;
	v33 =	vsel vm0, v23, v17;
	v27 =	vsel vm0, $0x3F800000, v27;
	(pc) =	sbr.rel @!p1 .LBB2_22-.Ltmp13, $4  }
0x145: {  	v19 =	vadd.f32 v22, v19;
	v18 =	vsel vm0, v21, v18;
	v23 =	vld [tilespmem:s13+$0x0];
	vm0 =	veq.f32 v27, $0.0e+00  }
0x146: {  	v17 =	vadd.f32 v25, v29;
	v25 =	vadd.f32 $-1.000000000e+00, v31;
	v21 =	vld [tilespmem:s13+$0xFFFFFF70];
	vm0 =	vmand vm0, vm1  }
0x147: {  	v22 =	vld [tilespmem:s13+$0xFFFFFFC0];
	vm1 =	vge.f32 v15, $1.020000000e+02;
	v26 =	vsel vm0, v31, v33;
	v29 =	vsel vm0, $0x3F800000, v27  }
0x148: {  	s14 =	simm.s32 $0x4;
	p0 =	por $0x1, $0x1;
	v27 =	vadd.f32 v32, v28;
	v28 =	vadd.f32 v24, v30;
	v24 =	vld [tilespmem:s13+$0xFFFFFF80];
	vm2 =	veq.f32 v29, $0.0e+00  }
.LBB2_21:
0x149: {  	s14 =	sadd.s32 $0x4, s14;
	v30 =	vld [tilespmem:s13+$0xFFFFFF40];
	s13 =	sadd.s32 $0xFFFFFF00, s13;
	v14 =	vsel vm0, v14, v18  }
0x14a: {  	vm0 =	vmand vm2, vm1;
	v31 =	vld [tilespmem:s13+$0xFFFFFF30];
	p1 =	slt.u32 s14, $0x7C;
	v18 =	vadd.f32 v23, v27;
	v20 =	vadd.f32 v20, v28  }
0x14b: {  	v27 =	vadd.f32 $-1.000000000e+00, v25;
	v23 =	vld [tilespmem:s13+$0xFFFFFF20];
	v19 =	vadd.f32 v21, v19;
	v21 =	vsel vm0, $0x3F800000, v29  }
0x14c: {  	v28 =	vld [tilespmem:s13+$0xFFFFFF10];
	v18 =	vadd.f32 v18, v15;
	v20 =	vadd.f32 v22, v20;
	v22 =	vsel vm0, v25, v26  }
0x14d: {  	v25 =	vld [tilespmem:s13+$0xFFFFFF60];
	v19 =	vadd.f32 v24, v19;
	v24 =	vsel vm0, v16, v14  }
0x14e: {  	vm1 =	veq.f32 v21, $0.0e+00;
	v26 =	vld [tilespmem:s13+$0xFFFFFF50];
	vm0 =	vge.f32 v18, $1.020000000e+02;
	v14 =	vadd.f32 v20, v18  }
0x14f: {  	v20 =	vadd.f32 $-1.000000000e+00, v27;
	v17 =	vadd.f32 v30, v17;
	v32 =	vld [tilespmem:s13+$0xFFFFFFA0];
	vm0 =	vmand vm1, vm0  }
0x150: {  	v29 =	vld [tilespmem:s13+$0xFFFFFFD0];
	v22 =	vsel vm0, v27, v22;
	v21 =	vsel vm0, $0x3F800000, v21;
	vm1 =	vge.f32 v14, $1.020000000e+02  }
0x151: {  	v16 =	vadd.f32 v19, v14;
	v27 =	vld [tilespmem:s13+$0xFFFFFFE0];
	v28 =	vadd.f32 v23, v28;
	vm2 =	veq.f32 v21, $0.0e+00  }
0x152: {  	v23 =	vsel vm0, v15, v24;
	v24 =	vadd.f32 $-1.000000000e+00, v20;
	v30 =	vld [tilespmem:s13+$0xFFFFFF90];
	vm0 =	vmand vm2, vm1  }
0x153: {  	v15 =	vadd.f32 v17, v16;
	v33 =	vld [tilespmem:s13+$0xFFFFFFF0];
	v34 =	vsel vm0, v20, v22;
	v35 =	vsel vm0, $0x3F800000, v21  }
.Ltmp14:
0x154: {  	v19 =	vadd.f32 v25, v26;
	v18 =	vsel vm0, v18, v23;
	v20 =	vld [tilespmem:s13+$0xFFFFFFB0];
	vm0 =	veq.f32 v35, $0.0e+00;
	(pc) =	sbr.rel @p1 .LBB2_21-.Ltmp14, $4  }
0x155: {  	vm1 =	vge.f32 v16, $1.020000000e+02;
	v17 =	vadd.f32 v31, v28;
	v25 =	vadd.f32 $-1.000000000e+00, v24;
	v23 =	vld [tilespmem:s13+$0x0]  }
0x156: {  	vm0 =	vmand vm0, vm1;
	v27 =	vadd.f32 v27, v29;
	v21 =	vld [tilespmem:s13+$0xFFFFFF70]  }
0x157: {  	vm1 =	vge.f32 v15, $1.020000000e+02;
	v26 =	vsel vm0, v24, v34;
	v29 =	vsel vm0, $0x3F800000, v35;
	v22 =	vld [tilespmem:s13+$0xFFFFFFC0]  }
0x158: {  	v28 =	vadd.f32 v32, v30;
	vm2 =	veq.f32 v29, $0.0e+00;
	v27 =	vadd.f32 v33, v27;
	v24 =	vld [tilespmem:s13+$0xFFFFFF80]  }
.LBB2_22:
0x159: {  	_ = 	snop  }
0x15a: {  	v23 =	vadd.f32 v23, v27  }
0x15b: {  	vm1 =	vmand @p0 vm2, vm1;
	v20 =	vadd.f32 v20, v28  }
0x15c: {  	v27 =	vsel @p0 vm1, $0x3F800000, v29;
	v28 =	vld [tilespmem:$0x8000];
	v23 =	vadd.f32 v23, v15  }
0x15d: {  	v19 =	vadd.f32 v21, v19;
	v21 =	vpsel p0, v27, v13;
	v20 =	vadd.f32 v22, v20;
	v22 =	vld [tilespmem:$0x8010]  }
0x15e: {  	v29 =	vadd.f32 @p0 $-1.000000000e+00, v25;
	v27 =	vld [tilespmem:s13+$0xFFFFFF40];
	vm3 =	veq.f32 v21, $0.0e+00;
	vm2 =	vge.f32 v23, $1.020000000e+02  }
0x15f: {  	v25 =	vsel @p0 vm1, v25, v26;
	v26 =	vld [tilespmem:$0x8020];
	v20 =	vadd.f32 v20, v23;
	vm2 =	vmand vm3, vm2  }
0x160: {  	v25 =	vpsel p0, v25, v13;
	v19 =	vadd.f32 v24, v19;
	v21 =	vsel vm2, $0x3F800000, v21  }
0x161: {  	v12 =	vpsel p0, v29, v12;
	v29 =	vld [tilespmem:$0x8030];
	vm3 =	vge.f32 v20, $1.020000000e+02;
	vm4 =	veq.f32 v21, $0.0e+00  }
0x162: {  	v19 =	vadd.f32 v19, v20;
	v22 =	vadd.f32 v22, v28;
	vm3 =	vmand vm4, vm3  }
0x163: {  	v24 =	vadd.f32 $-1.000000000e+00, v12;
	v17 =	vadd.f32 v27, v17;
	v21 =	vsel vm3, $0x3F800000, v21  }
0x164: {  	vm5 =	vge.f32 v19, $1.020000000e+02;
	v22 =	vadd.f32 v26, v22;
	vm4 =	veq.f32 v21, $0.0e+00  }
0x165: {  	v12 =	vsel vm2, v12, v25;
	v17 =	vadd.f32 v17, v19;
	vm4 =	vmand vm4, vm5  }
0x166: {  	v25 =	vadd.f32 $-1.000000000e+00, v24;
	v22 =	vadd.f32 v29, v22;
	v21 =	vsel vm4, $0x3F800000, v21  }
0x167: {  	v12 =	vsel vm3, v24, v12;
	vm5 =	vge.f32 v17, $1.020000000e+02;
	vm6 =	veq.f32 v21, $0.0e+00  }
0x168: {  	v24 =	vadd.f32 $-1.000000000e+00, v25;
	v22 =	vadd.f32 v22, v17;
	vm5 =	vmand vm6, vm5  }
0x169: {  	v12 =	vsel vm4, v25, v12;
	v21 =	vsel vm5, $0x3F800000, v21  }
0x16a: {  	v25 =	vadd.f32 $-1.000000000e+00, v24;
	vm6 =	vge.f32 v22, $1.020000000e+02;
	vm7 =	veq.f32 v21, $0.0e+00  }
0x16b: {  	v12 =	vsel vm5, v24, v12;
	vm6 =	vmand vm7, vm6  }
0x16c: {  	v12 =	vsel vm6, v25, v12  }
0x16d: {  	v21 =	vadd.f32 $8.388608000e+06, v12;
	_ =	sdelay $0x1  }
0x16e: {  	v21 =	vshll.u32 v21, $0x6  }
0x16f: {  	v22 =	vor.u32 v8, v21  }
0x170: {  	v24 =	vor.u32 v9, v21;
	v22 =	vand.u32 $0x1FFFFFCF, v22  }
0x171: {  	v24 =	vand.u32 $0x1FFFFFDF, v24  }
0x172: {  	v21 =	vor.u32 v10, v21  }
0x173: {  	v21 =	vand.u32 $0x1FFFFFEF, v21;
	_ =	sdelay $0x1  }
0x174: {  	v14 =	vsel @p0 vm0, v14, v18;
	v18 =	vld.idx.msk [tilespmem:v22+s8+$0x0], $0xffff  }
0x175: {  	v14 =	vsel @p0 vm1, v16, v14;
	v16 =	vld.idx.msk [tilespmem:v24+s8+$0x0], $0xffff  }
0x176: {  	v14 =	vpsel p0, v14, v13  }
0x177: {  	v14 =	vsel vm2, v15, v14;
	v15 =	vld.idx.msk [tilespmem:v21+s8+$0x0], $0xffff  }
0x178: {  	v14 =	vsel vm3, v23, v14  }
0x179: {  	v14 =	vsel vm4, v20, v14  }
0x17a: {  	v14 =	vsel vm5, v19, v14;
	v16 =	vadd.f32 v16, v18  }
0x17b: {  	v14 =	vsel vm6, v17, v14  }
0x17c: {  	v14 =	vsub.f32 $1.020000000e+02, v14;
	v17 =	vadd.f32 v15, v16;
	_ =	sdelay $0x1  }
0x17d: {  	vm0 =	vge.f32 v17, v14  }
0x17e: {  	vm1 =	vge.f32 v16, v14;
	v15 =	vsel vm0, $0x44800000, v11  }
0x17f: {  	vm2 =	vge.f32 v18, v14;
	v15 =	vsel vm1, $0x44000000, v15  }
0x180: {  	v15 =	vsel vm2, $0x0, v15  }
0x181: {  	v16 =	vsel vm0, v16, v17;
	v19 =	vadd.f32 $8.388608000e+06, v15  }
0x182: {  	v16 =	vsel vm1, v18, v16  }
0x183: {  	v12 =	vadd.f32 $-6.400000000e+01, v12;
	v16 =	vsel vm2, $0x0, v16;
	v24 =	vand.u32 $0x7FFFFF, v19  }
0x184: {  	v14 =	vsub.f32 v14, v16;
	v17 =	vshll.u32 v24, $0x3;
	v16 =	vand.u32 $0x7F, v24  }
0x185: {  	v18 =	vadd.s32 $0x2, v24;
	v19 =	vadd.s32 $0x1, v24;
	v21 =	vadd.s32 $0x6, v24  }
0x186: {  	v22 =	vadd.s32 $0x4, v24;
	v17 =	vand.u32 $0xFFFFFC00, v17;
	v20 =	vand.u32 $0x7F, v19  }
0x187: {  	v19 =	vshll.u32 v19, $0x3;
	v23 =	vshll.u32 v18, $0x3;
	v25 =	vshll.u32 v22, $0x3  }
0x188: {  	v22 =	vand.u32 $0x7F, v22;
	v18 =	vand.u32 $0x7F, v18;
	v16 =	vor.u32 v16, v17  }
0x189: {  	v19 =	vand.u32 $0xFFFFFC00, v19;
	v25 =	vand.u32 $0xFFFFFC00, v25;
	v16 =	vadd.s32 v1, v16  }
0x18a: {  	v23 =	vand.u32 $0xFFFFFC00, v23;
	v22 =	vor.u32 v22, v25;
	v25 =	vshll.u32 v21, $0x3  }
0x18b: {  	v21 =	vand.u32 $0x7F, v21;
	v27 =	vadd.s32 v1, v22;
	v22 =	vand.u32 $0xFFFFFC00, v25  }
0x18c: {  	v19 =	vor.u32 v20, v19;
	v21 =	vor.u32 v21, v22;
	v22 =	vadd.f32 $1.000000000e+00, v15  }
0x18d: {  	v17 =	vadd.s32 $0x7, v24;
	v18 =	vor.u32 v18, v23;
	v19 =	vadd.s32 v1, v19  }
0x18e: {  	v20 =	vadd.s32 v1, v21;
	v21 =	vadd.f32 $1.000000000e+00, v22;
	v23 =	vld.idx.msk [tilespmem:v16+s1+$0x0], $0xffff;
	v16 =	vshll.u32 v17, $0x3  }
0x18f: {  	v18 =	vadd.s32 v1, v18;
	v17 =	vand.u32 $0x7F, v17;
	v16 =	vand.u32 $0xFFFFFC00, v16  }
0x190: {  	v28 =	vadd.s32 $0x5, v24;
	v17 =	vor.u32 v17, v16;
	v16 =	vadd.f32 $1.000000000e+00, v21  }
0x191: {  	v26 =	vadd.s32 $0x3, v24;
	v30 =	vshll.u32 v28, $0x3;
	v27 =	vld.idx.msk [tilespmem:v27+s1+$0x0], $0xffff;
	v29 =	vadd.s32 v1, v17  }
0x192: {  	v28 =	vand.u32 $0x7F, v28;
	v25 =	vshll.u32 v26, $0x3;
	v31 =	vld.idx.msk [tilespmem:v19+s1+$0x0], $0xffff;
	v17 =	vadd.f32 $1.000000000e+00, v16  }
0x193: {  	v30 =	vand.u32 $0xFFFFFC00, v30;
	v26 =	vand.u32 $0x7F, v26;
	v25 =	vand.u32 $0xFFFFFC00, v25;
	v20 =	vld.idx.msk [tilespmem:v20+s1+$0x0], $0xffff  }
0x194: {  	vm2 =	veq.f32 v23, v12;
	v23 =	vor.u32 v26, v25;
	v26 =	vld.idx.msk [tilespmem:v18+s1+$0x0], $0xffff;
	v18 =	vadd.f32 $1.000000000e+00, v17  }
0x195: {  	v19 =	vsel vm2, $0x3F800000, v0;
	v32 =	vadd.s32 v1, v23;
	v23 =	vor.u32 v28, v30  }
0x196: {  	v28 =	vadd.s32 v1, v23;
	v33 =	vadd.f32 v19, v13;
	v19 =	vadd.f32 $1.000000000e+00, v18;
	v34 =	vld.idx.msk [tilespmem:v29+s1+$0x0], $0xffff  }
0x197: {  	v24 =	vadd.s32 $0x8, v24;
	vm1 =	veq.f32 v27, v12;
	vm4 =	veq.f32 v31, v12  }
0x198: {  	v25 =	vsel vm1, $0x3F800000, v0;
	vm0 =	veq.f32 v20, v12;
	v20 =	vadd.f32 $1.000000000e+00, v19  }
0x199: {  	v29 =	vsel vm4, $0x3F800000, v0;
	v23 =	vsel vm0, $0x3F800000, v0;
	vm3 =	veq.f32 v33, v14  }
0x19a: {  	vm5 =	vmand vm2, vm3;
	vm3 =	veq.f32 v26, v12;
	v27 =	vld.idx.msk [tilespmem:v32+s1+$0x0], $0xffff;
	v26 =	vadd.f32 $1.000000000e+00, v20  }
0x19b: {  	s13 =	simm.s32 $0x0;
	v29 =	vadd.f32 v29, v33;
	v30 =	vsel vm3, $0x3F800000, v0;
	v28 =	vld.idx.msk [tilespmem:v28+s1+$0x0], $0xffff;
	vm2 =	veq.f32 v34, v12  }
.LBB2_23:
0x19c: {  	v31 =	vadd.s32 $0x2, v24;
	v32 =	vadd.s32 $0x7, v24;
	s13 =	sadd.s32 $0x8, s13;
	v13 =	vsel vm5, v15, v13;
	v15 =	vmovc v26  }
0x19d: {  	v33 =	vand.u32 $0x7F, v24;
	v34 =	vshll.u32 v24, $0x3;
	v30 =	vadd.f32 v30, v29;
	p0 =	slt.u32 s13, $0x1F8  }
0x19e: {  	v35 =	vadd.s32 $0x1, v24;
	vm5 =	veq.f32 v29, v14;
	v34 =	vand.u32 $0xFFFFFC00, v34  }
0x19f: {  	vm4 =	vmand vm4, vm5;
	v29 =	vor.u32 v33, v34;
	v33 =	vand.u32 $0x7F, v35  }
0x1a0: {  	v34 =	vshll.u32 v35, $0x3;
	v35 =	vadd.s32 $0x6, v24;
	v29 =	vadd.s32 v1, v29  }
0x1a1: {  	v36 =	vshll.u32 v31, $0x3;
	v13 =	vsel vm4, v22, v13;
	v34 =	vand.u32 $0xFFFFFC00, v34  }
0x1a2: {  	vm5 =	veq.f32 v27, v12;
	v22 =	vand.u32 $0xFFFFFC00, v36;
	v36 =	vadd.s32 $0x3, v24  }
0x1a3: {  	v37 =	vadd.s32 $0x4, v24;
	v27 =	vand.u32 $0x7F, v31;
	v31 =	vshll.u32 v36, $0x3  }
0x1a4: {  	v38 =	vand.u32 $0x7F, v37;
	v31 =	vand.u32 $0xFFFFFC00, v31;
	vm4 =	veq.f32 v28, v12  }
0x1a5: {  	v28 =	vld.idx.msk [tilespmem:v29+s1+$0x0], $0xffff;
	v29 =	vand.u32 $0x7F, v36;
	v36 =	vshll.u32 v37, $0x3;
	v37 =	vsel vm4, $0x3F800000, v0  }
0x1a6: {  	v33 =	vor.u32 v33, v34;
	v34 =	vand.u32 $0xFFFFFC00, v36;
	v36 =	vadd.s32 $0x5, v24  }
0x1a7: {  	v39 =	vsel vm5, $0x3F800000, v0;
	v34 =	vor.u32 v38, v34;
	v38 =	vshll.u32 v36, $0x3  }
0x1a8: {  	vm6 =	veq.f32 v30, v14;
	v34 =	vadd.s32 v1, v34;
	v38 =	vand.u32 $0xFFFFFC00, v38  }
0x1a9: {  	v40 =	vshll.u32 v35, $0x3;
	vm6 =	vmand vm3, vm6;
	v36 =	vand.u32 $0x7F, v36  }
0x1aa: {  	v22 =	vor.u32 v27, v22;
	v27 =	vand.u32 $0x7F, v35;
	v35 =	vand.u32 $0xFFFFFC00, v40  }
0x1ab: {  	v13 =	vsel vm6, v21, v13;
	v27 =	vor.u32 v27, v35;
	vm3 =	veq.f32 v28, v12  }
0x1ac: {  	v21 =	vadd.f32 v39, v30;
	v27 =	vadd.s32 v1, v27;
	v28 =	vsel vm3, $0x3F800000, v0  }
0x1ad: {  	v30 =	vadd.s32 v1, v22;
	v39 =	vsel vm2, $0x3F800000, v0;
	v35 =	vshll.u32 v32, $0x3;
	v34 =	vld.idx.msk [tilespmem:v34+s1+$0x0], $0xffff  }
0x1ae: {  	v22 =	vadd.f32 $1.000000000e+00, v26;
	v26 =	vand.u32 $0x7F, v32;
	v25 =	vadd.f32 v25, v21  }
0x1af: {  	v32 =	vadd.s32 v1, v33;
	vm6 =	veq.f32 v21, v14;
	v29 =	vor.u32 v29, v31  }
0x1b0: {  	v21 =	vadd.f32 $1.000000000e+00, v22;
	vm7 =	veq.f32 v25, v14;
	v31 =	vand.u32 $0xFFFFFC00, v35  }
0x1b1: {  	v25 =	vadd.f32 v37, v25;
	v29 =	vadd.s32 v1, v29;
	v26 =	vor.u32 v26, v31;
	v27 =	vld.idx.msk [tilespmem:v27+s1+$0x0], $0xffff  }
0x1b2: {  	vm5 =	vmand vm5, vm6;
	v31 =	vadd.f32 $1.000000000e+00, v21;
	v26 =	vadd.s32 v1, v26  }
0x1b3: {  	vm6 =	vmand vm1, vm7;
	v23 =	vadd.f32 v23, v25;
	v33 =	vor.u32 v36, v38  }
0x1b4: {  	v13 =	vsel vm5, v16, v13;
	v35 =	vadd.f32 $1.000000000e+00, v31;
	v16 =	vmovc v31;
	vm1 =	veq.f32 v34, v12;
	v32 =	vld.idx.msk [tilespmem:v32+s1+$0x0], $0xffff  }
0x1b5: {  	v31 =	vadd.s32 v1, v33;
	vm5 =	veq.f32 v23, v14;
	v23 =	vadd.f32 v39, v23;
	v30 =	vld.idx.msk [tilespmem:v30+s1+$0x0], $0xffff  }
0x1b6: {  	vm7 =	veq.f32 v25, v14;
	v33 =	vadd.f32 $1.000000000e+00, v35;
	vm8 =	vmand vm0, vm5  }
0x1b7: {  	vm5 =	veq.f32 v23, v14;
	v25 =	vsel vm1, $0x3F800000, v0;
	vm0 =	veq.f32 v27, v12  }
0x1b8: {  	v28 =	vadd.f32 v28, v23;
	v34 =	vadd.f32 $1.000000000e+00, v33;
	v23 =	vsel vm0, $0x3F800000, v0;
	v36 =	vld.idx.msk [tilespmem:v26+s1+$0x0], $0xffff  }
0x1b9: {  	v13 =	vsel vm6, v17, v13;
	vm6 =	vmand vm4, vm7;
	v17 =	vmovc v35;
	vm7 =	vmand vm2, vm5;
	v27 =	vld.idx.msk [tilespmem:v29+s1+$0x0], $0xffff  }
.Ltmp15:
0x1ba: {  	vm2 =	veq.f32 v28, v14;
	vm4 =	veq.f32 v32, v12;
	v32 =	vadd.f32 $1.000000000e+00, v34;
	(pc) =	sbr.rel @p0 .LBB2_23-.Ltmp15, $4  }
0x1bb: {  	v13 =	vsel vm6, v18, v13;
	v18 =	vmovc v33;
	vm5 =	vmand vm3, vm2;
	vm3 =	veq.f32 v30, v12  }
0x1bc: {  	v29 =	vsel vm4, $0x3F800000, v0;
	v30 =	vsel vm3, $0x3F800000, v0;
	v26 =	vadd.f32 $1.000000000e+00, v32  }
0x1bd: {  	v13 =	vsel vm8, v19, v13;
	v19 =	vmov v34;
	v29 =	vadd.f32 v29, v28  }
0x1be: {  	v24 =	vadd.s32 $0x8, v24;
	v13 =	vsel vm7, v20, v13;
	v20 =	vmovc v32;
	vm2 =	veq.f32 v36, v12;
	v28 =	vld.idx.msk [tilespmem:v31+s1+$0x0], $0xffff  }
0x1bf: {  	v24 =	vadd.f32 v30, v29;
	vm6 =	veq.f32 v27, v12  }
0x1c0: {  	v26 =	vsel vm6, $0x3F800000, v0  }
0x1c1: {  	v26 =	vadd.f32 v26, v24;
	_ =	sdelay $0x1  }
0x1c2: {  	vm7 =	veq.f32 v28, v12;
	v57 =	vadd.f32 v25, v26  }
0x1c3: {  	v13 =	vsel vm5, v15, v13;
	vm15 =	veq.f32 v29, v14;
	v58 =	vsel vm7, $0x3F800000, v0  }
0x1c4: {  	vm4 =	vmand vm4, vm15;
	vm8 =	veq.f32 v24, v14;
	v59 =	vadd.f32 v58, v57  }
0x1c5: {  	v13 =	vsel vm4, v22, v13;
	vm3 =	vmand vm3, vm8;
	vm9 =	veq.f32 v26, v14  }
0x1c6: {  	v13 =	vsel vm3, v21, v13;
	vm3 =	vmand vm6, vm9;
	v60 =	vadd.f32 v23, v59  }
0x1c7: {  	v61 =	vsel vm2, $0x3F800000, v0;
	vm10 =	veq.f32 v57, v14;
	v13 =	vsel vm3, v16, v13  }
0x1c8: {  	vm1 =	vmand vm1, vm10;
	vm11 =	veq.f32 v59, v14;
	v62 =	vadd.f32 v61, v60  }
0x1c9: {  	v13 =	vsel vm1, v17, v13;
	vm13 =	vmand vm7, vm11;
	vm12 =	veq.f32 v60, v14  }
0x1ca: {  	v13 =	vsel vm13, v18, v13;
	vm0 =	vmand vm0, vm12;
	vm14 =	veq.f32 v62, v14  }
0x1cb: {  	v13 =	vsel vm0, v19, v13;
	vm15 =	vmand vm2, vm14  }
0x1cc: {  	v13 =	vsel vm15, v20, v13  }
0x1cd: {  	v63 =	vmul.f32 $2.048000000e+03, v12;
	v13 =	vsub.f32 $2.047000000e+03, v13;
	_ =	sdelay $0x1  }
0x1ce: {  	v12 =	vadd.f32 v13, v63  }
0x1cf: {  	s12 =	sshrl.u32 s12, $0x3;
	s11 =	sadd.s32 $0x1, s11  }
0x1d0: {  	s12 =	sadd.s32 s3, s12;
	p0 =	sne.s32 s11, $0x18;
	[tilespmem:$0xA080] =	vst v12  }
0x1d1: {  	[hbm4b:s12+s1] =	stream.linear.scatter [tilespmem:s9], [sflag:$0x1], $0x10, $0x38;
	[tilespmem:$0xA100] =	vst v63  }
.Ltmp16:
0x1d2: {  	_ = 	snop;
	(pc) =	sbr.rel @p0 .LBB2_2-.Ltmp16, $4  }
.Ltmp17:
0x1d3: {  	_ = 	snop;
	(pc) =	sbr.rel @!p0 .LBB2_25-.Ltmp17, $4  }
0x1d4: {  	_ =	swait.ge [sflag:s7], $0x10  }
0x1d5: {  	[sflag:s7] =	ssyncset.done $0x0  }
0x1d6: {  	[sflag:s7] =	ssyncadd.s32 $0xFFFFFFF0  }
0x1d7: {  	_ = 	snop  }
.LBB2_11:
.Ltmp18:
0x1d8: {  	(pc) =	sbr.rel .LBB2_14-.Ltmp18, $2  }
0x1d9: {  	_ =	sdelay $0x2  }
0x1da: {  	p2 =	por $0x0, $0x0  }
.LBB2_15:
.Ltmp19:
0x1db: {  	(pc) =	sbr.rel .LBB2_18-.Ltmp19, $2  }
0x1dc: {  	_ =	sdelay $0x2  }
0x1dd: {  	_ = 	snop  }
.LBB2_19:
.Ltmp20:
0x1de: {  	(pc) =	sbr.rel .LBB2_22-.Ltmp20, $2  }
0x1df: {  	_ =	sdelay $0x2  }
0x1e0: {  	v15 =	vimm.f32 $0.0e+00  }
.LBB2_26:
0x1e1: {  	_ =	sfence.sel $0x180000  }
0x1e2: {  	[bflag:$0x0] =	sbarrier.arrive $0xFFFF  }
0x1e3: {  	p0 =	sne.s32 s4, $0x0;
	_ =	strace $0x9000004A  }
0x1e4: {  	s0 =	sadd.s32 @!p0 $0x100000, s0;
	[bflag:$0x2] =	sbarrier.arrive $0xFFFF  }
0x1e5: {  	[sflag:s0] =	ssyncadd.tile.s32 @!p0 $0x1;
	_ =	shalt  }
.Lfunc_end2:
_tile_overlayer_lowered:
.L_overlay_start_2:
0x1e6: {  	(tag) =	ssettag $0x2  }
0x1e7: {  	s0 =	rddreg [dreg:$0x0];
	s2 =	stileid.u32  }
0x1e8: {  	s1 =	rddreg [dreg:$0x1];
	p0 =	sne.s32 s2, $0x0  }
0x1e9: {  	s3 =	rddreg [dreg:$0x2];
	[bflag:$0x3] =	sbarrier.arrive $0xFFFF;
	s2 =	simm.s32 @!p0 $0x1C01  }
0x1ea: {  	[timem:s3], [sflag:s2] =	dma.local @!p0 [hbm:s0], s1  }
0x1eb: {  	s0 =	simm.s32 @!p0 $0x1  }
0x1ec: {  	_ =	swait.ge @!p0 [sflag:s0], s1  }
0x1ed: {  	s1 =	ssub.s32 @!p0 $0x0, s1;
	[sflag:s0] =	ssyncset.done @!p0 $0x0  }
0x1ee: {  	[sflag:s0] =	ssyncadd.s32 @!p0 s1  }
0x1ef: {  	[bflag:$0x3] =	sbarrier.arrive $0xFFFF  }
0x1f0: {  	_ =	shalt  }

</sc_bundles>
